<compile_context>
chip_gen: v7x
topology: tpu7x:2x2x1
jax: 0.10.2.dev20260603
libtpu: 0.0.44.dev20260713+nightly
codegen_flags: <defaults>
</compile_context>

<pallas_src>
import functools

import jax
import jax.numpy as jnp
from jax import lax
from jax.experimental import pallas as pl
from jax.experimental.pallas import tpu as pltpu
from jax.experimental.pallas import tpu_sc as plsc

N_NODES = 10000
N_EDGES = 320000
D_IN = 128
HID = 256
N_CLS = 40
W_PAD = 48

N_PAD = 10240

NC = 2
NS = 16
NW = NC * NS
EROW = 128
ROWS_E = N_EDGES // EROW
ROWS_PAD = 2560
E_PAD = ROWS_PAD * EROW
RPT = ROWS_PAD // NW
NB = 3
TILE_ROWS = N_PAD // NS


IDXC = 40


def _make_prop(width, gather):
  nb = 4
  mesh = plsc.VectorSubcoreMesh(
      core_axis_name="c", subcore_axis_name="s", num_cores=NC, num_subcores=NS)

  if gather:
    @functools.partial(
        pl.kernel,
        out_type=jax.ShapeDtypeStruct((NC, N_PAD, width), jnp.float32),
        mesh=mesh,
        scratch_types=[
            pltpu.VMEM((EROW,), jnp.int32),
            pltpu.VMEM((EROW,), jnp.int32),
            pltpu.VMEM((EROW, width), jnp.float32),
            pltpu.VMEM_SHARED((N_PAD, width), jnp.float32),
            pltpu.SemaphoreType.DMA,
        ],
        compiler_params=pltpu.CompilerParams(use_tc_tiling_on_sc=False),
    )
    def prop(x_hbm, src_hbm, dst_hbm, zeros_hbm, out_hbm, idx_s, idx_d, rows,
             acc, sem):
      c = lax.axis_index("c")
      s = lax.axis_index("s")
      wid = s * NC + c
      pltpu.sync_copy(zeros_hbm.at[pl.ds(s * TILE_ROWS, TILE_ROWS)],
                      acc.at[pl.ds(s * TILE_ROWS, TILE_ROWS)])
      plsc.subcore_barrier()
      start = wid * ROWS_E // NW
      stop = (wid + 1) * ROWS_E // NW

      def body(r, carry):
        pltpu.sync_copy(src_hbm.at[pl.ds(r * EROW, EROW)], idx_s)
        pltpu.sync_copy(dst_hbm.at[pl.ds(r * EROW, EROW)], idx_d)
        pltpu.async_copy(x_hbm.at[idx_s], rows, sem).wait()
        pltpu.sync_copy(rows, acc.at[idx_d], add=True)
        return carry

      lax.fori_loop(start, stop, body, 0)
      plsc.subcore_barrier()
      pltpu.sync_copy(acc.at[pl.ds(s * TILE_ROWS, TILE_ROWS)],
                      out_hbm.at[c, pl.ds(s * TILE_ROWS, TILE_ROWS)])

    return prop

  @functools.partial(
      pl.kernel,
      out_type=jax.ShapeDtypeStruct((NC, N_PAD, width), jnp.float32),
      mesh=mesh,
      scratch_types=[
          pltpu.VMEM((IDXC, EROW), jnp.int32),
          pltpu.VMEM((EROW, width), jnp.float32),
          pltpu.VMEM_SHARED((N_PAD, width), jnp.float32),
          pltpu.SemaphoreType.DMA((nb,)),
      ],
      compiler_params=pltpu.CompilerParams(use_tc_tiling_on_sc=False),
  )
  def deg(x_hbm, dst_hbm, zeros_hbm, out_hbm, idx_d, rows, acc, ssem):
    c = lax.axis_index("c")
    s = lax.axis_index("s")
    wid = s * NC + c
    pltpu.sync_copy(zeros_hbm.at[pl.ds(s * TILE_ROWS, TILE_ROWS)],
                    acc.at[pl.ds(s * TILE_ROWS, TILE_ROWS)])
    pltpu.sync_copy(x_hbm, rows)
    plsc.subcore_barrier()
    base = wid * RPT

    for phase in range(RPT // IDXC):
      pltpu.sync_copy(dst_hbm.at[pl.ds(base + phase * IDXC, IDXC)], idx_d)

      @pl.loop(0, IDXC, step=nb)
      def _(r0):
        for b in range(nb):
          pltpu.async_copy(
              rows, acc.at[idx_d.at[r0 + b]], ssem.at[b], add=True)
        for b in range(nb):
          pltpu.make_async_copy(rows, acc.at[idx_d.at[0]], ssem.at[b]).wait()

    plsc.subcore_barrier()
    pltpu.sync_copy(acc.at[pl.ds(s * TILE_ROWS, TILE_ROWS)],
                    out_hbm.at[c, pl.ds(s * TILE_ROWS, TILE_ROWS)])

  return deg


_prop = functools.lru_cache(maxsize=None)(_make_prop)


def _dinv_body(p_ref, o_ref):
  deg = jnp.sum(p_ref[...], axis=0, keepdims=True)
  o_ref[...] = lax.rsqrt(jnp.maximum(deg, 1.0))


def _pre_body(feat_ref, dinv_ref, w1a_ref, b1_ref, xs_ref, z1_ref):
  f = feat_ref[...]
  xs_ref[...] = f * dinv_ref[...]
  z1_ref[...] = (
      jnp.dot(f, w1a_ref[...], preferred_element_type=jnp.float32)
      + b1_ref[...])


def _mid_body(z1_ref, a0_ref, a1_ref, dinv_ref, w1b_ref, w2_ref, b2_ref,
              y2a_ref, y2b_ref):
  d = dinv_ref[...]
  agg = (a0_ref[0] + a1_ref[0]) * d
  h = jnp.maximum(
      z1_ref[...]
      - jnp.dot(agg, w1b_ref[...], preferred_element_type=jnp.float32), 0.0)
  y = jnp.dot(h, w2_ref[...], preferred_element_type=jnp.float32)
  y2a_ref[...] = y[:, :N_CLS] + b2_ref[...]
  yb = y[:, N_CLS:] * d
  pad = jnp.zeros((yb.shape[0], W_PAD - N_CLS), jnp.float32)
  y2b_ref[...] = jnp.concatenate([yb, pad], axis=1)


def _fin_body(y2a_ref, q0_ref, q1_ref, dinv_ref, o_ref):
  q = (q0_ref[0] + q1_ref[0])[:, :N_CLS]
  o = y2a_ref[...] - q * dinv_ref[...]
  m = jnp.max(o, axis=1, keepdims=True)
  lse = jnp.log(jnp.sum(jnp.exp(o - m), axis=1, keepdims=True)) + m
  o_ref[...] = o - lse


_R = 1000
_GRID = (N_NODES // _R,)


def _rows(w):
  return pl.BlockSpec((_R, w), lambda i: (i, 0))


def _full(a, b):
  return pl.BlockSpec((a, b), lambda i: (0, 0))


def _part(w, k):
  return pl.BlockSpec((1, _R, w), lambda i, _k=k: (_k, i, 0))


_dinv_call = pl.pallas_call(
    _dinv_body,
    out_shape=jax.ShapeDtypeStruct((1, N_NODES), jnp.float32),
)

_pre_call = pl.pallas_call(
    _pre_body,
    grid=_GRID,
    in_specs=[_rows(D_IN), _rows(1), _full(D_IN, HID), _full(1, HID)],
    out_specs=[_rows(D_IN), _rows(HID)],
    out_shape=[
        jax.ShapeDtypeStruct((N_NODES, D_IN), jnp.float32),
        jax.ShapeDtypeStruct((N_NODES, HID), jnp.float32),
    ],
)

_mid_call = pl.pallas_call(
    _mid_body,
    grid=_GRID,
    in_specs=[
        _rows(HID), _part(D_IN, 0), _part(D_IN, 1), _rows(1),
        _full(D_IN, HID), _full(HID, 2 * N_CLS), _full(1, N_CLS),
    ],
    out_specs=[_rows(N_CLS), _rows(W_PAD)],
    out_shape=[
        jax.ShapeDtypeStruct((N_NODES, N_CLS), jnp.float32),
        jax.ShapeDtypeStruct((N_NODES, W_PAD), jnp.float32),
    ],
)

_fin_call = pl.pallas_call(
    _fin_body,
    grid=_GRID,
    in_specs=[_rows(N_CLS), _part(W_PAD, 0), _part(W_PAD, 1), _rows(1)],
    out_specs=_rows(N_CLS),
    out_shape=jax.ShapeDtypeStruct((N_NODES, N_CLS), jnp.float32),
)


@jax.jit
def kernel(feat, edge_index, W1, b1, W2, b2):
  src = edge_index[0]
  dst = edge_index[1]
  n_pad_e = E_PAD - N_EDGES
  pad_dst = N_NODES + jnp.arange(n_pad_e, dtype=jnp.int32) % (N_PAD - N_NODES)
  dst2d = jnp.concatenate([dst, pad_dst]).reshape(ROWS_PAD, EROW)
  ones_r = jnp.ones((EROW, 8), jnp.float32)
  zeros1 = jnp.zeros((N_PAD, 8), jnp.float32)
  zeros128 = jnp.zeros((N_PAD, D_IN), jnp.float32)
  zeros48 = jnp.zeros((N_PAD, W_PAD), jnp.float32)

  degp = _prop(8, False)(ones_r, dst2d, zeros1)[:, :N_NODES, 0]
  dinv = _dinv_call(degp).reshape(N_NODES, 1)
  xs, z1 = _pre_call(feat, dinv, W1[:D_IN], b1.reshape(1, HID))
  a = _prop(D_IN, True)(xs, src, dst, zeros128)
  w2cat = jnp.concatenate([W2[:HID], W2[HID:]], axis=1)
  y2a, y2b = _mid_call(z1, a, a, dinv, W1[D_IN:], w2cat,
                       b2.reshape(1, N_CLS))
  q = _prop(W_PAD, True)(y2b, src, dst, zeros48)
  return _fin_call(y2a, q, q, dinv)

# --- scband reference (transcript-rebuilt; emitter-appended) ---
"""Pipeline reference for scband-cheby-net-57191784513890 (READ-ONLY COPY).

The authoritative reference and input builder live on the scoring server;
editing this copy changes nothing except your own understanding.
"""

import jax, jax.numpy as jnp
import numpy as np

N = 10000
E = 320000
D_IN = 128
HID = 256
N_CLS = 40
LAMBDA_MAX = 2.0


def setup_inputs(seed: int = 0):
    key = jax.random.key(seed)
    ks = jax.random.split(key, 4)
    feat = jax.random.normal(ks[0], (N, D_IN), dtype=jnp.float32)
    edge_index = jax.random.randint(ks[1], (2, E), 0, N, dtype=jnp.int32)
    W1 = jax.random.normal(ks[2], (2 * D_IN, HID), dtype=jnp.float32) / np.sqrt(2 * D_IN)
    b1 = jnp.zeros((HID,), dtype=jnp.float32)
    W2 = jax.random.normal(ks[3], (2 * HID, N_CLS), dtype=jnp.float32) / np.sqrt(2 * HID)
    b2 = jnp.zeros((N_CLS,), dtype=jnp.float32)
    return {"feat": feat, "edge_index": edge_index, "W1": W1, "b1": b1, "W2": W2, "b2": b2}


def _cheb_conv(feat, src, dst, W, b, lambda_max):
    # DGL ChebConv with K=2: Xt = concat([X0, X1]); X1 = L_hat X = -re_norm*A_norm X + X*(re_norm-1)
    n = feat.shape[0]
    deg = jnp.zeros((n,), feat.dtype).at[dst].add(1.0)
    d_invsqrt = jnp.power(jnp.clip(deg, 1.0), -0.5)[:, None]
    re_norm = 2.0 / lambda_max

    def a_norm(x):
        h = x * d_invsqrt
        agg = jnp.zeros_like(x).at[dst].add(h[src])
        return agg * d_invsqrt

    X0 = feat
    X1 = -re_norm * a_norm(X0) + X0 * (re_norm - 1.0)
    Xt = jnp.concatenate([X0, X1], axis=1)
    return Xt @ W + b


def reference(feat, edge_index, W1, b1, W2, b2):
    src = edge_index[0]
    dst = edge_index[1]
    h = jax.nn.relu(_cheb_conv(feat, src, dst, W1, b1, LAMBDA_MAX))
    # dropout is identity in eval mode
    h = _cheb_conv(h, src, dst, W2, b2, LAMBDA_MAX)
    return jax.nn.log_softmax(h, axis=1)

if __name__ == "__main__":
    import jax
    _d = setup_inputs()
    print(jax.jit(kernel)(*tuple(_d.values())))

</pallas_src>

<mosaic_0001>
#map = affine_map<(d0, d1) -> (0, 0)>
#map1 = affine_map<(d0, d1) -> (0, 0, 0)>
module attributes {stable_mosaic.version = 14 : i64} {
  func.func @deg(%arg0: i32, %arg1: i32, %arg2: memref<128x8xf32, #tpu.memory_space<hbm>>, %arg3: memref<2560x128xi32, #tpu.memory_space<hbm>>, %arg4: memref<10240x8xf32, #tpu.memory_space<hbm>>, %arg5: memref<2x10240x8xf32, #tpu.memory_space<hbm>>, %arg6: memref<40x128xi32, #tpu.memory_space<vmem>>, %arg7: memref<128x8xf32, #tpu.memory_space<vmem>>, %arg8: memref<10240x8xf32, #tpu.memory_space<vmem_shared>>, %arg9: memref<4x!tpu.dma_semaphore, #tpu.memory_space<semaphore_mem>>) attributes {dimension_semantics = [#tpu.dimension_semantics<core_parallel>, #tpu.dimension_semantics<subcore_parallel>], iteration_bounds = array<i64: 2, 16>, scalar_prefetch = 0 : i64, scratch_operands = 4 : i64, tpu.core_type = #tpu.core_type<sc_vector_subcore>, window_params = [{transform_indices = #map}, {transform_indices = #map}, {transform_indices = #map}, {transform_indices = #map1}]} {
    %mul3A = arith.constant 2 : i32
    %mul3A_0 = arith.muli %arg1, %mul3A : i32
    %add3A = arith.addi %mul3A_0, %arg0 : i32
    %mul3A_1 = arith.constant 640 : i32
    %mul3A_2 = arith.muli %arg1, %mul3A_1 : i32
    %mul3A_3 = arith.constant 640 : i32
    %mul3A_4 = arith.muli %arg1, %mul3A_3 : i32
    "tpu.region"() ({
      %run_scoped3A = tpu.sem_alloc : memref<!tpu.dma_semaphore, #tpu.memory_space<semaphore_mem>>
      %dma_start3A = arith.constant 0 : i32
      %dma_start3A_25 = tpu.memref_slice %arg8[%mul3A_4, %dma_start3A] : memref<10240x8xf32, #tpu.memory_space<vmem_shared>> -> memref<640x8xf32, #tpu.memory_space<vmem_shared>>
      %dma_start3A_26 = arith.constant 0 : i32
      %dma_start3A_27 = tpu.memref_slice %arg4[%mul3A_2, %dma_start3A_26] : memref<10240x8xf32, #tpu.memory_space<hbm>> -> memref<640x8xf32, #tpu.memory_space<hbm>>
      tpu.enqueue_dma source(%dma_start3A_27 : memref<640x8xf32, #tpu.memory_space<hbm>>) target(%dma_start3A_25 : memref<640x8xf32, #tpu.memory_space<vmem_shared>>) target_semaphore(%run_scoped3A : memref<!tpu.dma_semaphore, #tpu.memory_space<semaphore_mem>>)
      %dma_wait3A = arith.constant 0 : i32
      %dma_wait3A_28 = tpu.memref_slice %arg8[%mul3A_4, %dma_wait3A] : memref<10240x8xf32, #tpu.memory_space<vmem_shared>> -> memref<640x8xf32, #tpu.memory_space<vmem_shared>>
      %dma_wait3A_29 = arith.constant 0 : i32
      %dma_wait3A_30 = tpu.memref_slice %arg4[%mul3A_2, %dma_wait3A_29] : memref<10240x8xf32, #tpu.memory_space<hbm>> -> memref<640x8xf32, #tpu.memory_space<hbm>>
      tpu.wait_dma2 semaphore(%run_scoped3A : memref<!tpu.dma_semaphore, #tpu.memory_space<semaphore_mem>>) src(%dma_wait3A_30 : memref<640x8xf32, #tpu.memory_space<hbm>>) dst(%dma_wait3A_28 : memref<640x8xf32, #tpu.memory_space<vmem_shared>>)
      tpu.yield
    }) : () -> ()
    "tpu.region"() ({
      %run_scoped3A = tpu.sem_alloc : memref<!tpu.dma_semaphore, #tpu.memory_space<semaphore_mem>>
      tpu.enqueue_dma source(%arg2 : memref<128x8xf32, #tpu.memory_space<hbm>>) target(%arg7 : memref<128x8xf32, #tpu.memory_space<vmem>>) target_semaphore(%run_scoped3A : memref<!tpu.dma_semaphore, #tpu.memory_space<semaphore_mem>>)
      tpu.wait_dma2 semaphore(%run_scoped3A : memref<!tpu.dma_semaphore, #tpu.memory_space<semaphore_mem>>) src(%arg2 : memref<128x8xf32, #tpu.memory_space<hbm>>) dst(%arg7 : memref<128x8xf32, #tpu.memory_space<vmem>>)
      tpu.yield
    }) : () -> ()
    %barrier3A = arith.constant 0 : index
    tpu.barrier barrier_id(%barrier3A)
    %mul3A_5 = arith.constant 80 : i32
    %mul3A_6 = arith.muli %add3A, %mul3A_5 : i32
    %add3A_7 = arith.constant 0 : i32
    %add3A_8 = arith.addi %mul3A_6, %add3A_7 : i32
    "tpu.region"() ({
      %run_scoped3A = tpu.sem_alloc : memref<!tpu.dma_semaphore, #tpu.memory_space<semaphore_mem>>
      %dma_start3A = arith.constant 0 : i32
      %dma_start3A_25 = tpu.memref_slice %arg3[%add3A_8, %dma_start3A] : memref<2560x128xi32, #tpu.memory_space<hbm>> -> memref<40x128xi32, #tpu.memory_space<hbm>>
      %dma_start3A_26 = arith.constant 0 : i32
      %dma_start3A_27 = tpu.memref_slice %arg3[%add3A_8, %dma_start3A_26] : memref<2560x128xi32, #tpu.memory_space<hbm>> -> memref<40x128xi32, #tpu.memory_space<hbm>>
      tpu.enqueue_dma source(%dma_start3A_27 : memref<40x128xi32, #tpu.memory_space<hbm>>) target(%arg6 : memref<40x128xi32, #tpu.memory_space<vmem>>) target_semaphore(%run_scoped3A : memref<!tpu.dma_semaphore, #tpu.memory_space<semaphore_mem>>)
      %dma_wait3A = arith.constant 0 : i32
      %dma_wait3A_28 = tpu.memref_slice %arg3[%add3A_8, %dma_wait3A] : memref<2560x128xi32, #tpu.memory_space<hbm>> -> memref<40x128xi32, #tpu.memory_space<hbm>>
      %dma_wait3A_29 = arith.constant 0 : i32
      %dma_wait3A_30 = tpu.memref_slice %arg3[%add3A_8, %dma_wait3A_29] : memref<2560x128xi32, #tpu.memory_space<hbm>> -> memref<40x128xi32, #tpu.memory_space<hbm>>
      tpu.wait_dma2 semaphore(%run_scoped3A : memref<!tpu.dma_semaphore, #tpu.memory_space<semaphore_mem>>) src(%dma_wait3A_30 : memref<40x128xi32, #tpu.memory_space<hbm>>) dst(%arg6 : memref<40x128xi32, #tpu.memory_space<vmem>>)
      tpu.yield
    }) : () -> ()
    %scan3A = arith.constant 0 : i32
    %scan3A_9 = arith.constant 10 : i32
    %scan3A_10 = arith.addi %scan3A, %scan3A_9 : i32
    %scan3A_11 = arith.constant 1 : i32
    scf.for %scan3A_25 = %scan3A to %scan3A_10 step %scan3A_11  : i32 {
      %mul3A_26 = arith.constant 4 : i32
      %mul3A_27 = arith.muli %scan3A_25, %mul3A_26 : i32
      %add3A_28 = arith.constant 0 : i32
      %add3A_29 = arith.addi %add3A_28, %mul3A_27 : i32
      %add3A_30 = arith.constant 0 : i32
      %add3A_31 = arith.addi %add3A_29, %add3A_30 : i32
      %dma_start3A = arith.constant 0 : i32
      %dma_start3A_32 = arith.constant 0 : i32
      %dma_start3A_33 = tpu.memref_slice %arg6[%add3A_31, %dma_start3A_32] : memref<40x128xi32, #tpu.memory_space<vmem>> -> memref<1x128xi32, #tpu.memory_space<vmem>>
      %dma_start3A_34 = tpu.memref_squeeze %dma_start3A_33 : memref<1x128xi32, #tpu.memory_space<vmem>> -> memref<128xi32, #tpu.memory_space<vmem>>
      %dma_start3A_35 = arith.constant 0 : i32
      %dma_start3A_36 = arith.constant 0 : i32
      %dma_start3A_37 = tpu.memref_slice %arg8[%dma_start3A_35, %dma_start3A_36] : memref<10240x8xf32, #tpu.memory_space<vmem_shared>> -> memref<10240x8xf32, #tpu.memory_space<vmem_shared>>
      %dma_start3A_38 = tpu.memref_slice %arg9[%dma_start3A] : memref<4x!tpu.dma_semaphore, #tpu.memory_space<semaphore_mem>> -> memref<1x!tpu.dma_semaphore, #tpu.memory_space<semaphore_mem>>
      %dma_start3A_39 = tpu.memref_squeeze %dma_start3A_38 : memref<1x!tpu.dma_semaphore, #tpu.memory_space<semaphore_mem>> -> memref<!tpu.dma_semaphore, #tpu.memory_space<semaphore_mem>>
      tpu.enqueue_indirect_dma source(%arg7 : memref<128x8xf32, #tpu.memory_space<vmem>>) target(%dma_start3A_37 : memref<10240x8xf32, #tpu.memory_space<vmem_shared>>) offsets(%dma_start3A_34 : memref<128xi32, #tpu.memory_space<vmem>>) semaphore(%dma_start3A_39 : memref<!tpu.dma_semaphore, #tpu.memory_space<semaphore_mem>>) {add = true}
      %add3A_40 = arith.constant 1 : i32
      %add3A_41 = arith.addi %add3A_29, %add3A_40 : i32
      %dma_start3A_42 = arith.constant 1 : i32
      %dma_start3A_43 = arith.constant 0 : i32
      %dma_start3A_44 = tpu.memref_slice %arg6[%add3A_41, %dma_start3A_43] : memref<40x128xi32, #tpu.memory_space<vmem>> -> memref<1x128xi32, #tpu.memory_space<vmem>>
      %dma_start3A_45 = tpu.memref_squeeze %dma_start3A_44 : memref<1x128xi32, #tpu.memory_space<vmem>> -> memref<128xi32, #tpu.memory_space<vmem>>
      %dma_start3A_46 = arith.constant 0 : i32
      %dma_start3A_47 = arith.constant 0 : i32
      %dma_start3A_48 = tpu.memref_slice %arg8[%dma_start3A_46, %dma_start3A_47] : memref<10240x8xf32, #tpu.memory_space<vmem_shared>> -> memref<10240x8xf32, #tpu.memory_space<vmem_shared>>
      %dma_start3A_49 = tpu.memref_slice %arg9[%dma_start3A_42] : memref<4x!tpu.dma_semaphore, #tpu.memory_space<semaphore_mem>> -> memref<1x!tpu.dma_semaphore, #tpu.memory_space<semaphore_mem>>
      %dma_start3A_50 = tpu.memref_squeeze %dma_start3A_49 : memref<1x!tpu.dma_semaphore, #tpu.memory_space<semaphore_mem>> -> memref<!tpu.dma_semaphore, #tpu.memory_space<semaphore_mem>>
      tpu.enqueue_indirect_dma source(%arg7 : memref<128x8xf32, #tpu.memory_space<vmem>>) target(%dma_start3A_48 : memref<10240x8xf32, #tpu.memory_space<vmem_shared>>) offsets(%dma_start3A_45 : memref<128xi32, #tpu.memory_space<vmem>>) semaphore(%dma_start3A_50 : memref<!tpu.dma_semaphore, #tpu.memory_space<semaphore_mem>>) {add = true}
      %add3A_51 = arith.constant 2 : i32
      %add3A_52 = arith.addi %add3A_29, %add3A_51 : i32
      %dma_start3A_53 = arith.constant 2 : i32
      %dma_start3A_54 = arith.constant 0 : i32
      %dma_start3A_55 = tpu.memref_slice %arg6[%add3A_52, %dma_start3A_54] : memref<40x128xi32, #tpu.memory_space<vmem>> -> memref<1x128xi32, #tpu.memory_space<vmem>>
      %dma_start3A_56 = tpu.memref_squeeze %dma_start3A_55 : memref<1x128xi32, #tpu.memory_space<vmem>> -> memref<128xi32, #tpu.memory_space<vmem>>
      %dma_start3A_57 = arith.constant 0 : i32
      %dma_start3A_58 = arith.constant 0 : i32
      %dma_start3A_59 = tpu.memref_slice %arg8[%dma_start3A_57, %dma_start3A_58] : memref<10240x8xf32, #tpu.memory_space<vmem_shared>> -> memref<10240x8xf32, #tpu.memory_space<vmem_shared>>
      %dma_start3A_60 = tpu.memref_slice %arg9[%dma_start3A_53] : memref<4x!tpu.dma_semaphore, #tpu.memory_space<semaphore_mem>> -> memref<1x!tpu.dma_semaphore, #tpu.memory_space<semaphore_mem>>
      %dma_start3A_61 = tpu.memref_squeeze %dma_start3A_60 : memref<1x!tpu.dma_semaphore, #tpu.memory_space<semaphore_mem>> -> memref<!tpu.dma_semaphore, #tpu.memory_space<semaphore_mem>>
      tpu.enqueue_indirect_dma source(%arg7 : memref<128x8xf32, #tpu.memory_space<vmem>>) target(%dma_start3A_59 : memref<10240x8xf32, #tpu.memory_space<vmem_shared>>) offsets(%dma_start3A_56 : memref<128xi32, #tpu.memory_space<vmem>>) semaphore(%dma_start3A_61 : memref<!tpu.dma_semaphore, #tpu.memory_space<semaphore_mem>>) {add = true}
      %add3A_62 = arith.constant 3 : i32
      %add3A_63 = arith.addi %add3A_29, %add3A_62 : i32
      %dma_start3A_64 = arith.constant 3 : i32
      %dma_start3A_65 = arith.constant 0 : i32
      %dma_start3A_66 = tpu.memref_slice %arg6[%add3A_63, %dma_start3A_65] : memref<40x128xi32, #tpu.memory_space<vmem>> -> memref<1x128xi32, #tpu.memory_space<vmem>>
      %dma_start3A_67 = tpu.memref_squeeze %dma_start3A_66 : memref<1x128xi32, #tpu.memory_space<vmem>> -> memref<128xi32, #tpu.memory_space<vmem>>
      %dma_start3A_68 = arith.constant 0 : i32
      %dma_start3A_69 = arith.constant 0 : i32
      %dma_start3A_70 = tpu.memref_slice %arg8[%dma_start3A_68, %dma_start3A_69] : memref<10240x8xf32, #tpu.memory_space<vmem_shared>> -> memref<10240x8xf32, #tpu.memory_space<vmem_shared>>
      %dma_start3A_71 = tpu.memref_slice %arg9[%dma_start3A_64] : memref<4x!tpu.dma_semaphore, #tpu.memory_space<semaphore_mem>> -> memref<1x!tpu.dma_semaphore, #tpu.memory_space<semaphore_mem>>
      %dma_start3A_72 = tpu.memref_squeeze %dma_start3A_71 : memref<1x!tpu.dma_semaphore, #tpu.memory_space<semaphore_mem>> -> memref<!tpu.dma_semaphore, #tpu.memory_space<semaphore_mem>>
      tpu.enqueue_indirect_dma source(%arg7 : memref<128x8xf32, #tpu.memory_space<vmem>>) target(%dma_start3A_70 : memref<10240x8xf32, #tpu.memory_space<vmem_shared>>) offsets(%dma_start3A_67 : memref<128xi32, #tpu.memory_space<vmem>>) semaphore(%dma_start3A_72 : memref<!tpu.dma_semaphore, #tpu.memory_space<semaphore_mem>>) {add = true}
      %dma_wait3A = arith.constant 0 : i32
      %dma_wait3A_73 = arith.constant 0 : i32
      %dma_wait3A_74 = arith.constant 0 : i32
      %dma_wait3A_75 = tpu.memref_slice %arg6[%dma_wait3A, %dma_wait3A_74] : memref<40x128xi32, #tpu.memory_space<vmem>> -> memref<1x128xi32, #tpu.memory_space<vmem>>
      %dma_wait3A_76 = tpu.memref_squeeze %dma_wait3A_75 : memref<1x128xi32, #tpu.memory_space<vmem>> -> memref<128xi32, #tpu.memory_space<vmem>>
      %dma_wait3A_77 = arith.constant 0 : i32
      %dma_wait3A_78 = arith.constant 0 : i32
      %dma_wait3A_79 = tpu.memref_slice %arg8[%dma_wait3A_77, %dma_wait3A_78] : memref<10240x8xf32, #tpu.memory_space<vmem_shared>> -> memref<10240x8xf32, #tpu.memory_space<vmem_shared>>
      %dma_wait3A_80 = tpu.memref_slice %arg9[%dma_wait3A_73] : memref<4x!tpu.dma_semaphore, #tpu.memory_space<semaphore_mem>> -> memref<1x!tpu.dma_semaphore, #tpu.memory_space<semaphore_mem>>
      %dma_wait3A_81 = tpu.memref_squeeze %dma_wait3A_80 : memref<1x!tpu.dma_semaphore, #tpu.memory_space<semaphore_mem>> -> memref<!tpu.dma_semaphore, #tpu.memory_space<semaphore_mem>>
      tpu.wait_indirect_dma semaphore(%dma_wait3A_81 : memref<!tpu.dma_semaphore, #tpu.memory_space<semaphore_mem>>) src(%arg7 : memref<128x8xf32, #tpu.memory_space<vmem>>) dst(%dma_wait3A_79 : memref<10240x8xf32, #tpu.memory_space<vmem_shared>>)
      %dma_wait3A_82 = arith.constant 0 : i32
      %dma_wait3A_83 = arith.constant 1 : i32
      %dma_wait3A_84 = arith.constant 0 : i32
      %dma_wait3A_85 = tpu.memref_slice %arg6[%dma_wait3A_82, %dma_wait3A_84] : memref<40x128xi32, #tpu.memory_space<vmem>> -> memref<1x128xi32, #tpu.memory_space<vmem>>
      %dma_wait3A_86 = tpu.memref_squeeze %dma_wait3A_85 : memref<1x128xi32, #tpu.memory_space<vmem>> -> memref<128xi32, #tpu.memory_space<vmem>>
      %dma_wait3A_87 = arith.constant 0 : i32
      %dma_wait3A_88 = arith.constant 0 : i32
      %dma_wait3A_89 = tpu.memref_slice %arg8[%dma_wait3A_87, %dma_wait3A_88] : memref<10240x8xf32, #tpu.memory_space<vmem_shared>> -> memref<10240x8xf32, #tpu.memory_space<vmem_shared>>
      %dma_wait3A_90 = tpu.memref_slice %arg9[%dma_wait3A_83] : memref<4x!tpu.dma_semaphore, #tpu.memory_space<semaphore_mem>> -> memref<1x!tpu.dma_semaphore, #tpu.memory_space<semaphore_mem>>
      %dma_wait3A_91 = tpu.memref_squeeze %dma_wait3A_90 : memref<1x!tpu.dma_semaphore, #tpu.memory_space<semaphore_mem>> -> memref<!tpu.dma_semaphore, #tpu.memory_space<semaphore_mem>>
      tpu.wait_indirect_dma semaphore(%dma_wait3A_91 : memref<!tpu.dma_semaphore, #tpu.memory_space<semaphore_mem>>) src(%arg7 : memref<128x8xf32, #tpu.memory_space<vmem>>) dst(%dma_wait3A_89 : memref<10240x8xf32, #tpu.memory_space<vmem_shared>>)
      %dma_wait3A_92 = arith.constant 0 : i32
      %dma_wait3A_93 = arith.constant 2 : i32
      %dma_wait3A_94 = arith.constant 0 : i32
      %dma_wait3A_95 = tpu.memref_slice %arg6[%dma_wait3A_92, %dma_wait3A_94] : memref<40x128xi32, #tpu.memory_space<vmem>> -> memref<1x128xi32, #tpu.memory_space<vmem>>
      %dma_wait3A_96 = tpu.memref_squeeze %dma_wait3A_95 : memref<1x128xi32, #tpu.memory_space<vmem>> -> memref<128xi32, #tpu.memory_space<vmem>>
      %dma_wait3A_97 = arith.constant 0 : i32
      %dma_wait3A_98 = arith.constant 0 : i32
      %dma_wait3A_99 = tpu.memref_slice %arg8[%dma_wait3A_97, %dma_wait3A_98] : memref<10240x8xf32, #tpu.memory_space<vmem_shared>> -> memref<10240x8xf32, #tpu.memory_space<vmem_shared>>
      %dma_wait3A_100 = tpu.memref_slice %arg9[%dma_wait3A_93] : memref<4x!tpu.dma_semaphore, #tpu.memory_space<semaphore_mem>> -> memref<1x!tpu.dma_semaphore, #tpu.memory_space<semaphore_mem>>
      %dma_wait3A_101 = tpu.memref_squeeze %dma_wait3A_100 : memref<1x!tpu.dma_semaphore, #tpu.memory_space<semaphore_mem>> -> memref<!tpu.dma_semaphore, #tpu.memory_space<semaphore_mem>>
      tpu.wait_indirect_dma semaphore(%dma_wait3A_101 : memref<!tpu.dma_semaphore, #tpu.memory_space<semaphore_mem>>) src(%arg7 : memref<128x8xf32, #tpu.memory_space<vmem>>) dst(%dma_wait3A_99 : memref<10240x8xf32, #tpu.memory_space<vmem_shared>>)
      %dma_wait3A_102 = arith.constant 0 : i32
      %dma_wait3A_103 = arith.constant 3 : i32
      %dma_wait3A_104 = arith.constant 0 : i32
      %dma_wait3A_105 = tpu.memref_slice %arg6[%dma_wait3A_102, %dma_wait3A_104] : memref<40x128xi32, #tpu.memory_space<vmem>> -> memref<1x128xi32, #tpu.memory_space<vmem>>
      %dma_wait3A_106 = tpu.memref_squeeze %dma_wait3A_105 : memref<1x128xi32, #tpu.memory_space<vmem>> -> memref<128xi32, #tpu.memory_space<vmem>>
      %dma_wait3A_107 = arith.constant 0 : i32
      %dma_wait3A_108 = arith.constant 0 : i32
      %dma_wait3A_109 = tpu.memref_slice %arg8[%dma_wait3A_107, %dma_wait3A_108] : memref<10240x8xf32, #tpu.memory_space<vmem_shared>> -> memref<10240x8xf32, #tpu.memory_space<vmem_shared>>
      %dma_wait3A_110 = tpu.memref_slice %arg9[%dma_wait3A_103] : memref<4x!tpu.dma_semaphore, #tpu.memory_space<semaphore_mem>> -> memref<1x!tpu.dma_semaphore, #tpu.memory_space<semaphore_mem>>
      %dma_wait3A_111 = tpu.memref_squeeze %dma_wait3A_110 : memref<1x!tpu.dma_semaphore, #tpu.memory_space<semaphore_mem>> -> memref<!tpu.dma_semaphore, #tpu.memory_space<semaphore_mem>>
      tpu.wait_indirect_dma semaphore(%dma_wait3A_111 : memref<!tpu.dma_semaphore, #tpu.memory_space<semaphore_mem>>) src(%arg7 : memref<128x8xf32, #tpu.memory_space<vmem>>) dst(%dma_wait3A_109 : memref<10240x8xf32, #tpu.memory_space<vmem_shared>>)
    }
    %scan3A_12 = arith.constant 10 : i32
    %add3A_13 = arith.constant 40 : i32
    %add3A_14 = arith.addi %mul3A_6, %add3A_13 : i32
    "tpu.region"() ({
      %run_scoped3A = tpu.sem_alloc : memref<!tpu.dma_semaphore, #tpu.memory_space<semaphore_mem>>
      %dma_start3A = arith.constant 0 : i32
      %dma_start3A_25 = tpu.memref_slice %arg3[%add3A_14, %dma_start3A] : memref<2560x128xi32, #tpu.memory_space<hbm>> -> memref<40x128xi32, #tpu.memory_space<hbm>>
      %dma_start3A_26 = arith.constant 0 : i32
      %dma_start3A_27 = tpu.memref_slice %arg3[%add3A_14, %dma_start3A_26] : memref<2560x128xi32, #tpu.memory_space<hbm>> -> memref<40x128xi32, #tpu.memory_space<hbm>>
      tpu.enqueue_dma source(%dma_start3A_27 : memref<40x128xi32, #tpu.memory_space<hbm>>) target(%arg6 : memref<40x128xi32, #tpu.memory_space<vmem>>) target_semaphore(%run_scoped3A : memref<!tpu.dma_semaphore, #tpu.memory_space<semaphore_mem>>)
      %dma_wait3A = arith.constant 0 : i32
      %dma_wait3A_28 = tpu.memref_slice %arg3[%add3A_14, %dma_wait3A] : memref<2560x128xi32, #tpu.memory_space<hbm>> -> memref<40x128xi32, #tpu.memory_space<hbm>>
      %dma_wait3A_29 = arith.constant 0 : i32
      %dma_wait3A_30 = tpu.memref_slice %arg3[%add3A_14, %dma_wait3A_29] : memref<2560x128xi32, #tpu.memory_space<hbm>> -> memref<40x128xi32, #tpu.memory_space<hbm>>
      tpu.wait_dma2 semaphore(%run_scoped3A : memref<!tpu.dma_semaphore, #tpu.memory_space<semaphore_mem>>) src(%dma_wait3A_30 : memref<40x128xi32, #tpu.memory_space<hbm>>) dst(%arg6 : memref<40x128xi32, #tpu.memory_space<vmem>>)
      tpu.yield
    }) : () -> ()
    %scan3A_15 = arith.constant 0 : i32
    %scan3A_16 = arith.constant 10 : i32
    %scan3A_17 = arith.addi %scan3A_15, %scan3A_16 : i32
    %scan3A_18 = arith.constant 1 : i32
    scf.for %scan3A_25 = %scan3A_15 to %scan3A_17 step %scan3A_18  : i32 {
      %mul3A_26 = arith.constant 4 : i32
      %mul3A_27 = arith.muli %scan3A_25, %mul3A_26 : i32
      %add3A_28 = arith.constant 0 : i32
      %add3A_29 = arith.addi %add3A_28, %mul3A_27 : i32
      %add3A_30 = arith.constant 0 : i32
      %add3A_31 = arith.addi %add3A_29, %add3A_30 : i32
      %dma_start3A = arith.constant 0 : i32
      %dma_start3A_32 = arith.constant 0 : i32
      %dma_start3A_33 = tpu.memref_slice %arg6[%add3A_31, %dma_start3A_32] : memref<40x128xi32, #tpu.memory_space<vmem>> -> memref<1x128xi32, #tpu.memory_space<vmem>>
      %dma_start3A_34 = tpu.memref_squeeze %dma_start3A_33 : memref<1x128xi32, #tpu.memory_space<vmem>> -> memref<128xi32, #tpu.memory_space<vmem>>
      %dma_start3A_35 = arith.constant 0 : i32
      %dma_start3A_36 = arith.constant 0 : i32
      %dma_start3A_37 = tpu.memref_slice %arg8[%dma_start3A_35, %dma_start3A_36] : memref<10240x8xf32, #tpu.memory_space<vmem_shared>> -> memref<10240x8xf32, #tpu.memory_space<vmem_shared>>
      %dma_start3A_38 = tpu.memref_slice %arg9[%dma_start3A] : memref<4x!tpu.dma_semaphore, #tpu.memory_space<semaphore_mem>> -> memref<1x!tpu.dma_semaphore, #tpu.memory_space<semaphore_mem>>
      %dma_start3A_39 = tpu.memref_squeeze %dma_start3A_38 : memref<1x!tpu.dma_semaphore, #tpu.memory_space<semaphore_mem>> -> memref<!tpu.dma_semaphore, #tpu.memory_space<semaphore_mem>>
      tpu.enqueue_indirect_dma source(%arg7 : memref<128x8xf32, #tpu.memory_space<vmem>>) target(%dma_start3A_37 : memref<10240x8xf32, #tpu.memory_space<vmem_shared>>) offsets(%dma_start3A_34 : memref<128xi32, #tpu.memory_space<vmem>>) semaphore(%dma_start3A_39 : memref<!tpu.dma_semaphore, #tpu.memory_space<semaphore_mem>>) {add = true}
      %add3A_40 = arith.constant 1 : i32
      %add3A_41 = arith.addi %add3A_29, %add3A_40 : i32
      %dma_start3A_42 = arith.constant 1 : i32
      %dma_start3A_43 = arith.constant 0 : i32
      %dma_start3A_44 = tpu.memref_slice %arg6[%add3A_41, %dma_start3A_43] : memref<40x128xi32, #tpu.memory_space<vmem>> -> memref<1x128xi32, #tpu.memory_space<vmem>>
      %dma_start3A_45 = tpu.memref_squeeze %dma_start3A_44 : memref<1x128xi32, #tpu.memory_space<vmem>> -> memref<128xi32, #tpu.memory_space<vmem>>
      %dma_start3A_46 = arith.constant 0 : i32
      %dma_start3A_47 = arith.constant 0 : i32
      %dma_start3A_48 = tpu.memref_slice %arg8[%dma_start3A_46, %dma_start3A_47] : memref<10240x8xf32, #tpu.memory_space<vmem_shared>> -> memref<10240x8xf32, #tpu.memory_space<vmem_shared>>
      %dma_start3A_49 = tpu.memref_slice %arg9[%dma_start3A_42] : memref<4x!tpu.dma_semaphore, #tpu.memory_space<semaphore_mem>> -> memref<1x!tpu.dma_semaphore, #tpu.memory_space<semaphore_mem>>
      %dma_start3A_50 = tpu.memref_squeeze %dma_start3A_49 : memref<1x!tpu.dma_semaphore, #tpu.memory_space<semaphore_mem>> -> memref<!tpu.dma_semaphore, #tpu.memory_space<semaphore_mem>>
      tpu.enqueue_indirect_dma source(%arg7 : memref<128x8xf32, #tpu.memory_space<vmem>>) target(%dma_start3A_48 : memref<10240x8xf32, #tpu.memory_space<vmem_shared>>) offsets(%dma_start3A_45 : memref<128xi32, #tpu.memory_space<vmem>>) semaphore(%dma_start3A_50 : memref<!tpu.dma_semaphore, #tpu.memory_space<semaphore_mem>>) {add = true}
      %add3A_51 = arith.constant 2 : i32
      %add3A_52 = arith.addi %add3A_29, %add3A_51 : i32
      %dma_start3A_53 = arith.constant 2 : i32
      %dma_start3A_54 = arith.constant 0 : i32
      %dma_start3A_55 = tpu.memref_slice %arg6[%add3A_52, %dma_start3A_54] : memref<40x128xi32, #tpu.memory_space<vmem>> -> memref<1x128xi32, #tpu.memory_space<vmem>>
      %dma_start3A_56 = tpu.memref_squeeze %dma_start3A_55 : memref<1x128xi32, #tpu.memory_space<vmem>> -> memref<128xi32, #tpu.memory_space<vmem>>
      %dma_start3A_57 = arith.constant 0 : i32
      %dma_start3A_58 = arith.constant 0 : i32
      %dma_start3A_59 = tpu.memref_slice %arg8[%dma_start3A_57, %dma_start3A_58] : memref<10240x8xf32, #tpu.memory_space<vmem_shared>> -> memref<10240x8xf32, #tpu.memory_space<vmem_shared>>
      %dma_start3A_60 = tpu.memref_slice %arg9[%dma_start3A_53] : memref<4x!tpu.dma_semaphore, #tpu.memory_space<semaphore_mem>> -> memref<1x!tpu.dma_semaphore, #tpu.memory_space<semaphore_mem>>
      %dma_start3A_61 = tpu.memref_squeeze %dma_start3A_60 : memref<1x!tpu.dma_semaphore, #tpu.memory_space<semaphore_mem>> -> memref<!tpu.dma_semaphore, #tpu.memory_space<semaphore_mem>>
      tpu.enqueue_indirect_dma source(%arg7 : memref<128x8xf32, #tpu.memory_space<vmem>>) target(%dma_start3A_59 : memref<10240x8xf32, #tpu.memory_space<vmem_shared>>) offsets(%dma_start3A_56 : memref<128xi32, #tpu.memory_space<vmem>>) semaphore(%dma_start3A_61 : memref<!tpu.dma_semaphore, #tpu.memory_space<semaphore_mem>>) {add = true}
      %add3A_62 = arith.constant 3 : i32
      %add3A_63 = arith.addi %add3A_29, %add3A_62 : i32
      %dma_start3A_64 = arith.constant 3 : i32
      %dma_start3A_65 = arith.constant 0 : i32
      %dma_start3A_66 = tpu.memref_slice %arg6[%add3A_63, %dma_start3A_65] : memref<40x128xi32, #tpu.memory_space<vmem>> -> memref<1x128xi32, #tpu.memory_space<vmem>>
      %dma_start3A_67 = tpu.memref_squeeze %dma_start3A_66 : memref<1x128xi32, #tpu.memory_space<vmem>> -> memref<128xi32, #tpu.memory_space<vmem>>
      %dma_start3A_68 = arith.constant 0 : i32
      %dma_start3A_69 = arith.constant 0 : i32
      %dma_start3A_70 = tpu.memref_slice %arg8[%dma_start3A_68, %dma_start3A_69] : memref<10240x8xf32, #tpu.memory_space<vmem_shared>> -> memref<10240x8xf32, #tpu.memory_space<vmem_shared>>
      %dma_start3A_71 = tpu.memref_slice %arg9[%dma_start3A_64] : memref<4x!tpu.dma_semaphore, #tpu.memory_space<semaphore_mem>> -> memref<1x!tpu.dma_semaphore, #tpu.memory_space<semaphore_mem>>
      %dma_start3A_72 = tpu.memref_squeeze %dma_start3A_71 : memref<1x!tpu.dma_semaphore, #tpu.memory_space<semaphore_mem>> -> memref<!tpu.dma_semaphore, #tpu.memory_space<semaphore_mem>>
      tpu.enqueue_indirect_dma source(%arg7 : memref<128x8xf32, #tpu.memory_space<vmem>>) target(%dma_start3A_70 : memref<10240x8xf32, #tpu.memory_space<vmem_shared>>) offsets(%dma_start3A_67 : memref<128xi32, #tpu.memory_space<vmem>>) semaphore(%dma_start3A_72 : memref<!tpu.dma_semaphore, #tpu.memory_space<semaphore_mem>>) {add = true}
      %dma_wait3A = arith.constant 0 : i32
      %dma_wait3A_73 = arith.constant 0 : i32
      %dma_wait3A_74 = arith.constant 0 : i32
      %dma_wait3A_75 = tpu.memref_slice %arg6[%dma_wait3A, %dma_wait3A_74] : memref<40x128xi32, #tpu.memory_space<vmem>> -> memref<1x128xi32, #tpu.memory_space<vmem>>
      %dma_wait3A_76 = tpu.memref_squeeze %dma_wait3A_75 : memref<1x128xi32, #tpu.memory_space<vmem>> -> memref<128xi32, #tpu.memory_space<vmem>>
      %dma_wait3A_77 = arith.constant 0 : i32
      %dma_wait3A_78 = arith.constant 0 : i32
      %dma_wait3A_79 = tpu.memref_slice %arg8[%dma_wait3A_77, %dma_wait3A_78] : memref<10240x8xf32, #tpu.memory_space<vmem_shared>> -> memref<10240x8xf32, #tpu.memory_space<vmem_shared>>
      %dma_wait3A_80 = tpu.memref_slice %arg9[%dma_wait3A_73] : memref<4x!tpu.dma_semaphore, #tpu.memory_space<semaphore_mem>> -> memref<1x!tpu.dma_semaphore, #tpu.memory_space<semaphore_mem>>
      %dma_wait3A_81 = tpu.memref_squeeze %dma_wait3A_80 : memref<1x!tpu.dma_semaphore, #tpu.memory_space<semaphore_mem>> -> memref<!tpu.dma_semaphore, #tpu.memory_space<semaphore_mem>>
      tpu.wait_indirect_dma semaphore(%dma_wait3A_81 : memref<!tpu.dma_semaphore, #tpu.memory_space<semaphore_mem>>) src(%arg7 : memref<128x8xf32, #tpu.memory_space<vmem>>) dst(%dma_wait3A_79 : memref<10240x8xf32, #tpu.memory_space<vmem_shared>>)
      %dma_wait3A_82 = arith.constant 0 : i32
      %dma_wait3A_83 = arith.constant 1 : i32
      %dma_wait3A_84 = arith.constant 0 : i32
      %dma_wait3A_85 = tpu.memref_slice %arg6[%dma_wait3A_82, %dma_wait3A_84] : memref<40x128xi32, #tpu.memory_space<vmem>> -> memref<1x128xi32, #tpu.memory_space<vmem>>
      %dma_wait3A_86 = tpu.memref_squeeze %dma_wait3A_85 : memref<1x128xi32, #tpu.memory_space<vmem>> -> memref<128xi32, #tpu.memory_space<vmem>>
      %dma_wait3A_87 = arith.constant 0 : i32
      %dma_wait3A_88 = arith.constant 0 : i32
      %dma_wait3A_89 = tpu.memref_slice %arg8[%dma_wait3A_87, %dma_wait3A_88] : memref<10240x8xf32, #tpu.memory_space<vmem_shared>> -> memref<10240x8xf32, #tpu.memory_space<vmem_shared>>
      %dma_wait3A_90 = tpu.memref_slice %arg9[%dma_wait3A_83] : memref<4x!tpu.dma_semaphore, #tpu.memory_space<semaphore_mem>> -> memref<1x!tpu.dma_semaphore, #tpu.memory_space<semaphore_mem>>
      %dma_wait3A_91 = tpu.memref_squeeze %dma_wait3A_90 : memref<1x!tpu.dma_semaphore, #tpu.memory_space<semaphore_mem>> -> memref<!tpu.dma_semaphore, #tpu.memory_space<semaphore_mem>>
      tpu.wait_indirect_dma semaphore(%dma_wait3A_91 : memref<!tpu.dma_semaphore, #tpu.memory_space<semaphore_mem>>) src(%arg7 : memref<128x8xf32, #tpu.memory_space<vmem>>) dst(%dma_wait3A_89 : memref<10240x8xf32, #tpu.memory_space<vmem_shared>>)
      %dma_wait3A_92 = arith.constant 0 : i32
      %dma_wait3A_93 = arith.constant 2 : i32
      %dma_wait3A_94 = arith.constant 0 : i32
      %dma_wait3A_95 = tpu.memref_slice %arg6[%dma_wait3A_92, %dma_wait3A_94] : memref<40x128xi32, #tpu.memory_space<vmem>> -> memref<1x128xi32, #tpu.memory_space<vmem>>
      %dma_wait3A_96 = tpu.memref_squeeze %dma_wait3A_95 : memref<1x128xi32, #tpu.memory_space<vmem>> -> memref<128xi32, #tpu.memory_space<vmem>>
      %dma_wait3A_97 = arith.constant 0 : i32
      %dma_wait3A_98 = arith.constant 0 : i32
      %dma_wait3A_99 = tpu.memref_slice %arg8[%dma_wait3A_97, %dma_wait3A_98] : memref<10240x8xf32, #tpu.memory_space<vmem_shared>> -> memref<10240x8xf32, #tpu.memory_space<vmem_shared>>
      %dma_wait3A_100 = tpu.memref_slice %arg9[%dma_wait3A_93] : memref<4x!tpu.dma_semaphore, #tpu.memory_space<semaphore_mem>> -> memref<1x!tpu.dma_semaphore, #tpu.memory_space<semaphore_mem>>
      %dma_wait3A_101 = tpu.memref_squeeze %dma_wait3A_100 : memref<1x!tpu.dma_semaphore, #tpu.memory_space<semaphore_mem>> -> memref<!tpu.dma_semaphore, #tpu.memory_space<semaphore_mem>>
      tpu.wait_indirect_dma semaphore(%dma_wait3A_101 : memref<!tpu.dma_semaphore, #tpu.memory_space<semaphore_mem>>) src(%arg7 : memref<128x8xf32, #tpu.memory_space<vmem>>) dst(%dma_wait3A_99 : memref<10240x8xf32, #tpu.memory_space<vmem_shared>>)
      %dma_wait3A_102 = arith.constant 0 : i32
      %dma_wait3A_103 = arith.constant 3 : i32
      %dma_wait3A_104 = arith.constant 0 : i32
      %dma_wait3A_105 = tpu.memref_slice %arg6[%dma_wait3A_102, %dma_wait3A_104] : memref<40x128xi32, #tpu.memory_space<vmem>> -> memref<1x128xi32, #tpu.memory_space<vmem>>
      %dma_wait3A_106 = tpu.memref_squeeze %dma_wait3A_105 : memref<1x128xi32, #tpu.memory_space<vmem>> -> memref<128xi32, #tpu.memory_space<vmem>>
      %dma_wait3A_107 = arith.constant 0 : i32
      %dma_wait3A_108 = arith.constant 0 : i32
      %dma_wait3A_109 = tpu.memref_slice %arg8[%dma_wait3A_107, %dma_wait3A_108] : memref<10240x8xf32, #tpu.memory_space<vmem_shared>> -> memref<10240x8xf32, #tpu.memory_space<vmem_shared>>
      %dma_wait3A_110 = tpu.memref_slice %arg9[%dma_wait3A_103] : memref<4x!tpu.dma_semaphore, #tpu.memory_space<semaphore_mem>> -> memref<1x!tpu.dma_semaphore, #tpu.memory_space<semaphore_mem>>
      %dma_wait3A_111 = tpu.memref_squeeze %dma_wait3A_110 : memref<1x!tpu.dma_semaphore, #tpu.memory_space<semaphore_mem>> -> memref<!tpu.dma_semaphore, #tpu.memory_space<semaphore_mem>>
      tpu.wait_indirect_dma semaphore(%dma_wait3A_111 : memref<!tpu.dma_semaphore, #tpu.memory_space<semaphore_mem>>) src(%arg7 : memref<128x8xf32, #tpu.memory_space<vmem>>) dst(%dma_wait3A_109 : memref<10240x8xf32, #tpu.memory_space<vmem_shared>>)
    }
    %scan3A_19 = arith.constant 10 : i32
    %barrier3A_20 = arith.constant 0 : index
    tpu.barrier barrier_id(%barrier3A_20)
    %mul3A_21 = arith.constant 640 : i32
    %mul3A_22 = arith.muli %arg1, %mul3A_21 : i32
    %mul3A_23 = arith.constant 640 : i32
    %mul3A_24 = arith.muli %arg1, %mul3A_23 : i32
    "tpu.region"() ({
      %run_scoped3A = tpu.sem_alloc : memref<!tpu.dma_semaphore, #tpu.memory_space<semaphore_mem>>
      %dma_start3A = arith.constant 0 : i32
      %dma_start3A_25 = tpu.memref_slice %arg5[%arg0, %mul3A_24, %dma_start3A] : memref<2x10240x8xf32, #tpu.memory_space<hbm>> -> memref<1x640x8xf32, #tpu.memory_space<hbm>>
      %dma_start3A_26 = tpu.memref_squeeze %dma_start3A_25 : memref<1x640x8xf32, #tpu.memory_space<hbm>> -> memref<640x8xf32, #tpu.memory_space<hbm>>
      %dma_start3A_27 = arith.constant 0 : i32
      %dma_start3A_28 = tpu.memref_slice %arg8[%mul3A_22, %dma_start3A_27] : memref<10240x8xf32, #tpu.memory_space<vmem_shared>> -> memref<640x8xf32, #tpu.memory_space<vmem_shared>>
      tpu.enqueue_dma source(%dma_start3A_28 : memref<640x8xf32, #tpu.memory_space<vmem_shared>>) target(%dma_start3A_26 : memref<640x8xf32, #tpu.memory_space<hbm>>) target_semaphore(%run_scoped3A : memref<!tpu.dma_semaphore, #tpu.memory_space<semaphore_mem>>)
      %dma_wait3A = arith.constant 0 : i32
      %dma_wait3A_29 = tpu.memref_slice %arg5[%arg0, %mul3A_24, %dma_wait3A] : memref<2x10240x8xf32, #tpu.memory_space<hbm>> -> memref<1x640x8xf32, #tpu.memory_space<hbm>>
      %dma_wait3A_30 = tpu.memref_squeeze %dma_wait3A_29 : memref<1x640x8xf32, #tpu.memory_space<hbm>> -> memref<640x8xf32, #tpu.memory_space<hbm>>
      %dma_wait3A_31 = arith.constant 0 : i32
      %dma_wait3A_32 = tpu.memref_slice %arg8[%mul3A_22, %dma_wait3A_31] : memref<10240x8xf32, #tpu.memory_space<vmem_shared>> -> memref<640x8xf32, #tpu.memory_space<vmem_shared>>
      tpu.wait_dma2 semaphore(%run_scoped3A : memref<!tpu.dma_semaphore, #tpu.memory_space<semaphore_mem>>) src(%dma_wait3A_32 : memref<640x8xf32, #tpu.memory_space<vmem_shared>>) dst(%dma_wait3A_30 : memref<640x8xf32, #tpu.memory_space<hbm>>)
      tpu.yield
    }) : () -> ()
    return
  }
}

#map = affine_map<(d0, d1) -> (0, 0)>
#map1 = affine_map<(d0, d1) -> (0)>
#map2 = affine_map<(d0, d1) -> (0, 0, 0)>
module attributes {stable_mosaic.version = 14 : i64} {
  func.func @prop(%arg0: i32, %arg1: i32, %arg2: memref<10000x128xf32, #tpu.memory_space<hbm>>, %arg3: memref<320000xi32, #tpu.memory_space<hbm>>, %arg4: memref<320000xi32, #tpu.memory_space<hbm>>, %arg5: memref<10240x128xf32, #tpu.memory_space<hbm>>, %arg6: memref<2x10240x128xf32, #tpu.memory_space<hbm>>, %arg7: memref<128xi32, #tpu.memory_space<vmem>>, %arg8: memref<128xi32, #tpu.memory_space<vmem>>, %arg9: memref<128x128xf32, #tpu.memory_space<vmem>>, %arg10: memref<10240x128xf32, #tpu.memory_space<vmem_shared>>, %arg11: memref<!tpu.dma_semaphore, #tpu.memory_space<semaphore_mem>>) attributes {dimension_semantics = [#tpu.dimension_semantics<core_parallel>, #tpu.dimension_semantics<subcore_parallel>], iteration_bounds = array<i64: 2, 16>, scalar_prefetch = 0 : i64, scratch_operands = 5 : i64, tpu.core_type = #tpu.core_type<sc_vector_subcore>, window_params = [{transform_indices = #map}, {transform_indices = #map1}, {transform_indices = #map1}, {transform_indices = #map}, {transform_indices = #map2}]} {
    %mul3A = arith.constant 2 : i32
    %mul3A_0 = arith.muli %arg1, %mul3A : i32
    %add3A = arith.addi %mul3A_0, %arg0 : i32
    %mul3A_1 = arith.constant 640 : i32
    %mul3A_2 = arith.muli %arg1, %mul3A_1 : i32
    %mul3A_3 = arith.constant 640 : i32
    %mul3A_4 = arith.muli %arg1, %mul3A_3 : i32
    "tpu.region"() ({
      %run_scoped3A = tpu.sem_alloc : memref<!tpu.dma_semaphore, #tpu.memory_space<semaphore_mem>>
      %dma_start3A = arith.constant 0 : i32
      %dma_start3A_64 = tpu.memref_slice %arg10[%mul3A_4, %dma_start3A] : memref<10240x128xf32, #tpu.memory_space<vmem_shared>> -> memref<640x128xf32, #tpu.memory_space<vmem_shared>>
      %dma_start3A_65 = arith.constant 0 : i32
      %dma_start3A_66 = tpu.memref_slice %arg5[%mul3A_2, %dma_start3A_65] : memref<10240x128xf32, #tpu.memory_space<hbm>> -> memref<640x128xf32, #tpu.memory_space<hbm>>
      tpu.enqueue_dma source(%dma_start3A_66 : memref<640x128xf32, #tpu.memory_space<hbm>>) target(%dma_start3A_64 : memref<640x128xf32, #tpu.memory_space<vmem_shared>>) target_semaphore(%run_scoped3A : memref<!tpu.dma_semaphore, #tpu.memory_space<semaphore_mem>>)
      %dma_wait3A = arith.constant 0 : i32
      %dma_wait3A_67 = tpu.memref_slice %arg10[%mul3A_4, %dma_wait3A] : memref<10240x128xf32, #tpu.memory_space<vmem_shared>> -> memref<640x128xf32, #tpu.memory_space<vmem_shared>>
      %dma_wait3A_68 = arith.constant 0 : i32
      %dma_wait3A_69 = tpu.memref_slice %arg5[%mul3A_2, %dma_wait3A_68] : memref<10240x128xf32, #tpu.memory_space<hbm>> -> memref<640x128xf32, #tpu.memory_space<hbm>>
      tpu.wait_dma2 semaphore(%run_scoped3A : memref<!tpu.dma_semaphore, #tpu.memory_space<semaphore_mem>>) src(%dma_wait3A_69 : memref<640x128xf32, #tpu.memory_space<hbm>>) dst(%dma_wait3A_67 : memref<640x128xf32, #tpu.memory_space<vmem_shared>>)
      tpu.yield
    }) : () -> ()
    %barrier3A = arith.constant 0 : index
    tpu.barrier barrier_id(%barrier3A)
    %mul3A_5 = arith.constant 2500 : i32
    %mul3A_6 = arith.muli %add3A, %mul3A_5 : i32
    %jit3A = arith.constant 32 : i32
    %div3A = arith.divsi %mul3A_6, %jit3A : i32
    %sign3A = arith.constant 0 : i32
    %sign3A_7 = arith.cmpi sgt, %mul3A_6, %sign3A : i32
    %sign3A_8 = arith.extui %sign3A_7 : i1 to i32
    %sign3A_9 = arith.constant 0 : i32
    %sign3A_10 = arith.cmpi slt, %mul3A_6, %sign3A_9 : i32
    %sign3A_11 = arith.extui %sign3A_10 : i1 to i32
    %sign3A_12 = arith.subi %sign3A_8, %sign3A_11 : i32
    %sign3A_13 = arith.constant 0 : i32
    %sign3A_14 = arith.cmpi sgt, %jit3A, %sign3A_13 : i32
    %sign3A_15 = arith.extui %sign3A_14 : i1 to i32
    %sign3A_16 = arith.constant 0 : i32
    %sign3A_17 = arith.cmpi slt, %jit3A, %sign3A_16 : i32
    %sign3A_18 = arith.extui %sign3A_17 : i1 to i32
    %sign3A_19 = arith.subi %sign3A_15, %sign3A_18 : i32
    %ne3A = arith.cmpi ne, %sign3A_12, %sign3A_19 : i32
    %rem3A = arith.remsi %mul3A_6, %jit3A : i32
    %ne3A_20 = arith.constant 0 : i32
    %ne3A_21 = arith.cmpi ne, %rem3A, %ne3A_20 : i32
    %and3A = arith.andi %ne3A, %ne3A_21 : i1
    %sub3A = arith.constant 1 : i32
    %sub3A_22 = arith.subi %div3A, %sub3A : i32
    %select_n3A = arith.select %and3A, %sub3A_22, %div3A : i32
    %add3A_23 = arith.constant 1 : i32
    %add3A_24 = arith.addi %add3A, %add3A_23 : i32
    %mul3A_25 = arith.constant 2500 : i32
    %mul3A_26 = arith.muli %add3A_24, %mul3A_25 : i32
    %jit3A_27 = arith.constant 32 : i32
    %div3A_28 = arith.divsi %mul3A_26, %jit3A_27 : i32
    %sign3A_29 = arith.constant 0 : i32
    %sign3A_30 = arith.cmpi sgt, %mul3A_26, %sign3A_29 : i32
    %sign3A_31 = arith.extui %sign3A_30 : i1 to i32
    %sign3A_32 = arith.constant 0 : i32
    %sign3A_33 = arith.cmpi slt, %mul3A_26, %sign3A_32 : i32
    %sign3A_34 = arith.extui %sign3A_33 : i1 to i32
    %sign3A_35 = arith.subi %sign3A_31, %sign3A_34 : i32
    %sign3A_36 = arith.constant 0 : i32
    %sign3A_37 = arith.cmpi sgt, %jit3A_27, %sign3A_36 : i32
    %sign3A_38 = arith.extui %sign3A_37 : i1 to i32
    %sign3A_39 = arith.constant 0 : i32
    %sign3A_40 = arith.cmpi slt, %jit3A_27, %sign3A_39 : i32
    %sign3A_41 = arith.extui %sign3A_40 : i1 to i32
    %sign3A_42 = arith.subi %sign3A_38, %sign3A_41 : i32
    %ne3A_43 = arith.cmpi ne, %sign3A_35, %sign3A_42 : i32
    %rem3A_44 = arith.remsi %mul3A_26, %jit3A_27 : i32
    %ne3A_45 = arith.constant 0 : i32
    %ne3A_46 = arith.cmpi ne, %rem3A_44, %ne3A_45 : i32
    %and3A_47 = arith.andi %ne3A_43, %ne3A_46 : i1
    %sub3A_48 = arith.constant 1 : i32
    %sub3A_49 = arith.subi %div3A_28, %sub3A_48 : i32
    %select_n3A_50 = arith.select %and3A_47, %sub3A_49, %div3A_28 : i32
    %while3A = arith.constant 0 : i32
    %while3A_51 = arith.subi %select_n3A_50, %select_n3A : i32
    %while3A_52 = arith.addi %select_n3A, %while3A_51 : i32
    %while3A_53 = arith.constant 1 : i32
    %while3A_54 = arith.divsi %while3A_51, %while3A_53 : i32
    %while3A_55 = arith.muli %while3A_54, %while3A_53 : i32
    %while3A_56 = arith.addi %select_n3A, %while3A_55 : i32
    %while3A_57 = arith.constant 1 : i32
    scf.for %while3A_64 = %select_n3A to %while3A_56 step %while3A_57  : i32 {
      %mul3A_65 = arith.constant 128 : i32
      %mul3A_66 = arith.muli %while3A_64, %mul3A_65 : i32
      "tpu.region"() ({
        %run_scoped3A = tpu.sem_alloc : memref<!tpu.dma_semaphore, #tpu.memory_space<semaphore_mem>>
        %dma_start3A_73 = tpu.memref_slice %arg3[%mul3A_66] : memref<320000xi32, #tpu.memory_space<hbm>> -> memref<128xi32, #tpu.memory_space<hbm>>
        %dma_start3A_74 = tpu.memref_slice %arg3[%mul3A_66] : memref<320000xi32, #tpu.memory_space<hbm>> -> memref<128xi32, #tpu.memory_space<hbm>>
        tpu.enqueue_dma source(%dma_start3A_74 : memref<128xi32, #tpu.memory_space<hbm>>) target(%arg7 : memref<128xi32, #tpu.memory_space<vmem>>) target_semaphore(%run_scoped3A : memref<!tpu.dma_semaphore, #tpu.memory_space<semaphore_mem>>)
        %dma_wait3A_75 = tpu.memref_slice %arg3[%mul3A_66] : memref<320000xi32, #tpu.memory_space<hbm>> -> memref<128xi32, #tpu.memory_space<hbm>>
        %dma_wait3A_76 = tpu.memref_slice %arg3[%mul3A_66] : memref<320000xi32, #tpu.memory_space<hbm>> -> memref<128xi32, #tpu.memory_space<hbm>>
        tpu.wait_dma2 semaphore(%run_scoped3A : memref<!tpu.dma_semaphore, #tpu.memory_space<semaphore_mem>>) src(%dma_wait3A_76 : memref<128xi32, #tpu.memory_space<hbm>>) dst(%arg7 : memref<128xi32, #tpu.memory_space<vmem>>)
        tpu.yield
      }) : () -> ()
      %mul3A_67 = arith.constant 128 : i32
      %mul3A_68 = arith.muli %while3A_64, %mul3A_67 : i32
      "tpu.region"() ({
        %run_scoped3A = tpu.sem_alloc : memref<!tpu.dma_semaphore, #tpu.memory_space<semaphore_mem>>
        %dma_start3A_73 = tpu.memref_slice %arg4[%mul3A_68] : memref<320000xi32, #tpu.memory_space<hbm>> -> memref<128xi32, #tpu.memory_space<hbm>>
        %dma_start3A_74 = tpu.memref_slice %arg4[%mul3A_68] : memref<320000xi32, #tpu.memory_space<hbm>> -> memref<128xi32, #tpu.memory_space<hbm>>
        tpu.enqueue_dma source(%dma_start3A_74 : memref<128xi32, #tpu.memory_space<hbm>>) target(%arg8 : memref<128xi32, #tpu.memory_space<vmem>>) target_semaphore(%run_scoped3A : memref<!tpu.dma_semaphore, #tpu.memory_space<semaphore_mem>>)
        %dma_wait3A_75 = tpu.memref_slice %arg4[%mul3A_68] : memref<320000xi32, #tpu.memory_space<hbm>> -> memref<128xi32, #tpu.memory_space<hbm>>
        %dma_wait3A_76 = tpu.memref_slice %arg4[%mul3A_68] : memref<320000xi32, #tpu.memory_space<hbm>> -> memref<128xi32, #tpu.memory_space<hbm>>
        tpu.wait_dma2 semaphore(%run_scoped3A : memref<!tpu.dma_semaphore, #tpu.memory_space<semaphore_mem>>) src(%dma_wait3A_76 : memref<128xi32, #tpu.memory_space<hbm>>) dst(%arg8 : memref<128xi32, #tpu.memory_space<vmem>>)
        tpu.yield
      }) : () -> ()
      %dma_start3A = arith.constant 0 : i32
      %dma_start3A_69 = arith.constant 0 : i32
      %dma_start3A_70 = tpu.memref_slice %arg2[%dma_start3A, %dma_start3A_69] : memref<10000x128xf32, #tpu.memory_space<hbm>> -> memref<10000x128xf32, #tpu.memory_space<hbm>>
      tpu.enqueue_indirect_dma source(%dma_start3A_70 : memref<10000x128xf32, #tpu.memory_space<hbm>>) target(%arg9 : memref<128x128xf32, #tpu.memory_space<vmem>>) offsets(%arg7 : memref<128xi32, #tpu.memory_space<vmem>>) semaphore(%arg11 : memref<!tpu.dma_semaphore, #tpu.memory_space<semaphore_mem>>)
      %dma_wait3A = arith.constant 0 : i32
      %dma_wait3A_71 = arith.constant 0 : i32
      %dma_wait3A_72 = tpu.memref_slice %arg2[%dma_wait3A, %dma_wait3A_71] : memref<10000x128xf32, #tpu.memory_space<hbm>> -> memref<10000x128xf32, #tpu.memory_space<hbm>>
      tpu.wait_indirect_dma semaphore(%arg11 : memref<!tpu.dma_semaphore, #tpu.memory_space<semaphore_mem>>) src(%dma_wait3A_72 : memref<10000x128xf32, #tpu.memory_space<hbm>>) dst(%arg9 : memref<128x128xf32, #tpu.memory_space<vmem>>)
      "tpu.region"() ({
        %run_scoped3A = tpu.sem_alloc : memref<!tpu.dma_semaphore, #tpu.memory_space<semaphore_mem>>
        %dma_start3A_73 = arith.constant 0 : i32
        %dma_start3A_74 = arith.constant 0 : i32
        %dma_start3A_75 = tpu.memref_slice %arg10[%dma_start3A_73, %dma_start3A_74] : memref<10240x128xf32, #tpu.memory_space<vmem_shared>> -> memref<10240x128xf32, #tpu.memory_space<vmem_shared>>
        tpu.enqueue_indirect_dma source(%arg9 : memref<128x128xf32, #tpu.memory_space<vmem>>) target(%dma_start3A_75 : memref<10240x128xf32, #tpu.memory_space<vmem_shared>>) offsets(%arg8 : memref<128xi32, #tpu.memory_space<vmem>>) semaphore(%run_scoped3A : memref<!tpu.dma_semaphore, #tpu.memory_space<semaphore_mem>>) {add = true}
        %dma_wait3A_76 = arith.constant 0 : i32
        %dma_wait3A_77 = arith.constant 0 : i32
        %dma_wait3A_78 = tpu.memref_slice %arg10[%dma_wait3A_76, %dma_wait3A_77] : memref<10240x128xf32, #tpu.memory_space<vmem_shared>> -> memref<10240x128xf32, #tpu.memory_space<vmem_shared>>
        tpu.wait_indirect_dma semaphore(%run_scoped3A : memref<!tpu.dma_semaphore, #tpu.memory_space<semaphore_mem>>) src(%arg9 : memref<128x128xf32, #tpu.memory_space<vmem>>) dst(%dma_wait3A_78 : memref<10240x128xf32, #tpu.memory_space<vmem_shared>>)
        tpu.yield
      }) : () -> ()
    }
    %while3A_58 = arith.constant 1 : i32
    scf.for %while3A_64 = %while3A_56 to %while3A_52 step %while3A_58  : i32 {
      %mul3A_65 = arith.constant 128 : i32
      %mul3A_66 = arith.muli %while3A_64, %mul3A_65 : i32
      "tpu.region"() ({
        %run_scoped3A = tpu.sem_alloc : memref<!tpu.dma_semaphore, #tpu.memory_space<semaphore_mem>>
        %dma_start3A_73 = tpu.memref_slice %arg3[%mul3A_66] : memref<320000xi32, #tpu.memory_space<hbm>> -> memref<128xi32, #tpu.memory_space<hbm>>
        %dma_start3A_74 = tpu.memref_slice %arg3[%mul3A_66] : memref<320000xi32, #tpu.memory_space<hbm>> -> memref<128xi32, #tpu.memory_space<hbm>>
        tpu.enqueue_dma source(%dma_start3A_74 : memref<128xi32, #tpu.memory_space<hbm>>) target(%arg7 : memref<128xi32, #tpu.memory_space<vmem>>) target_semaphore(%run_scoped3A : memref<!tpu.dma_semaphore, #tpu.memory_space<semaphore_mem>>)
        %dma_wait3A_75 = tpu.memref_slice %arg3[%mul3A_66] : memref<320000xi32, #tpu.memory_space<hbm>> -> memref<128xi32, #tpu.memory_space<hbm>>
        %dma_wait3A_76 = tpu.memref_slice %arg3[%mul3A_66] : memref<320000xi32, #tpu.memory_space<hbm>> -> memref<128xi32, #tpu.memory_space<hbm>>
        tpu.wait_dma2 semaphore(%run_scoped3A : memref<!tpu.dma_semaphore, #tpu.memory_space<semaphore_mem>>) src(%dma_wait3A_76 : memref<128xi32, #tpu.memory_space<hbm>>) dst(%arg7 : memref<128xi32, #tpu.memory_space<vmem>>)
        tpu.yield
      }) : () -> ()
      %mul3A_67 = arith.constant 128 : i32
      %mul3A_68 = arith.muli %while3A_64, %mul3A_67 : i32
      "tpu.region"() ({
        %run_scoped3A = tpu.sem_alloc : memref<!tpu.dma_semaphore, #tpu.memory_space<semaphore_mem>>
        %dma_start3A_73 = tpu.memref_slice %arg4[%mul3A_68] : memref<320000xi32, #tpu.memory_space<hbm>> -> memref<128xi32, #tpu.memory_space<hbm>>
        %dma_start3A_74 = tpu.memref_slice %arg4[%mul3A_68] : memref<320000xi32, #tpu.memory_space<hbm>> -> memref<128xi32, #tpu.memory_space<hbm>>
        tpu.enqueue_dma source(%dma_start3A_74 : memref<128xi32, #tpu.memory_space<hbm>>) target(%arg8 : memref<128xi32, #tpu.memory_space<vmem>>) target_semaphore(%run_scoped3A : memref<!tpu.dma_semaphore, #tpu.memory_space<semaphore_mem>>)
        %dma_wait3A_75 = tpu.memref_slice %arg4[%mul3A_68] : memref<320000xi32, #tpu.memory_space<hbm>> -> memref<128xi32, #tpu.memory_space<hbm>>
        %dma_wait3A_76 = tpu.memref_slice %arg4[%mul3A_68] : memref<320000xi32, #tpu.memory_space<hbm>> -> memref<128xi32, #tpu.memory_space<hbm>>
        tpu.wait_dma2 semaphore(%run_scoped3A : memref<!tpu.dma_semaphore, #tpu.memory_space<semaphore_mem>>) src(%dma_wait3A_76 : memref<128xi32, #tpu.memory_space<hbm>>) dst(%arg8 : memref<128xi32, #tpu.memory_space<vmem>>)
        tpu.yield
      }) : () -> ()
      %dma_start3A = arith.constant 0 : i32
      %dma_start3A_69 = arith.constant 0 : i32
      %dma_start3A_70 = tpu.memref_slice %arg2[%dma_start3A, %dma_start3A_69] : memref<10000x128xf32, #tpu.memory_space<hbm>> -> memref<10000x128xf32, #tpu.memory_space<hbm>>
      tpu.enqueue_indirect_dma source(%dma_start3A_70 : memref<10000x128xf32, #tpu.memory_space<hbm>>) target(%arg9 : memref<128x128xf32, #tpu.memory_space<vmem>>) offsets(%arg7 : memref<128xi32, #tpu.memory_space<vmem>>) semaphore(%arg11 : memref<!tpu.dma_semaphore, #tpu.memory_space<semaphore_mem>>)
      %dma_wait3A = arith.constant 0 : i32
      %dma_wait3A_71 = arith.constant 0 : i32
      %dma_wait3A_72 = tpu.memref_slice %arg2[%dma_wait3A, %dma_wait3A_71] : memref<10000x128xf32, #tpu.memory_space<hbm>> -> memref<10000x128xf32, #tpu.memory_space<hbm>>
      tpu.wait_indirect_dma semaphore(%arg11 : memref<!tpu.dma_semaphore, #tpu.memory_space<semaphore_mem>>) src(%dma_wait3A_72 : memref<10000x128xf32, #tpu.memory_space<hbm>>) dst(%arg9 : memref<128x128xf32, #tpu.memory_space<vmem>>)
      "tpu.region"() ({
        %run_scoped3A = tpu.sem_alloc : memref<!tpu.dma_semaphore, #tpu.memory_space<semaphore_mem>>
        %dma_start3A_73 = arith.constant 0 : i32
        %dma_start3A_74 = arith.constant 0 : i32
        %dma_start3A_75 = tpu.memref_slice %arg10[%dma_start3A_73, %dma_start3A_74] : memref<10240x128xf32, #tpu.memory_space<vmem_shared>> -> memref<10240x128xf32, #tpu.memory_space<vmem_shared>>
        tpu.enqueue_indirect_dma source(%arg9 : memref<128x128xf32, #tpu.memory_space<vmem>>) target(%dma_start3A_75 : memref<10240x128xf32, #tpu.memory_space<vmem_shared>>) offsets(%arg8 : memref<128xi32, #tpu.memory_space<vmem>>) semaphore(%run_scoped3A : memref<!tpu.dma_semaphore, #tpu.memory_space<semaphore_mem>>) {add = true}
        %dma_wait3A_76 = arith.constant 0 : i32
        %dma_wait3A_77 = arith.constant 0 : i32
        %dma_wait3A_78 = tpu.memref_slice %arg10[%dma_wait3A_76, %dma_wait3A_77] : memref<10240x128xf32, #tpu.memory_space<vmem_shared>> -> memref<10240x128xf32, #tpu.memory_space<vmem_shared>>
        tpu.wait_indirect_dma semaphore(%run_scoped3A : memref<!tpu.dma_semaphore, #tpu.memory_space<semaphore_mem>>) src(%arg9 : memref<128x128xf32, #tpu.memory_space<vmem>>) dst(%dma_wait3A_78 : memref<10240x128xf32, #tpu.memory_space<vmem_shared>>)
        tpu.yield
      }) : () -> ()
    }
    %barrier3A_59 = arith.constant 0 : index
    tpu.barrier barrier_id(%barrier3A_59)
    %mul3A_60 = arith.constant 640 : i32
    %mul3A_61 = arith.muli %arg1, %mul3A_60 : i32
    %mul3A_62 = arith.constant 640 : i32
    %mul3A_63 = arith.muli %arg1, %mul3A_62 : i32
    "tpu.region"() ({
      %run_scoped3A = tpu.sem_alloc : memref<!tpu.dma_semaphore, #tpu.memory_space<semaphore_mem>>
      %dma_start3A = arith.constant 0 : i32
      %dma_start3A_64 = tpu.memref_slice %arg6[%arg0, %mul3A_63, %dma_start3A] : memref<2x10240x128xf32, #tpu.memory_space<hbm>> -> memref<1x640x128xf32, #tpu.memory_space<hbm>>
      %dma_start3A_65 = tpu.memref_squeeze %dma_start3A_64 : memref<1x640x128xf32, #tpu.memory_space<hbm>> -> memref<640x128xf32, #tpu.memory_space<hbm>>
      %dma_start3A_66 = arith.constant 0 : i32
      %dma_start3A_67 = tpu.memref_slice %arg10[%mul3A_61, %dma_start3A_66] : memref<10240x128xf32, #tpu.memory_space<vmem_shared>> -> memref<640x128xf32, #tpu.memory_space<vmem_shared>>
      tpu.enqueue_dma source(%dma_start3A_67 : memref<640x128xf32, #tpu.memory_space<vmem_shared>>) target(%dma_start3A_65 : memref<640x128xf32, #tpu.memory_space<hbm>>) target_semaphore(%run_scoped3A : memref<!tpu.dma_semaphore, #tpu.memory_space<semaphore_mem>>)
      %dma_wait3A = arith.constant 0 : i32
      %dma_wait3A_68 = tpu.memref_slice %arg6[%arg0, %mul3A_63, %dma_wait3A] : memref<2x10240x128xf32, #tpu.memory_space<hbm>> -> memref<1x640x128xf32, #tpu.memory_space<hbm>>
      %dma_wait3A_69 = tpu.memref_squeeze %dma_wait3A_68 : memref<1x640x128xf32, #tpu.memory_space<hbm>> -> memref<640x128xf32, #tpu.memory_space<hbm>>
      %dma_wait3A_70 = arith.constant 0 : i32
      %dma_wait3A_71 = tpu.memref_slice %arg10[%mul3A_61, %dma_wait3A_70] : memref<10240x128xf32, #tpu.memory_space<vmem_shared>> -> memref<640x128xf32, #tpu.memory_space<vmem_shared>>
      tpu.wait_dma2 semaphore(%run_scoped3A : memref<!tpu.dma_semaphore, #tpu.memory_space<semaphore_mem>>) src(%dma_wait3A_71 : memref<640x128xf32, #tpu.memory_space<vmem_shared>>) dst(%dma_wait3A_69 : memref<640x128xf32, #tpu.memory_space<hbm>>)
      tpu.yield
    }) : () -> ()
    return
  }
}

#map = affine_map<(d0, d1) -> (0, 0)>
#map1 = affine_map<(d0, d1) -> (0)>
#map2 = affine_map<(d0, d1) -> (0, 0, 0)>
module attributes {stable_mosaic.version = 14 : i64} {
  func.func @prop(%arg0: i32, %arg1: i32, %arg2: memref<10000x48xf32, #tpu.memory_space<hbm>>, %arg3: memref<320000xi32, #tpu.memory_space<hbm>>, %arg4: memref<320000xi32, #tpu.memory_space<hbm>>, %arg5: memref<10240x48xf32, #tpu.memory_space<hbm>>, %arg6: memref<2x10240x48xf32, #tpu.memory_space<hbm>>, %arg7: memref<128xi32, #tpu.memory_space<vmem>>, %arg8: memref<128xi32, #tpu.memory_space<vmem>>, %arg9: memref<128x48xf32, #tpu.memory_space<vmem>>, %arg10: memref<10240x48xf32, #tpu.memory_space<vmem_shared>>, %arg11: memref<!tpu.dma_semaphore, #tpu.memory_space<semaphore_mem>>) attributes {dimension_semantics = [#tpu.dimension_semantics<core_parallel>, #tpu.dimension_semantics<subcore_parallel>], iteration_bounds = array<i64: 2, 16>, scalar_prefetch = 0 : i64, scratch_operands = 5 : i64, tpu.core_type = #tpu.core_type<sc_vector_subcore>, window_params = [{transform_indices = #map}, {transform_indices = #map1}, {transform_indices = #map1}, {transform_indices = #map}, {transform_indices = #map2}]} {
    %mul3A = arith.constant 2 : i32
    %mul3A_0 = arith.muli %arg1, %mul3A : i32
    %add3A = arith.addi %mul3A_0, %arg0 : i32
    %mul3A_1 = arith.constant 640 : i32
    %mul3A_2 = arith.muli %arg1, %mul3A_1 : i32
    %mul3A_3 = arith.constant 640 : i32
    %mul3A_4 = arith.muli %arg1, %mul3A_3 : i32
    "tpu.region"() ({
      %run_scoped3A = tpu.sem_alloc : memref<!tpu.dma_semaphore, #tpu.memory_space<semaphore_mem>>
      %dma_start3A = arith.constant 0 : i32
      %dma_start3A_64 = tpu.memref_slice %arg10[%mul3A_4, %dma_start3A] : memref<10240x48xf32, #tpu.memory_space<vmem_shared>> -> memref<640x48xf32, #tpu.memory_space<vmem_shared>>
      %dma_start3A_65 = arith.constant 0 : i32
      %dma_start3A_66 = tpu.memref_slice %arg5[%mul3A_2, %dma_start3A_65] : memref<10240x48xf32, #tpu.memory_space<hbm>> -> memref<640x48xf32, #tpu.memory_space<hbm>>
      tpu.enqueue_dma source(%dma_start3A_66 : memref<640x48xf32, #tpu.memory_space<hbm>>) target(%dma_start3A_64 : memref<640x48xf32, #tpu.memory_space<vmem_shared>>) target_semaphore(%run_scoped3A : memref<!tpu.dma_semaphore, #tpu.memory_space<semaphore_mem>>)
      %dma_wait3A = arith.constant 0 : i32
      %dma_wait3A_67 = tpu.memref_slice %arg10[%mul3A_4, %dma_wait3A] : memref<10240x48xf32, #tpu.memory_space<vmem_shared>> -> memref<640x48xf32, #tpu.memory_space<vmem_shared>>
      %dma_wait3A_68 = arith.constant 0 : i32
      %dma_wait3A_69 = tpu.memref_slice %arg5[%mul3A_2, %dma_wait3A_68] : memref<10240x48xf32, #tpu.memory_space<hbm>> -> memref<640x48xf32, #tpu.memory_space<hbm>>
      tpu.wait_dma2 semaphore(%run_scoped3A : memref<!tpu.dma_semaphore, #tpu.memory_space<semaphore_mem>>) src(%dma_wait3A_69 : memref<640x48xf32, #tpu.memory_space<hbm>>) dst(%dma_wait3A_67 : memref<640x48xf32, #tpu.memory_space<vmem_shared>>)
      tpu.yield
    }) : () -> ()
    %barrier3A = arith.constant 0 : index
    tpu.barrier barrier_id(%barrier3A)
    %mul3A_5 = arith.constant 2500 : i32
    %mul3A_6 = arith.muli %add3A, %mul3A_5 : i32
    %jit3A = arith.constant 32 : i32
    %div3A = arith.divsi %mul3A_6, %jit3A : i32
    %sign3A = arith.constant 0 : i32
    %sign3A_7 = arith.cmpi sgt, %mul3A_6, %sign3A : i32
    %sign3A_8 = arith.extui %sign3A_7 : i1 to i32
    %sign3A_9 = arith.constant 0 : i32
    %sign3A_10 = arith.cmpi slt, %mul3A_6, %sign3A_9 : i32
    %sign3A_11 = arith.extui %sign3A_10 : i1 to i32
    %sign3A_12 = arith.subi %sign3A_8, %sign3A_11 : i32
    %sign3A_13 = arith.constant 0 : i32
    %sign3A_14 = arith.cmpi sgt, %jit3A, %sign3A_13 : i32
    %sign3A_15 = arith.extui %sign3A_14 : i1 to i32
    %sign3A_16 = arith.constant 0 : i32
    %sign3A_17 = arith.cmpi slt, %jit3A, %sign3A_16 : i32
    %sign3A_18 = arith.extui %sign3A_17 : i1 to i32
    %sign3A_19 = arith.subi %sign3A_15, %sign3A_18 : i32
    %ne3A = arith.cmpi ne, %sign3A_12, %sign3A_19 : i32
    %rem3A = arith.remsi %mul3A_6, %jit3A : i32
    %ne3A_20 = arith.constant 0 : i32
    %ne3A_21 = arith.cmpi ne, %rem3A, %ne3A_20 : i32
    %and3A = arith.andi %ne3A, %ne3A_21 : i1
    %sub3A = arith.constant 1 : i32
    %sub3A_22 = arith.subi %div3A, %sub3A : i32
    %select_n3A = arith.select %and3A, %sub3A_22, %div3A : i32
    %add3A_23 = arith.constant 1 : i32
    %add3A_24 = arith.addi %add3A, %add3A_23 : i32
    %mul3A_25 = arith.constant 2500 : i32
    %mul3A_26 = arith.muli %add3A_24, %mul3A_25 : i32
    %jit3A_27 = arith.constant 32 : i32
    %div3A_28 = arith.divsi %mul3A_26, %jit3A_27 : i32
    %sign3A_29 = arith.constant 0 : i32
    %sign3A_30 = arith.cmpi sgt, %mul3A_26, %sign3A_29 : i32
    %sign3A_31 = arith.extui %sign3A_30 : i1 to i32
    %sign3A_32 = arith.constant 0 : i32
    %sign3A_33 = arith.cmpi slt, %mul3A_26, %sign3A_32 : i32
    %sign3A_34 = arith.extui %sign3A_33 : i1 to i32
    %sign3A_35 = arith.subi %sign3A_31, %sign3A_34 : i32
    %sign3A_36 = arith.constant 0 : i32
    %sign3A_37 = arith.cmpi sgt, %jit3A_27, %sign3A_36 : i32
    %sign3A_38 = arith.extui %sign3A_37 : i1 to i32
    %sign3A_39 = arith.constant 0 : i32
    %sign3A_40 = arith.cmpi slt, %jit3A_27, %sign3A_39 : i32
    %sign3A_41 = arith.extui %sign3A_40 : i1 to i32
    %sign3A_42 = arith.subi %sign3A_38, %sign3A_41 : i32
    %ne3A_43 = arith.cmpi ne, %sign3A_35, %sign3A_42 : i32
    %rem3A_44 = arith.remsi %mul3A_26, %jit3A_27 : i32
    %ne3A_45 = arith.constant 0 : i32
    %ne3A_46 = arith.cmpi ne, %rem3A_44, %ne3A_45 : i32
    %and3A_47 = arith.andi %ne3A_43, %ne3A_46 : i1
    %sub3A_48 = arith.constant 1 : i32
    %sub3A_49 = arith.subi %div3A_28, %sub3A_48 : i32
    %select_n3A_50 = arith.select %and3A_47, %sub3A_49, %div3A_28 : i32
    %while3A = arith.constant 0 : i32
    %while3A_51 = arith.subi %select_n3A_50, %select_n3A : i32
    %while3A_52 = arith.addi %select_n3A, %while3A_51 : i32
    %while3A_53 = arith.constant 1 : i32
    %while3A_54 = arith.divsi %while3A_51, %while3A_53 : i32
    %while3A_55 = arith.muli %while3A_54, %while3A_53 : i32
    %while3A_56 = arith.addi %select_n3A, %while3A_55 : i32
    %while3A_57 = arith.constant 1 : i32
    scf.for %while3A_64 = %select_n3A to %while3A_56 step %while3A_57  : i32 {
      %mul3A_65 = arith.constant 128 : i32
      %mul3A_66 = arith.muli %while3A_64, %mul3A_65 : i32
      "tpu.region"() ({
        %run_scoped3A = tpu.sem_alloc : memref<!tpu.dma_semaphore, #tpu.memory_space<semaphore_mem>>
        %dma_start3A_73 = tpu.memref_slice %arg3[%mul3A_66] : memref<320000xi32, #tpu.memory_space<hbm>> -> memref<128xi32, #tpu.memory_space<hbm>>
        %dma_start3A_74 = tpu.memref_slice %arg3[%mul3A_66] : memref<320000xi32, #tpu.memory_space<hbm>> -> memref<128xi32, #tpu.memory_space<hbm>>
        tpu.enqueue_dma source(%dma_start3A_74 : memref<128xi32, #tpu.memory_space<hbm>>) target(%arg7 : memref<128xi32, #tpu.memory_space<vmem>>) target_semaphore(%run_scoped3A : memref<!tpu.dma_semaphore, #tpu.memory_space<semaphore_mem>>)
        %dma_wait3A_75 = tpu.memref_slice %arg3[%mul3A_66] : memref<320000xi32, #tpu.memory_space<hbm>> -> memref<128xi32, #tpu.memory_space<hbm>>
        %dma_wait3A_76 = tpu.memref_slice %arg3[%mul3A_66] : memref<320000xi32, #tpu.memory_space<hbm>> -> memref<128xi32, #tpu.memory_space<hbm>>
        tpu.wait_dma2 semaphore(%run_scoped3A : memref<!tpu.dma_semaphore, #tpu.memory_space<semaphore_mem>>) src(%dma_wait3A_76 : memref<128xi32, #tpu.memory_space<hbm>>) dst(%arg7 : memref<128xi32, #tpu.memory_space<vmem>>)
        tpu.yield
      }) : () -> ()
      %mul3A_67 = arith.constant 128 : i32
      %mul3A_68 = arith.muli %while3A_64, %mul3A_67 : i32
      "tpu.region"() ({
        %run_scoped3A = tpu.sem_alloc : memref<!tpu.dma_semaphore, #tpu.memory_space<semaphore_mem>>
        %dma_start3A_73 = tpu.memref_slice %arg4[%mul3A_68] : memref<320000xi32, #tpu.memory_space<hbm>> -> memref<128xi32, #tpu.memory_space<hbm>>
        %dma_start3A_74 = tpu.memref_slice %arg4[%mul3A_68] : memref<320000xi32, #tpu.memory_space<hbm>> -> memref<128xi32, #tpu.memory_space<hbm>>
        tpu.enqueue_dma source(%dma_start3A_74 : memref<128xi32, #tpu.memory_space<hbm>>) target(%arg8 : memref<128xi32, #tpu.memory_space<vmem>>) target_semaphore(%run_scoped3A : memref<!tpu.dma_semaphore, #tpu.memory_space<semaphore_mem>>)
        %dma_wait3A_75 = tpu.memref_slice %arg4[%mul3A_68] : memref<320000xi32, #tpu.memory_space<hbm>> -> memref<128xi32, #tpu.memory_space<hbm>>
        %dma_wait3A_76 = tpu.memref_slice %arg4[%mul3A_68] : memref<320000xi32, #tpu.memory_space<hbm>> -> memref<128xi32, #tpu.memory_space<hbm>>
        tpu.wait_dma2 semaphore(%run_scoped3A : memref<!tpu.dma_semaphore, #tpu.memory_space<semaphore_mem>>) src(%dma_wait3A_76 : memref<128xi32, #tpu.memory_space<hbm>>) dst(%arg8 : memref<128xi32, #tpu.memory_space<vmem>>)
        tpu.yield
      }) : () -> ()
      %dma_start3A = arith.constant 0 : i32
      %dma_start3A_69 = arith.constant 0 : i32
      %dma_start3A_70 = tpu.memref_slice %arg2[%dma_start3A, %dma_start3A_69] : memref<10000x48xf32, #tpu.memory_space<hbm>> -> memref<10000x48xf32, #tpu.memory_space<hbm>>
      tpu.enqueue_indirect_dma source(%dma_start3A_70 : memref<10000x48xf32, #tpu.memory_space<hbm>>) target(%arg9 : memref<128x48xf32, #tpu.memory_space<vmem>>) offsets(%arg7 : memref<128xi32, #tpu.memory_space<vmem>>) semaphore(%arg11 : memref<!tpu.dma_semaphore, #tpu.memory_space<semaphore_mem>>)
      %dma_wait3A = arith.constant 0 : i32
      %dma_wait3A_71 = arith.constant 0 : i32
      %dma_wait3A_72 = tpu.memref_slice %arg2[%dma_wait3A, %dma_wait3A_71] : memref<10000x48xf32, #tpu.memory_space<hbm>> -> memref<10000x48xf32, #tpu.memory_space<hbm>>
      tpu.wait_indirect_dma semaphore(%arg11 : memref<!tpu.dma_semaphore, #tpu.memory_space<semaphore_mem>>) src(%dma_wait3A_72 : memref<10000x48xf32, #tpu.memory_space<hbm>>) dst(%arg9 : memref<128x48xf32, #tpu.memory_space<vmem>>)
      "tpu.region"() ({
        %run_scoped3A = tpu.sem_alloc : memref<!tpu.dma_semaphore, #tpu.memory_space<semaphore_mem>>
        %dma_start3A_73 = arith.constant 0 : i32
        %dma_start3A_74 = arith.constant 0 : i32
        %dma_start3A_75 = tpu.memref_slice %arg10[%dma_start3A_73, %dma_start3A_74] : memref<10240x48xf32, #tpu.memory_space<vmem_shared>> -> memref<10240x48xf32, #tpu.memory_space<vmem_shared>>
        tpu.enqueue_indirect_dma source(%arg9 : memref<128x48xf32, #tpu.memory_space<vmem>>) target(%dma_start3A_75 : memref<10240x48xf32, #tpu.memory_space<vmem_shared>>) offsets(%arg8 : memref<128xi32, #tpu.memory_space<vmem>>) semaphore(%run_scoped3A : memref<!tpu.dma_semaphore, #tpu.memory_space<semaphore_mem>>) {add = true}
        %dma_wait3A_76 = arith.constant 0 : i32
        %dma_wait3A_77 = arith.constant 0 : i32
        %dma_wait3A_78 = tpu.memref_slice %arg10[%dma_wait3A_76, %dma_wait3A_77] : memref<10240x48xf32, #tpu.memory_space<vmem_shared>> -> memref<10240x48xf32, #tpu.memory_space<vmem_shared>>
        tpu.wait_indirect_dma semaphore(%run_scoped3A : memref<!tpu.dma_semaphore, #tpu.memory_space<semaphore_mem>>) src(%arg9 : memref<128x48xf32, #tpu.memory_space<vmem>>) dst(%dma_wait3A_78 : memref<10240x48xf32, #tpu.memory_space<vmem_shared>>)
        tpu.yield
      }) : () -> ()
    }
    %while3A_58 = arith.constant 1 : i32
    scf.for %while3A_64 = %while3A_56 to %while3A_52 step %while3A_58  : i32 {
      %mul3A_65 = arith.constant 128 : i32
      %mul3A_66 = arith.muli %while3A_64, %mul3A_65 : i32
      "tpu.region"() ({
        %run_scoped3A = tpu.sem_alloc : memref<!tpu.dma_semaphore, #tpu.memory_space<semaphore_mem>>
        %dma_start3A_73 = tpu.memref_slice %arg3[%mul3A_66] : memref<320000xi32, #tpu.memory_space<hbm>> -> memref<128xi32, #tpu.memory_space<hbm>>
        %dma_start3A_74 = tpu.memref_slice %arg3[%mul3A_66] : memref<320000xi32, #tpu.memory_space<hbm>> -> memref<128xi32, #tpu.memory_space<hbm>>
        tpu.enqueue_dma source(%dma_start3A_74 : memref<128xi32, #tpu.memory_space<hbm>>) target(%arg7 : memref<128xi32, #tpu.memory_space<vmem>>) target_semaphore(%run_scoped3A : memref<!tpu.dma_semaphore, #tpu.memory_space<semaphore_mem>>)
        %dma_wait3A_75 = tpu.memref_slice %arg3[%mul3A_66] : memref<320000xi32, #tpu.memory_space<hbm>> -> memref<128xi32, #tpu.memory_space<hbm>>
        %dma_wait3A_76 = tpu.memref_slice %arg3[%mul3A_66] : memref<320000xi32, #tpu.memory_space<hbm>> -> memref<128xi32, #tpu.memory_space<hbm>>
        tpu.wait_dma2 semaphore(%run_scoped3A : memref<!tpu.dma_semaphore, #tpu.memory_space<semaphore_mem>>) src(%dma_wait3A_76 : memref<128xi32, #tpu.memory_space<hbm>>) dst(%arg7 : memref<128xi32, #tpu.memory_space<vmem>>)
        tpu.yield
      }) : () -> ()
      %mul3A_67 = arith.constant 128 : i32
      %mul3A_68 = arith.muli %while3A_64, %mul3A_67 : i32
      "tpu.region"() ({
        %run_scoped3A = tpu.sem_alloc : memref<!tpu.dma_semaphore, #tpu.memory_space<semaphore_mem>>
        %dma_start3A_73 = tpu.memref_slice %arg4[%mul3A_68] : memref<320000xi32, #tpu.memory_space<hbm>> -> memref<128xi32, #tpu.memory_space<hbm>>
        %dma_start3A_74 = tpu.memref_slice %arg4[%mul3A_68] : memref<320000xi32, #tpu.memory_space<hbm>> -> memref<128xi32, #tpu.memory_space<hbm>>
        tpu.enqueue_dma source(%dma_start3A_74 : memref<128xi32, #tpu.memory_space<hbm>>) target(%arg8 : memref<128xi32, #tpu.memory_space<vmem>>) target_semaphore(%run_scoped3A : memref<!tpu.dma_semaphore, #tpu.memory_space<semaphore_mem>>)
        %dma_wait3A_75 = tpu.memref_slice %arg4[%mul3A_68] : memref<320000xi32, #tpu.memory_space<hbm>> -> memref<128xi32, #tpu.memory_space<hbm>>
        %dma_wait3A_76 = tpu.memref_slice %arg4[%mul3A_68] : memref<320000xi32, #tpu.memory_space<hbm>> -> memref<128xi32, #tpu.memory_space<hbm>>
        tpu.wait_dma2 semaphore(%run_scoped3A : memref<!tpu.dma_semaphore, #tpu.memory_space<semaphore_mem>>) src(%dma_wait3A_76 : memref<128xi32, #tpu.memory_space<hbm>>) dst(%arg8 : memref<128xi32, #tpu.memory_space<vmem>>)
        tpu.yield
      }) : () -> ()
      %dma_start3A = arith.constant 0 : i32
      %dma_start3A_69 = arith.constant 0 : i32
      %dma_start3A_70 = tpu.memref_slice %arg2[%dma_start3A, %dma_start3A_69] : memref<10000x48xf32, #tpu.memory_space<hbm>> -> memref<10000x48xf32, #tpu.memory_space<hbm>>
      tpu.enqueue_indirect_dma source(%dma_start3A_70 : memref<10000x48xf32, #tpu.memory_space<hbm>>) target(%arg9 : memref<128x48xf32, #tpu.memory_space<vmem>>) offsets(%arg7 : memref<128xi32, #tpu.memory_space<vmem>>) semaphore(%arg11 : memref<!tpu.dma_semaphore, #tpu.memory_space<semaphore_mem>>)
      %dma_wait3A = arith.constant 0 : i32
      %dma_wait3A_71 = arith.constant 0 : i32
      %dma_wait3A_72 = tpu.memref_slice %arg2[%dma_wait3A, %dma_wait3A_71] : memref<10000x48xf32, #tpu.memory_space<hbm>> -> memref<10000x48xf32, #tpu.memory_space<hbm>>
      tpu.wait_indirect_dma semaphore(%arg11 : memref<!tpu.dma_semaphore, #tpu.memory_space<semaphore_mem>>) src(%dma_wait3A_72 : memref<10000x48xf32, #tpu.memory_space<hbm>>) dst(%arg9 : memref<128x48xf32, #tpu.memory_space<vmem>>)
      "tpu.region"() ({
        %run_scoped3A = tpu.sem_alloc : memref<!tpu.dma_semaphore, #tpu.memory_space<semaphore_mem>>
        %dma_start3A_73 = arith.constant 0 : i32
        %dma_start3A_74 = arith.constant 0 : i32
        %dma_start3A_75 = tpu.memref_slice %arg10[%dma_start3A_73, %dma_start3A_74] : memref<10240x48xf32, #tpu.memory_space<vmem_shared>> -> memref<10240x48xf32, #tpu.memory_space<vmem_shared>>
        tpu.enqueue_indirect_dma source(%arg9 : memref<128x48xf32, #tpu.memory_space<vmem>>) target(%dma_start3A_75 : memref<10240x48xf32, #tpu.memory_space<vmem_shared>>) offsets(%arg8 : memref<128xi32, #tpu.memory_space<vmem>>) semaphore(%run_scoped3A : memref<!tpu.dma_semaphore, #tpu.memory_space<semaphore_mem>>) {add = true}
        %dma_wait3A_76 = arith.constant 0 : i32
        %dma_wait3A_77 = arith.constant 0 : i32
        %dma_wait3A_78 = tpu.memref_slice %arg10[%dma_wait3A_76, %dma_wait3A_77] : memref<10240x48xf32, #tpu.memory_space<vmem_shared>> -> memref<10240x48xf32, #tpu.memory_space<vmem_shared>>
        tpu.wait_indirect_dma semaphore(%run_scoped3A : memref<!tpu.dma_semaphore, #tpu.memory_space<semaphore_mem>>) src(%arg9 : memref<128x48xf32, #tpu.memory_space<vmem>>) dst(%dma_wait3A_78 : memref<10240x48xf32, #tpu.memory_space<vmem_shared>>)
        tpu.yield
      }) : () -> ()
    }
    %barrier3A_59 = arith.constant 0 : index
    tpu.barrier barrier_id(%barrier3A_59)
    %mul3A_60 = arith.constant 640 : i32
    %mul3A_61 = arith.muli %arg1, %mul3A_60 : i32
    %mul3A_62 = arith.constant 640 : i32
    %mul3A_63 = arith.muli %arg1, %mul3A_62 : i32
    "tpu.region"() ({
      %run_scoped3A = tpu.sem_alloc : memref<!tpu.dma_semaphore, #tpu.memory_space<semaphore_mem>>
      %dma_start3A = arith.constant 0 : i32
      %dma_start3A_64 = tpu.memref_slice %arg6[%arg0, %mul3A_63, %dma_start3A] : memref<2x10240x48xf32, #tpu.memory_space<hbm>> -> memref<1x640x48xf32, #tpu.memory_space<hbm>>
      %dma_start3A_65 = tpu.memref_squeeze %dma_start3A_64 : memref<1x640x48xf32, #tpu.memory_space<hbm>> -> memref<640x48xf32, #tpu.memory_space<hbm>>
      %dma_start3A_66 = arith.constant 0 : i32
      %dma_start3A_67 = tpu.memref_slice %arg10[%mul3A_61, %dma_start3A_66] : memref<10240x48xf32, #tpu.memory_space<vmem_shared>> -> memref<640x48xf32, #tpu.memory_space<vmem_shared>>
      tpu.enqueue_dma source(%dma_start3A_67 : memref<640x48xf32, #tpu.memory_space<vmem_shared>>) target(%dma_start3A_65 : memref<640x48xf32, #tpu.memory_space<hbm>>) target_semaphore(%run_scoped3A : memref<!tpu.dma_semaphore, #tpu.memory_space<semaphore_mem>>)
      %dma_wait3A = arith.constant 0 : i32
      %dma_wait3A_68 = tpu.memref_slice %arg6[%arg0, %mul3A_63, %dma_wait3A] : memref<2x10240x48xf32, #tpu.memory_space<hbm>> -> memref<1x640x48xf32, #tpu.memory_space<hbm>>
      %dma_wait3A_69 = tpu.memref_squeeze %dma_wait3A_68 : memref<1x640x48xf32, #tpu.memory_space<hbm>> -> memref<640x48xf32, #tpu.memory_space<hbm>>
      %dma_wait3A_70 = arith.constant 0 : i32
      %dma_wait3A_71 = tpu.memref_slice %arg10[%mul3A_61, %dma_wait3A_70] : memref<10240x48xf32, #tpu.memory_space<vmem_shared>> -> memref<640x48xf32, #tpu.memory_space<vmem_shared>>
      tpu.wait_dma2 semaphore(%run_scoped3A : memref<!tpu.dma_semaphore, #tpu.memory_space<semaphore_mem>>) src(%dma_wait3A_71 : memref<640x48xf32, #tpu.memory_space<vmem_shared>>) dst(%dma_wait3A_69 : memref<640x48xf32, #tpu.memory_space<hbm>>)
      tpu.yield
    }) : () -> ()
    return
  }
}

module attributes {stable_mosaic.version = 14 : i64} {
  func.func @_dinv_body(%arg0: memref<2x10000xf32, #tpu.memory_space<vmem>>, %arg1: memref<1x10000xf32, #tpu.memory_space<vmem>>) attributes {dimension_semantics = [], scalar_prefetch = 0 : i64, scratch_operands = 0 : i64, tpu.core_type = #tpu.core_type<tc>} {
    %get3A = arith.constant 0 : index
    %get3A_0 = arith.constant 0 : index
    %get3A_1 = vector.load %arg0[%get3A, %get3A_0] : memref<2x10000xf32, #tpu.memory_space<vmem>>, vector<2x10000xf32>
    %reduce_sum3A = arith.constant dense<0.000000e+00> : vector<10000xf32>
    %reduce_sum3A_2 = vector.multi_reduction <add>, %get3A_1, %reduce_sum3A [0] : vector<2x10000xf32> to vector<10000xf32>
    %broadcast_in_dim3A = vector.shape_cast %reduce_sum3A_2 : vector<10000xf32> to vector<1x10000xf32>
    %max3A = arith.constant 1.000000e+00 : f32
    %max3A_3 = vector.broadcast %max3A : f32 to vector<1x10000xf32>
    %max3A_4 = arith.maximumf %broadcast_in_dim3A, %max3A_3 : vector<1x10000xf32>
    %rsqrt3A = math.rsqrt %max3A_4 : vector<1x10000xf32>
    %swap3A = arith.constant 0 : index
    %swap3A_5 = arith.constant 0 : index
    %swap3A_6 = vector.load %arg1[%swap3A, %swap3A_5] : memref<1x10000xf32, #tpu.memory_space<vmem>>, vector<1x10000xf32>
    tpu.vector_store %arg1[%swap3A, %swap3A_5], %rsqrt3A {strides = array<i32>} : memref<1x10000xf32, #tpu.memory_space<vmem>>, vector<1x10000xf32>,
    return
  }
}

module attributes {stable_mosaic.version = 14 : i64} {
  func.func @_pre_body(%arg0: i32, %arg1: memref<1000x128xf32, #tpu.memory_space<vmem>>, %arg2: memref<1000x1xf32, #tpu.memory_space<vmem>>, %arg3: memref<128x256xf32, #tpu.memory_space<vmem>>, %arg4: memref<1x256xf32, #tpu.memory_space<vmem>>, %arg5: memref<1000x128xf32, #tpu.memory_space<vmem>>, %arg6: memref<1000x256xf32, #tpu.memory_space<vmem>>) attributes {dimension_semantics = [#tpu.dimension_semantics<arbitrary>], iteration_bounds = array<i64: 10>, scalar_prefetch = 0 : i64, scratch_operands = 0 : i64, tpu.core_type = #tpu.core_type<tc>, window_params = [{transform_indices = @transform_0, window_bounds = array<i64: 1000, 128>}, {transform_indices = @transform_1, window_bounds = array<i64: 1000, 1>}, {pipeline_mode = #tpu.pipeline_mode<synchronous>, transform_indices = @transform_2, window_bounds = array<i64: 128, 256>}, {pipeline_mode = #tpu.pipeline_mode<synchronous>, transform_indices = @transform_3, window_bounds = array<i64: 1, 256>}, {transform_indices = @transform_4, window_bounds = array<i64: 1000, 128>}, {transform_indices = @transform_5, window_bounds = array<i64: 1000, 256>}]} {
    %get3A = arith.constant 0 : index
    %get3A_0 = arith.constant 0 : index
    %get3A_1 = vector.load %arg1[%get3A, %get3A_0] : memref<1000x128xf32, #tpu.memory_space<vmem>>, vector<1000x128xf32>
    %get3A_2 = arith.constant 0 : index
    %get3A_3 = arith.constant 0 : index
    %get3A_4 = vector.load %arg2[%get3A_2, %get3A_3] : memref<1000x1xf32, #tpu.memory_space<vmem>>, vector<1000x1xf32>
    %mul3A = vector.broadcast %get3A_4 : vector<1000x1xf32> to vector<1000x128xf32>
    %mul3A_5 = arith.mulf %get3A_1, %mul3A : vector<1000x128xf32>
    %swap3A = arith.constant 0 : index
    %swap3A_6 = arith.constant 0 : index
    %swap3A_7 = vector.load %arg5[%swap3A, %swap3A_6] : memref<1000x128xf32, #tpu.memory_space<vmem>>, vector<1000x128xf32>
    tpu.vector_store %arg5[%swap3A, %swap3A_6], %mul3A_5 {strides = array<i32>} : memref<1000x128xf32, #tpu.memory_space<vmem>>, vector<1000x128xf32>,
    %get3A_8 = arith.constant 0 : index
    %get3A_9 = arith.constant 0 : index
    %get3A_10 = vector.load %arg3[%get3A_8, %get3A_9] : memref<128x256xf32, #tpu.memory_space<vmem>>, vector<128x256xf32>
    %dot_general3A = arith.constant dense<0.000000e+00> : vector<1000x256xf32>
    %dot_general3A_11 = tpu.matmul %get3A_1, %get3A_10, %dot_general3A {dimension_numbers = #tpu.dot_dimension_numbers<[1], [0], [0], [1], [0, 0, 1, 1], [], []>, transpose_lhs_hint = false} : vector<1000x128xf32>, vector<128x256xf32>, vector<1000x256xf32> -> vector<1000x256xf32>
    %get3A_12 = arith.constant 0 : index
    %get3A_13 = arith.constant 0 : index
    %get3A_14 = vector.load %arg4[%get3A_12, %get3A_13] : memref<1x256xf32, #tpu.memory_space<vmem>>, vector<1x256xf32>
    %add3A = vector.broadcast %get3A_14 : vector<1x256xf32> to vector<1000x256xf32>
    %add3A_15 = arith.addf %dot_general3A_11, %add3A : vector<1000x256xf32>
    %swap3A_16 = arith.constant 0 : index
    %swap3A_17 = arith.constant 0 : index
    %swap3A_18 = vector.load %arg6[%swap3A_16, %swap3A_17] : memref<1000x256xf32, #tpu.memory_space<vmem>>, vector<1000x256xf32>
    tpu.vector_store %arg6[%swap3A_16, %swap3A_17], %add3A_15 {strides = array<i32>} : memref<1000x256xf32, #tpu.memory_space<vmem>>, vector<1000x256xf32>,
    return
  }
  func.func @transform_0(%arg0: i32) -> (i32, i32) {
    %c0_i32 = arith.constant 0 : i32
    %c0_i32_0 = arith.constant 0 : i32
    return %arg0, %c0_i32 : i32, i32
  }
  func.func @transform_1(%arg0: i32) -> (i32, i32) {
    %c0_i32 = arith.constant 0 : i32
    %c0_i32_0 = arith.constant 0 : i32
    return %arg0, %c0_i32 : i32, i32
  }
  func.func @transform_2(%arg0: i32) -> (i32, i32) {
    %c0_i32 = arith.constant 0 : i32
    %c0_i32_0 = arith.constant 0 : i32
    %c0_i32_1 = arith.constant 0 : i32
    return %c0_i32, %c0_i32_0 : i32, i32
  }
  func.func @transform_3(%arg0: i32) -> (i32, i32) {
    %c0_i32 = arith.constant 0 : i32
    %c0_i32_0 = arith.constant 0 : i32
    %c0_i32_1 = arith.constant 0 : i32
    return %c0_i32, %c0_i32_0 : i32, i32
  }
  func.func @transform_4(%arg0: i32) -> (i32, i32) {
    %c0_i32 = arith.constant 0 : i32
    %c0_i32_0 = arith.constant 0 : i32
    return %arg0, %c0_i32 : i32, i32
  }
  func.func @transform_5(%arg0: i32) -> (i32, i32) {
    %c0_i32 = arith.constant 0 : i32
    %c0_i32_0 = arith.constant 0 : i32
    return %arg0, %c0_i32 : i32, i32
  }
}

module attributes {stable_mosaic.version = 14 : i64} {
  func.func @_mid_body(%arg0: i32, %arg1: memref<1000x256xf32, #tpu.memory_space<vmem>>, %arg2: memref<1x1000x128xf32, #tpu.memory_space<vmem>>, %arg3: memref<1x1000x128xf32, #tpu.memory_space<vmem>>, %arg4: memref<1000x1xf32, #tpu.memory_space<vmem>>, %arg5: memref<128x256xf32, #tpu.memory_space<vmem>>, %arg6: memref<256x80xf32, #tpu.memory_space<vmem>>, %arg7: memref<1x40xf32, #tpu.memory_space<vmem>>, %arg8: memref<1000x40xf32, #tpu.memory_space<vmem>>, %arg9: memref<1000x48xf32, #tpu.memory_space<vmem>>) attributes {dimension_semantics = [#tpu.dimension_semantics<arbitrary>], iteration_bounds = array<i64: 10>, scalar_prefetch = 0 : i64, scratch_operands = 0 : i64, tpu.core_type = #tpu.core_type<tc>, window_params = [{transform_indices = @transform_0, window_bounds = array<i64: 1000, 256>}, {transform_indices = @transform_1, window_bounds = array<i64: 1, 1000, 128>}, {transform_indices = @transform_2, window_bounds = array<i64: 1, 1000, 128>}, {transform_indices = @transform_3, window_bounds = array<i64: 1000, 1>}, {pipeline_mode = #tpu.pipeline_mode<synchronous>, transform_indices = @transform_4, window_bounds = array<i64: 128, 256>}, {pipeline_mode = #tpu.pipeline_mode<synchronous>, transform_indices = @transform_5, window_bounds = array<i64: 256, 80>}, {pipeline_mode = #tpu.pipeline_mode<synchronous>, transform_indices = @transform_6, window_bounds = array<i64: 1, 40>}, {transform_indices = @transform_7, window_bounds = array<i64: 1000, 40>}, {transform_indices = @transform_8, window_bounds = array<i64: 1000, 48>}]} {
    %get3A = arith.constant 0 : index
    %get3A_0 = arith.constant 0 : index
    %get3A_1 = vector.load %arg4[%get3A, %get3A_0] : memref<1000x1xf32, #tpu.memory_space<vmem>>, vector<1000x1xf32>
    %get3A_2 = arith.constant 0 : index
    %get3A_3 = arith.constant 0 : index
    %get3A_4 = arith.constant 0 : index
    %get3A_5 = vector.load %arg2[%get3A_2, %get3A_3, %get3A_4] : memref<1x1000x128xf32, #tpu.memory_space<vmem>>, vector<1x1000x128xf32>
    %get3A_6 = vector.shape_cast %get3A_5 : vector<1x1000x128xf32> to vector<1000x128xf32>
    %get3A_7 = arith.constant 0 : index
    %get3A_8 = arith.constant 0 : index
    %get3A_9 = arith.constant 0 : index
    %get3A_10 = vector.load %arg3[%get3A_7, %get3A_8, %get3A_9] : memref<1x1000x128xf32, #tpu.memory_space<vmem>>, vector<1x1000x128xf32>
    %get3A_11 = vector.shape_cast %get3A_10 : vector<1x1000x128xf32> to vector<1000x128xf32>
    %add3A = arith.addf %get3A_6, %get3A_11 : vector<1000x128xf32>
    %mul3A = vector.broadcast %get3A_1 : vector<1000x1xf32> to vector<1000x128xf32>
    %mul3A_12 = arith.mulf %add3A, %mul3A : vector<1000x128xf32>
    %get3A_13 = arith.constant 0 : index
    %get3A_14 = arith.constant 0 : index
    %get3A_15 = vector.load %arg1[%get3A_13, %get3A_14] : memref<1000x256xf32, #tpu.memory_space<vmem>>, vector<1000x256xf32>
    %get3A_16 = arith.constant 0 : index
    %get3A_17 = arith.constant 0 : index
    %get3A_18 = vector.load %arg5[%get3A_16, %get3A_17] : memref<128x256xf32, #tpu.memory_space<vmem>>, vector<128x256xf32>
    %dot_general3A = arith.constant dense<0.000000e+00> : vector<1000x256xf32>
    %dot_general3A_19 = tpu.matmul %mul3A_12, %get3A_18, %dot_general3A {dimension_numbers = #tpu.dot_dimension_numbers<[1], [0], [0], [1], [0, 0, 1, 1], [], []>, transpose_lhs_hint = false} : vector<1000x128xf32>, vector<128x256xf32>, vector<1000x256xf32> -> vector<1000x256xf32>
    %sub3A = arith.subf %get3A_15, %dot_general3A_19 : vector<1000x256xf32>
    %max3A = arith.constant 0.000000e+00 : f32
    %max3A_20 = vector.broadcast %max3A : f32 to vector<1000x256xf32>
    %max3A_21 = arith.maximumf %sub3A, %max3A_20 : vector<1000x256xf32>
    %get3A_22 = arith.constant 0 : index
    %get3A_23 = arith.constant 0 : index
    %get3A_24 = vector.load %arg6[%get3A_22, %get3A_23] : memref<256x80xf32, #tpu.memory_space<vmem>>, vector<256x80xf32>
    %dot_general3A_25 = arith.constant dense<0.000000e+00> : vector<1000x80xf32>
    %dot_general3A_26 = tpu.matmul %max3A_21, %get3A_24, %dot_general3A_25 {dimension_numbers = #tpu.dot_dimension_numbers<[1], [0], [0], [1], [0, 0, 1, 1], [], []>, transpose_lhs_hint = false} : vector<1000x256xf32>, vector<256x80xf32>, vector<1000x80xf32> -> vector<1000x80xf32>
    %slice3A = vector.extract_strided_slice %dot_general3A_26 {offsets = [0, 0], sizes = [1000, 40], strides = [1, 1]} : vector<1000x80xf32> to vector<1000x40xf32>
    %get3A_27 = arith.constant 0 : index
    %get3A_28 = arith.constant 0 : index
    %get3A_29 = vector.load %arg7[%get3A_27, %get3A_28] : memref<1x40xf32, #tpu.memory_space<vmem>>, vector<1x40xf32>
    %add3A_30 = vector.broadcast %get3A_29 : vector<1x40xf32> to vector<1000x40xf32>
    %add3A_31 = arith.addf %slice3A, %add3A_30 : vector<1000x40xf32>
    %swap3A = arith.constant 0 : index
    %swap3A_32 = arith.constant 0 : index
    %swap3A_33 = vector.load %arg8[%swap3A, %swap3A_32] : memref<1000x40xf32, #tpu.memory_space<vmem>>, vector<1000x40xf32>
    tpu.vector_store %arg8[%swap3A, %swap3A_32], %add3A_31 {strides = array<i32>} : memref<1000x40xf32, #tpu.memory_space<vmem>>, vector<1000x40xf32>,
    %slice3A_34 = vector.extract_strided_slice %dot_general3A_26 {offsets = [0, 40], sizes = [1000, 40], strides = [1, 1]} : vector<1000x80xf32> to vector<1000x40xf32>
    %mul3A_35 = vector.broadcast %get3A_1 : vector<1000x1xf32> to vector<1000x40xf32>
    %mul3A_36 = arith.mulf %slice3A_34, %mul3A_35 : vector<1000x40xf32>
    %broadcast_in_dim3A = arith.constant 0.000000e+00 : f32
    %broadcast_in_dim3A_37 = vector.broadcast %broadcast_in_dim3A : f32 to vector<1000x8xf32>
    %concatenate3A = tpu.concatenate %mul3A_36, %broadcast_in_dim3A_37 in 1 : vector<1000x40xf32>, vector<1000x8xf32> -> vector<1000x48xf32>
    %swap3A_38 = arith.constant 0 : index
    %swap3A_39 = arith.constant 0 : index
    %swap3A_40 = vector.load %arg9[%swap3A_38, %swap3A_39] : memref<1000x48xf32, #tpu.memory_space<vmem>>, vector<1000x48xf32>
    tpu.vector_store %arg9[%swap3A_38, %swap3A_39], %concatenate3A {strides = array<i32>} : memref<1000x48xf32, #tpu.memory_space<vmem>>, vector<1000x48xf32>,
    return
  }
  func.func @transform_0(%arg0: i32) -> (i32, i32) {
    %c0_i32 = arith.constant 0 : i32
    %c0_i32_0 = arith.constant 0 : i32
    return %arg0, %c0_i32 : i32, i32
  }
  func.func @transform_1(%arg0: i32) -> (i32, i32, i32) {
    %c0_i32 = arith.constant 0 : i32
    %c0_i32_0 = arith.constant 0 : i32
    %c0_i32_1 = arith.constant 0 : i32
    return %c0_i32, %arg0, %c0_i32_0 : i32, i32, i32
  }
  func.func @transform_2(%arg0: i32) -> (i32, i32, i32) {
    %c1_i32 = arith.constant 1 : i32
    %c0_i32 = arith.constant 0 : i32
    %c0_i32_0 = arith.constant 0 : i32
    return %c1_i32, %arg0, %c0_i32 : i32, i32, i32
  }
  func.func @transform_3(%arg0: i32) -> (i32, i32) {
    %c0_i32 = arith.constant 0 : i32
    %c0_i32_0 = arith.constant 0 : i32
    return %arg0, %c0_i32 : i32, i32
  }
  func.func @transform_4(%arg0: i32) -> (i32, i32) {
    %c0_i32 = arith.constant 0 : i32
    %c0_i32_0 = arith.constant 0 : i32
    %c0_i32_1 = arith.constant 0 : i32
    return %c0_i32, %c0_i32_0 : i32, i32
  }
  func.func @transform_5(%arg0: i32) -> (i32, i32) {
    %c0_i32 = arith.constant 0 : i32
    %c0_i32_0 = arith.constant 0 : i32
    %c0_i32_1 = arith.constant 0 : i32
    return %c0_i32, %c0_i32_0 : i32, i32
  }
  func.func @transform_6(%arg0: i32) -> (i32, i32) {
    %c0_i32 = arith.constant 0 : i32
    %c0_i32_0 = arith.constant 0 : i32
    %c0_i32_1 = arith.constant 0 : i32
    return %c0_i32, %c0_i32_0 : i32, i32
  }
  func.func @transform_7(%arg0: i32) -> (i32, i32) {
    %c0_i32 = arith.constant 0 : i32
    %c0_i32_0 = arith.constant 0 : i32
    return %arg0, %c0_i32 : i32, i32
  }
  func.func @transform_8(%arg0: i32) -> (i32, i32) {
    %c0_i32 = arith.constant 0 : i32
    %c0_i32_0 = arith.constant 0 : i32
    return %arg0, %c0_i32 : i32, i32
  }
}

module attributes {stable_mosaic.version = 14 : i64} {
  func.func @_fin_body(%arg0: i32, %arg1: memref<1000x40xf32, #tpu.memory_space<vmem>>, %arg2: memref<1x1000x48xf32, #tpu.memory_space<vmem>>, %arg3: memref<1x1000x48xf32, #tpu.memory_space<vmem>>, %arg4: memref<1000x1xf32, #tpu.memory_space<vmem>>, %arg5: memref<1000x40xf32, #tpu.memory_space<vmem>>) attributes {dimension_semantics = [#tpu.dimension_semantics<arbitrary>], iteration_bounds = array<i64: 10>, scalar_prefetch = 0 : i64, scratch_operands = 0 : i64, tpu.core_type = #tpu.core_type<tc>, window_params = [{transform_indices = @transform_0, window_bounds = array<i64: 1000, 40>}, {transform_indices = @transform_1, window_bounds = array<i64: 1, 1000, 48>}, {transform_indices = @transform_2, window_bounds = array<i64: 1, 1000, 48>}, {transform_indices = @transform_3, window_bounds = array<i64: 1000, 1>}, {transform_indices = @transform_4, window_bounds = array<i64: 1000, 40>}]} {
    %get3A = arith.constant 0 : index
    %get3A_0 = arith.constant 0 : index
    %get3A_1 = arith.constant 0 : index
    %get3A_2 = vector.load %arg2[%get3A, %get3A_0, %get3A_1] : memref<1x1000x48xf32, #tpu.memory_space<vmem>>, vector<1x1000x48xf32>
    %get3A_3 = vector.shape_cast %get3A_2 : vector<1x1000x48xf32> to vector<1000x48xf32>
    %get3A_4 = arith.constant 0 : index
    %get3A_5 = arith.constant 0 : index
    %get3A_6 = arith.constant 0 : index
    %get3A_7 = vector.load %arg3[%get3A_4, %get3A_5, %get3A_6] : memref<1x1000x48xf32, #tpu.memory_space<vmem>>, vector<1x1000x48xf32>
    %get3A_8 = vector.shape_cast %get3A_7 : vector<1x1000x48xf32> to vector<1000x48xf32>
    %add3A = arith.addf %get3A_3, %get3A_8 : vector<1000x48xf32>
    %slice3A = vector.extract_strided_slice %add3A {offsets = [0, 0], sizes = [1000, 40], strides = [1, 1]} : vector<1000x48xf32> to vector<1000x40xf32>
    %get3A_9 = arith.constant 0 : index
    %get3A_10 = arith.constant 0 : index
    %get3A_11 = vector.load %arg1[%get3A_9, %get3A_10] : memref<1000x40xf32, #tpu.memory_space<vmem>>, vector<1000x40xf32>
    %get3A_12 = arith.constant 0 : index
    %get3A_13 = arith.constant 0 : index
    %get3A_14 = vector.load %arg4[%get3A_12, %get3A_13] : memref<1000x1xf32, #tpu.memory_space<vmem>>, vector<1000x1xf32>
    %mul3A = vector.broadcast %get3A_14 : vector<1000x1xf32> to vector<1000x40xf32>
    %mul3A_15 = arith.mulf %slice3A, %mul3A : vector<1000x40xf32>
    %sub3A = arith.subf %get3A_11, %mul3A_15 : vector<1000x40xf32>
    %reduce_max3A = arith.constant dense<0xFF800000> : vector<1000xf32>
    %reduce_max3A_16 = vector.multi_reduction <maximumf>, %sub3A, %reduce_max3A [1] : vector<1000x40xf32> to vector<1000xf32>
    %broadcast_in_dim3A = vector.shape_cast %reduce_max3A_16 : vector<1000xf32> to vector<1000x1xf32>
    %sub3A_17 = vector.broadcast %broadcast_in_dim3A : vector<1000x1xf32> to vector<1000x40xf32>
    %sub3A_18 = arith.subf %sub3A, %sub3A_17 : vector<1000x40xf32>
    %exp3A = math.exp %sub3A_18 : vector<1000x40xf32>
    %reduce_sum3A = arith.constant dense<0.000000e+00> : vector<1000xf32>
    %reduce_sum3A_19 = vector.multi_reduction <add>, %exp3A, %reduce_sum3A [1] : vector<1000x40xf32> to vector<1000xf32>
    %broadcast_in_dim3A_20 = vector.shape_cast %reduce_sum3A_19 : vector<1000xf32> to vector<1000x1xf32>
    %log3A = math.log %broadcast_in_dim3A_20 : vector<1000x1xf32>
    %add3A_21 = arith.addf %log3A, %broadcast_in_dim3A : vector<1000x1xf32>
    %sub3A_22 = vector.broadcast %add3A_21 : vector<1000x1xf32> to vector<1000x40xf32>
    %sub3A_23 = arith.subf %sub3A, %sub3A_22 : vector<1000x40xf32>
    %swap3A = arith.constant 0 : index
    %swap3A_24 = arith.constant 0 : index
    %swap3A_25 = vector.load %arg5[%swap3A, %swap3A_24] : memref<1000x40xf32, #tpu.memory_space<vmem>>, vector<1000x40xf32>
    tpu.vector_store %arg5[%swap3A, %swap3A_24], %sub3A_23 {strides = array<i32>} : memref<1000x40xf32, #tpu.memory_space<vmem>>, vector<1000x40xf32>,
    return
  }
  func.func @transform_0(%arg0: i32) -> (i32, i32) {
    %c0_i32 = arith.constant 0 : i32
    %c0_i32_0 = arith.constant 0 : i32
    return %arg0, %c0_i32 : i32, i32
  }
  func.func @transform_1(%arg0: i32) -> (i32, i32, i32) {
    %c0_i32 = arith.constant 0 : i32
    %c0_i32_0 = arith.constant 0 : i32
    %c0_i32_1 = arith.constant 0 : i32
    return %c0_i32, %arg0, %c0_i32_0 : i32, i32, i32
  }
  func.func @transform_2(%arg0: i32) -> (i32, i32, i32) {
    %c1_i32 = arith.constant 1 : i32
    %c0_i32 = arith.constant 0 : i32
    %c0_i32_0 = arith.constant 0 : i32
    return %c1_i32, %arg0, %c0_i32 : i32, i32, i32
  }
  func.func @transform_3(%arg0: i32) -> (i32, i32) {
    %c0_i32 = arith.constant 0 : i32
    %c0_i32_0 = arith.constant 0 : i32
    return %arg0, %c0_i32 : i32, i32
  }
  func.func @transform_4(%arg0: i32) -> (i32, i32) {
    %c0_i32 = arith.constant 0 : i32
    %c0_i32_0 = arith.constant 0 : i32
    return %arg0, %c0_i32 : i32, i32
  }
}

</mosaic_0001>

<sc_bundles>
// kernel: kernel.12.cloned.1.call-start
scs
__scs_entry_jumppad:
0x0: {  	(pc) =	sbr.rel $0x88, $3  }
0x1: {  	(tag) =	ssettag $0x0;
	lr =	simm.s32 $0x1  }
0x2: {  	[smem:$0x3F9B] =	sst lr;
	_ =	strace $0xD0000000  }
0x3: {  	_ = 	snop  }
0x4: {  	_ = 	snop  }
0x5: {  	_ = 	snop  }
0x6: {  	_ = 	snop  }
0x7: {  	_ = 	snop  }
__scs_overlays_trampoline_lowered:
0x8: {  	[smem:$0x3FAA] =	sst s0  }
0x9: {  	[smem:$0x3FAB] =	sst s1  }
0xa: {  	[smem:$0x3FAC] =	sst s2  }
0xb: {  	[smem:$0x3FAD] =	sst s3  }
0xc: {  	[smem:$0x3FAE] =	sst s4  }
0xd: {  	[smem:$0x3FAF] =	sst s5  }
0xe: {  	[smem:$0x3FB0] =	sst s6  }
0xf: {  	[smem:$0x3FB1] =	sst s7  }
0x10: {  	[smem:$0x3FB2] =	sst s8  }
0x11: {  	[smem:$0x3FB3] =	sst s9;
	s0 =	simm.s32 @!p0 $0x0  }
0x12: {  	s1 =	sld [smem:$0x3F99];
	s0 =	simm.s32 @p0 $0x1  }
0x13: {  	[smem:$0x3FB4] =	sst s0;
	s0 =	simm.s32 @!p1 $0x0  }
0x14: {  	s2 =	sld [smem:$0x3F98];
	s0 =	simm.s32 @p1 $0x1  }
0x15: {  	[smem:$0x3FB5] =	sst s0;
	s0 =	simm.s32 @!p2 $0x0  }
0x16: {  	s3 =	sld [smem:$0x3FDB];
	s0 =	simm.s32 @p2 $0x1  }
0x17: {  	s4 =	simm.s32 $0x1BF5;
	[smem:$0x3FB7] =	sst s0  }
0x18: {  	s0 =	sld [smem:$0x3F9A];
	_ =	swait.ge [sflag:s4], $0x0  }
0x19: {  	s7 =	sld [smem:$0x3F9B]  }
0x1a: {  	s8 =	sadd.s32 $0xFFFFE003, lr  }
0x1b: {  	s9 =	sadd.s32 $0xFFFFFEF7, lr;
	s5 =	simm.s32 $0xFFFFFFFF;
	p2 =	slt.u32 s8, $0xFFFFF086  }
0x1c: {  	p1 =	slt.u32 s9, $0xF7A;
	s5 =	simm.s32 @!p2 $0x0  }
0x1d: {  	s5 =	simm.s32 @p1 $0x1;
	p0 =	seq.s32 s7, s2  }
0x1e: {  	s7 =	smul.u32 @!p0 $0xF7A, s2;
	p2 =	seq.s32 @!p0 s5, $0x0  }
0x1f: {  	s9 =	smul.u32 $0xF7A, s1;
	s8 =	simm.s32 @!p0 $0x1BF5;
	p2 =	por !p2, p0  }
0x20: {  	[sflag:s8] =	ssyncset.s32 @!p0 $0xFFFFF086;
	s6 =	sadd.s32 @!p0 s3, s7;
	s7 =	simm.s32 @!p0 $0x108  }
0x21: {  	s3 =	sadd.s32 s3, s9;
	s6 =	sadd.s32 @!p0 $0x88, s6;
	s7 =	simm.s32 @p2 $0x1082  }
0x22: {  	[simem:s7], [sflag:s8] =	dma.local @!p0 [hbm:s6], $0xF7A  }
0x23: {  	s9 =	sor.u32 $0xD0000000, s2;
	s6 =	simm.s32 $0x108;
	_ =	swait.ge @!p0 [sflag:s8], $0x0  }
0x24: {  	s3 =	sadd.s32 $0x88, s3;
	s6 =	simm.s32 @!p1 $0x1082;
	[sflag:s4] =	ssyncset.s32 $0xFFFFF086  }
0x25: {  	[simem:s6], [sflag:s4] =	dma.local [hbm:s3], $0xF7A  }
0x26: {  	[smem:$0x3F9B] =	sst s1;
	(tag) =	ssettag s2;
	_ =	strace s9  }
0x27: {  	s1 =	sld [smem:$0x3FAB]  }
0x28: {  	s2 =	sld [smem:$0x3FAC]  }
0x29: {  	s4 =	sld [smem:$0x3FAE]  }
0x2a: {  	p0 =	seq.s32 s5, $0x0;
	s5 =	sld [smem:$0x3FAF]  }
0x2b: {  	s6 =	sld [smem:$0x3FB0]  }
0x2c: {  	s7 =	sld [smem:$0x3FB1]  }
0x2d: {  	s3 =	simm.s32 $0x108;
	s8 =	sld [smem:$0x3FB2]  }
0x2e: {  	s3 =	simm.s32 @!p0 $0x1082;
	s9 =	sld [smem:$0x3FB3]  }
0x2f: {  	lr =	sadd.s32 s0, s3;
	s0 =	sld [smem:$0x3FAA]  }
0x30: {  	s3 =	sld [smem:$0x3FAD]  }
0x31: {  	[smem:$0x3FB6] =	sst s10  }
0x32: {  	s10 =	sld [smem:$0x3FB4];
	_ =	sdelay $0x3  }
0x33: {  	p0 =	seq.s32 s10, $0x1;
	s10 =	sld [smem:$0x3FB6];
	_ =	sdelay $0x3  }
0x34: {  	[smem:$0x3FB6] =	sst s10  }
0x35: {  	s10 =	sld [smem:$0x3FB5];
	_ =	sdelay $0x3  }
0x36: {  	p1 =	seq.s32 s10, $0x1;
	s10 =	sld [smem:$0x3FB6];
	_ =	sdelay $0x3  }
0x37: {  	[smem:$0x3FB6] =	sst s10  }
0x38: {  	s10 =	sld [smem:$0x3FB7]  }
0x39: {  	_ = 	snop;
	(pc) =	sbr.ind lr, $3  }
0x3a: {  	_ = 	snop  }
0x3b: {  	_ = 	snop  }
0x3c: {  	p2 =	seq.s32 s10, $0x1;
	s10 =	sld [smem:$0x3FB6]  }
0x3d: {  	_ =	shalt  }
0x3e: {  	_ =	shalt  }
0x3f: {  	_ =	shalt  }
0x40: {  	_ =	shalt  }
0x41: {  	_ =	shalt  }
0x42: {  	_ =	shalt  }
0x43: {  	_ =	shalt  }
0x44: {  	_ =	shalt  }
0x45: {  	_ =	shalt  }
0x46: {  	_ =	shalt  }
0x47: {  	_ =	shalt  }
0x48: {  	_ =	shalt  }
0x49: {  	_ =	shalt  }
0x4a: {  	_ =	shalt  }
0x4b: {  	_ =	shalt  }
0x4c: {  	_ =	shalt  }
0x4d: {  	_ =	shalt  }
0x4e: {  	_ =	shalt  }
0x4f: {  	_ =	shalt  }
0x50: {  	_ =	shalt  }
0x51: {  	_ =	shalt  }
0x52: {  	_ =	shalt  }
0x53: {  	_ =	shalt  }
0x54: {  	_ =	shalt  }
0x55: {  	_ =	shalt  }
0x56: {  	_ =	shalt  }
0x57: {  	_ =	shalt  }
0x58: {  	_ =	shalt  }
0x59: {  	_ =	shalt  }
0x5a: {  	_ =	shalt  }
0x5b: {  	_ =	shalt  }
0x5c: {  	_ =	shalt  }
0x5d: {  	_ =	shalt  }
0x5e: {  	_ =	shalt  }
0x5f: {  	_ =	shalt  }
0x60: {  	_ =	shalt  }
0x61: {  	_ =	shalt  }
0x62: {  	_ =	shalt  }
0x63: {  	_ =	shalt  }
0x64: {  	_ =	shalt  }
0x65: {  	_ =	shalt  }
0x66: {  	_ =	shalt  }
0x67: {  	_ =	shalt  }
0x68: {  	_ =	shalt  }
0x69: {  	_ =	shalt  }
0x6a: {  	_ =	shalt  }
0x6b: {  	_ =	shalt  }
0x6c: {  	_ =	shalt  }
0x6d: {  	_ =	shalt  }
0x6e: {  	_ =	shalt  }
0x6f: {  	_ =	shalt  }
0x70: {  	_ =	shalt  }
0x71: {  	_ =	shalt  }
0x72: {  	_ =	shalt  }
0x73: {  	_ =	shalt  }
0x74: {  	_ =	shalt  }
0x75: {  	_ =	shalt  }
0x76: {  	_ =	shalt  }
0x77: {  	_ =	shalt  }
0x78: {  	_ =	shalt  }
0x79: {  	_ =	shalt  }
0x7a: {  	_ =	shalt  }
0x7b: {  	_ =	shalt  }
0x7c: {  	_ =	shalt  }
0x7d: {  	_ =	shalt  }
0x7e: {  	_ =	shalt  }
0x7f: {  	_ =	shalt  }
0x80: {  	_ =	shalt  }
0x81: {  	_ =	shalt  }
0x82: {  	_ =	shalt  }
0x83: {  	_ =	shalt  }
0x84: {  	_ =	shalt  }
0x85: {  	_ =	shalt  }
0x86: {  	_ =	shalt  }
0x87: {  	_ =	shalt  }
.Lfunc_end0:
.L_simem_size_0:
called_computation.1_lowered:
.L_overlay_start_0:
0x88: {  	s2 =	sld [smem:$0x3FD9]  }
0x89: {  	s3 =	sld [smem:$0x3FFE];
	_ =	sdelay $0x1  }
0x8a: {  	s1 =	srdreg.scid  }
0x8b: {  	s0 =	sand.u32 $0x1, s1  }
0x8c: {  	s16 =	sshll.u32 s0, $0xA;
	s2 =	sadd.s32 s3, s2  }
0x8d: {  	s2 =	sadd.s32 s2, s16  }
0x8e: {  	[smem:$0x3FC2] =	sst s2  }
0x8f: {  	_ = 	snop  }
0x90: {  	(tm) =	ssettm $0x1  }
0x91: {  	s17 =	sld [smem:$0x3FFB];
	_ =	sdelay $0x3  }
0x92: {  	_ =	strace s17  }
0x93: {  	s2 =	sld [smem:$0x3FFC];
	_ =	sdelay $0x3  }
0x94: {  	_ =	strace s2  }
0x95: {  	s2 =	sld [smem:$0x3FFD];
	_ =	sdelay $0x3  }
0x96: {  	_ =	strace s2  }
0x97: {  	_ =	strace $0x8FFFFFFF  }
0x98: {  	s18 =	sld [smem:$0x3FDB];
	_ =	sdelay $0x1  }
0x99: {  	s19 =	simm.s32 $_scs_section_size  }
0x9a: {  	s4 =	simm.s32 $_size__tile_overlayer_lowered;
	s5 =	simm.s32 $_tile_overlayer_lowered  }
0x9b: {  	s22 =	simm.s32 $0x1BFF;
	s21 =	sshll.u32 s5, $0x1;
	s2 =	sadd.s32 s19, s18  }
0x9c: {  	s6 =	simm.s32 $0x0;
	s20 =	sshll.u32 s4, $0x1;
	s4 =	sadd.s32 s21, s2  }
0x9d: {  	[timem:s6], [sflag:s22] =	dma.local [hbm:s4], s20  }
0x9e: {  	_ =	swait.ge [sflag:s22], s20  }
0x9f: {  	s3 =	ssub.s32 $0x0, s20;
	[sflag:s22] =	ssyncset.done $0x0  }
0xa0: {  	[sflag:s22] =	ssyncadd.s32 s3;
	_ =	sdelay $0x1  }
0xa1: {  	s23 =	simm.s32 $0x1B8B  }
0xa2: {  	_ =	swait.ge [sflag:s23], $0x1  }
0xa3: {  	[sflag:s23] =	ssyncset.done $0x0  }
0xa4: {  	s25 =	simm.s32 $0x1B8E;
	s24 =	sld [smem:$0x3FFE];
	[sflag:s23] =	ssyncadd.s32 $0xFFFFFFFF  }
0xa5: {  	s26 =	simm.s32 $execute0_lowered;
	[smem:$0x3FD2] =	sst s25  }
0xa6: {  	s4 =	sshll.u32 s26, $0x1;
	_ =	strace $0x80000049;
	[dreg:$0x1] =	wrdreg $0xFFFFFFFF  }
0xa7: {  	s28 =	simm.s32 $_size_execute0_lowered;
	s2 =	sadd.s32 s2, s4;
	[dreg:$0x0] =	wrdreg $0x0  }
0xa8: {  	s4 =	sshll.u32 s28, $0x1;
	[dreg:$0x2] =	wrdreg s2  }
0xa9: {  	[dreg:$0x3] =	wrdreg s4  }
0xaa: {  	[dreg:$0x4] =	wrdreg $0xC0  }
0xab: {  	_ =	task [dreg:s6], $0x5FFFF  }
0xac: {  	[dreg:$0x1] =	wrdreg $0xFFFFFFFF  }
0xad: {  	[dreg:$0x0] =	wrdreg $0x60  }
0xae: {  	[dreg:$0x2] =	wrdreg s24  }
0xaf: {  	[dreg:$0x3] =	wrdreg $0x41000  }
0xb0: {  	[dreg:$0x4] =	wrdreg $0x9  }
0xb1: {  	_ =	task.clear_ibuf [dreg:s6], $0x5FFFF;
	_ =	strace $0x90000049  }
0xb2: {  	s29 =	simm.s32 $0x9;
	_ =	strace $0x8000004B  }
0xb3: {  	_ =	swait.ge [sflag:s29], $0x1  }
0xb4: {  	[sflag:s29] =	ssyncadd.s32 $0xFFFFFFFF  }
0xb5: {  	_ =	strace $0x9000004B  }
0xb6: {  	_ =	sfence  }
0xb7: {  	s30 =	sld [smem:$0x0];
	_ =	sdelay $0x2  }
0xb8: {  	s31 =	sshll.u32 s1, $0xD;
	s1 =	sshrl.u32 s1, $0x2  }
0xb9: {  	s3 =	sand.u32 $0x4000, s31;
	s1 =	sadd.s32 s1, s30  }
0xba: {  	s0 =	sor.u32 s3, s0;
	s1 =	sshll.u32 s1, $0x11  }
0xbb: {  	s0 =	sor.u32 s1, s0  }
0xbc: {  	s0 =	sadd.s32 $0x8F2B, s0  }
0xbd: {  	[sflag:s0] =	ssyncadd.remote.s32 $0x1  }
0xbe: {  	_ =	sfence.sel $0xFFFF  }
0xbf: {  	[dreg:$0x0] =	wrdreg $0xFFFFFFFF;
	(pc) =	sbr.abs _section_cstart, $3  }
0xc0: {  	[dreg:$0x1] =	wrdreg $0xFFFFFFFF  }
0xc1: {  	_ =	task.clear_ibuf [dreg:s6], $0x2FFFF;
	_ =	strace $0x9FFFFFFF  }
0xc2: {  	(tm) =	ssettm $0x7FFFFFFF  }
0xc3: {  	_ =	shalt  }
tec
execute0_lowered:
.L_overlay_start_1:
0x0: {  	(tag) =	ssettag $0x1  }
0x1: {  	s1 =	srdreg.scid  }
0x2: {  	s0 =	stileid.u32;
	s5 =	rddreg [dreg:$0x0]  }
0x3: {  	s2 =	rddreg [dreg:$0x1];
	s3 =	simm.s32 $0x0;
	s14 =	simm.s32 $0x2  }
0x4: {  	s15 =	simm.s32 $0x80;
	s16 =	simm.s32 $0x100;
	s17 =	simm.s32 $0x1  }
0x5: {  	s6 =	sand.u32 $0x1, s1;
	s4 =	smul.u32 $0x1388, s0;
	s1 =	rddreg [dreg:$0x2]  }
0x6: {  	s18 =	simm.s32 $0x0;
	[smem:$0x7FF] =	sst s3;
	s24 =	smul.u32 $0x14000, s0  }
0x7: {  	s11 =	sshll.u32 s0, $0x1;
	s30 =	sshll.u32 s0, $0x6;
	s7 =	smul.u32 $0x9C4, s6  }
0x8: {  	_ =	strace $0x8000004A;
	s10 =	smul.u32 $0x140000, s6;
	s28 =	ssub.s32 $0x2, s6  }
0x9: {  	s6 =	sor.u32 s6, s11;
	s9 =	sshrl.u32 s24, $0x3;
	s13 =	sshrl.u32 s28, $0x1  }
0xa: {  	s11 =	smul.u32 $0x9C4, s6;
	s29 =	sadd.s32 s24, s2;
	s6 =	sor.u32 $0x1C02, s30  }
0xb: {  	s4 =	sadd.s32 s7, s4;
	s25 =	sadd.s32 s9, s5;
	s26 =	sadd.s32 s24, s10  }
0xc: {  	s10 =	ssub.s32 s28, s13;
	s13 =	sshrl.u32 s29, $0x3;
	s4 =	sshrl.u32 s4, $0x1  }
.Ltmp0:
0xd: {  	s9 =	sshrl.u32 s26, $0x3;
	s7 =	sshrl.u32 s11, $0x5;
	(pc) =	sbr.rel .LBB2_1-.Ltmp0, $4  }
0xe: {  	s31 =	sadd.s32 $0x9C4, s11;
	s10 =	smax.u32 s10, $0x1;
	s8 =	sand.u32 $0x1FFF0, s4  }
0xf: {  	s4 =	sadd.s32 $0x63E00, s5;
	s9 =	sadd.s32 s9, s5;
	s12 =	sadd.s32 s8, s5  }
0x10: {  	s5 =	sadd.s32 $0x8B000, s25;
	s8 =	sshrl.u32 s31, $0x5;
	s9 =	sadd.s32 $0xB3000, s9  }
0x11: {  	s11 =	sadd.s32 $0xBE00, s12;
	s12 =	sadd.s32 $0x2000, s12;
	p0 =	sge.u32 s7, s8  }
.LBB2_4:
0x12: {  	[sflag:s14] =	ssyncadd.s32 $0xFFFFC000  }
.LBB2_5:
0x13: {  	s18 =	sadd.s32 $0x1, s18  }
0x14: {  	p1 =	sne.s32 s18, s10  }
.Ltmp1:
0x15: {  	[bflag:$0x0] =	sbarrier.arrive $0xFFFF;
	(pc) =	sbr.rel @!p1 .LBB2_6-.Ltmp1, $4  }
0x16: {  	[hbm:s9], [sflag:s6] =	dma.local [spmem:s13], $0x2800  }
0x17: {  	_ =	swait.ge [sflag:s14], $0x2800  }
0x18: {  	[sflag:s14] =	ssyncset.done $0x0  }
0x19: {  	[sflag:s14] =	ssyncadd.s32 $0xFFFFD800  }
.LBB2_1:
0x1a: {  	[spmem:s13], [sflag:s6] =	dma.local [hbm:s5], $0x2800  }
.Ltmp2:
0x1b: {  	_ =	swait.ge [sflag:s14], $0x2800;
	(pc) =	sbr.rel @p0 .LBB2_5-.Ltmp2, $3  }
0x1c: {  	[sflag:s14] =	ssyncset.done $0x0  }
0x1d: {  	[sflag:s14] =	ssyncadd.s32 $0xFFFFD800  }
0x1e: {  	[bflag:$0x0] =	sbarrier.arrive $0xFFFF;
	_ =	sdelay $0x1  }
0x1f: {  	[tilespmem:s3], [sflag:$0x2] =	stream.linear.gather [hbm4b:s12+s3], $0x80, $0x38;
	[tilespmem:$0x18100] =	vst v63  }
0x20: {  	_ =	swait.ge [sflag:s14], $0x80  }
0x21: {  	[sflag:s14] =	ssyncset.done $0x0  }
0x22: {  	[sflag:s14] =	ssyncadd.s32 $0xFFFFFF80  }
0x23: {  	[tilespmem:s15], [sflag:$0x2] =	stream.linear.gather [hbm4b:s11+s3], $0x80, $0x38;
	[tilespmem:$0x18100] =	vst v63  }
0x24: {  	_ =	swait.ge [sflag:s14], $0x80  }
0x25: {  	[sflag:s14] =	ssyncset.done $0x0  }
0x26: {  	s19 =	sadd.s32 $0x1, s7;
	[sflag:s14] =	ssyncadd.s32 $0xFFFFFF80  }
0x27: {  	[tilespmem:s16], [sflag:$0x1] =	stream.indirect.gather [hbm4b:s4+s15], $0x80, s3, s15, $0xb8;
	[tilespmem:$0x18100] =	vst v63  }
0x28: {  	p1 =	slt.u32 s19, s8;
	_ =	swait.ge [sflag:s17], $0x4000  }
.Ltmp3:
0x29: {  	[sflag:s17] =	ssyncset.done $0x0;
	(pc) =	sbr.rel @!p1 .LBB2_4-.Ltmp3, $4  }
0x2a: {  	[sflag:s17] =	ssyncadd.s32 $0xFFFFC000  }
0x2b: {  	[spmem:s2] =	stream.indirect.scatter.add.f32 [tilespmem:s16], [sflag:$0x2], $0x80, s15, s15, $0xb8;
	[tilespmem:$0x18100] =	vst v63  }
0x2c: {  	_ =	swait.ge [sflag:s14], $0x4000  }
0x2d: {  	s20 =	sadd.s32 $0x10, s12;
	s21 =	smov.u32 s11;
	[sflag:s14] =	ssyncset.done $0x0  }
.LBB2_3:
0x2e: {  	s19 =	sadd.s32 $0x1, s19;
	[sflag:s14] =	ssyncadd.s32 $0xFFFFC000;
	s21 =	sadd.s32 $0x10, s21  }
0x2f: {  	[tilespmem:s3], [sflag:$0x2] =	stream.linear.gather [hbm4b:s20+s3], $0x80, $0x38;
	[tilespmem:$0x18100] =	vst v63  }
0x30: {  	p1 =	slt.u32 s19, s8;
	_ =	swait.ge [sflag:s14], $0x80  }
0x31: {  	[sflag:s14] =	ssyncset.done $0x0  }
0x32: {  	[sflag:s14] =	ssyncadd.s32 $0xFFFFFF80  }
0x33: {  	[tilespmem:s15], [sflag:$0x2] =	stream.linear.gather [hbm4b:s21+s3], $0x80, $0x38;
	[tilespmem:$0x18100] =	vst v63  }
0x34: {  	_ =	swait.ge [sflag:s14], $0x80  }
0x35: {  	[sflag:s14] =	ssyncset.done $0x0  }
0x36: {  	[sflag:s14] =	ssyncadd.s32 $0xFFFFFF80  }
0x37: {  	[tilespmem:s16], [sflag:$0x1] =	stream.indirect.gather [hbm4b:s4+s15], $0x80, s3, s15, $0xb8;
	[tilespmem:$0x18100] =	vst v63  }
0x38: {  	_ =	swait.ge [sflag:s17], $0x4000  }
.Ltmp4:
0x39: {  	[sflag:s17] =	ssyncset.done $0x0;
	(pc) =	sbr.rel @p1 .LBB2_3-.Ltmp4, $4  }
0x3a: {  	[sflag:s17] =	ssyncadd.s32 $0xFFFFC000  }
0x3b: {  	[spmem:s2] =	stream.indirect.scatter.add.f32 [tilespmem:s16], [sflag:$0x2], $0x80, s15, s15, $0xb8;
	[tilespmem:$0x18100] =	vst v63  }
0x3c: {  	_ =	swait.ge [sflag:s14], $0x4000  }
0x3d: {  	s20 =	sadd.s32 $0x10, s20;
	[sflag:s14] =	ssyncset.done $0x0  }
.Ltmp5:
0x3e: {  	_ = 	snop;
	(pc) =	sbr.rel .LBB2_4-.Ltmp5, $1  }
0x3f: {  	_ =	sdelay $0x3  }
.LBB2_6:
0x40: {  	_ =	sfence.sel $0x180000  }
0x41: {  	[bflag:$0x0] =	sbarrier.arrive $0xFFFF  }
0x42: {  	p0 =	sne.s32 s0, $0x0;
	_ =	strace $0x9000004A  }
0x43: {  	s0 =	sadd.s32 @!p0 $0x100000, s1;
	[bflag:$0x2] =	sbarrier.arrive $0xFFFF  }
0x44: {  	[sflag:s0] =	ssyncadd.tile.s32 @!p0 $0x1;
	_ =	shalt  }
.Lfunc_end2:
_tile_overlayer_lowered:
.L_overlay_start_2:
0x45: {  	(tag) =	ssettag $0x2  }
0x46: {  	s0 =	rddreg [dreg:$0x0];
	s2 =	stileid.u32  }
0x47: {  	s1 =	rddreg [dreg:$0x1];
	p0 =	sne.s32 s2, $0x0  }
0x48: {  	s3 =	rddreg [dreg:$0x2];
	[bflag:$0x3] =	sbarrier.arrive $0xFFFF;
	s2 =	simm.s32 @!p0 $0x1C02  }
0x49: {  	[timem:s3], [sflag:s2] =	dma.local @!p0 [hbm:s0], s1  }
0x4a: {  	s0 =	simm.s32 @!p0 $0x2  }
0x4b: {  	_ =	swait.ge @!p0 [sflag:s0], s1  }
0x4c: {  	s1 =	ssub.s32 @!p0 $0x0, s1;
	[sflag:s0] =	ssyncset.done @!p0 $0x0  }
0x4d: {  	[sflag:s0] =	ssyncadd.s32 @!p0 s1  }
0x4e: {  	[bflag:$0x3] =	sbarrier.arrive $0xFFFF  }
0x4f: {  	_ =	shalt  }

// kernel: kernel.15.cloned.1.call-start
scs
__scs_entry_jumppad:
0x0: {  	(pc) =	sbr.rel $0x88, $3  }
0x1: {  	(tag) =	ssettag $0x0;
	lr =	simm.s32 $0x1  }
0x2: {  	[smem:$0x3F9B] =	sst lr;
	_ =	strace $0xD0000000  }
0x3: {  	_ = 	snop  }
0x4: {  	_ = 	snop  }
0x5: {  	_ = 	snop  }
0x6: {  	_ = 	snop  }
0x7: {  	_ = 	snop  }
__scs_overlays_trampoline_lowered:
0x8: {  	[smem:$0x3FAA] =	sst s0  }
0x9: {  	[smem:$0x3FAB] =	sst s1  }
0xa: {  	[smem:$0x3FAC] =	sst s2  }
0xb: {  	[smem:$0x3FAD] =	sst s3  }
0xc: {  	[smem:$0x3FAE] =	sst s4  }
0xd: {  	[smem:$0x3FAF] =	sst s5  }
0xe: {  	[smem:$0x3FB0] =	sst s6  }
0xf: {  	[smem:$0x3FB1] =	sst s7  }
0x10: {  	[smem:$0x3FB2] =	sst s8  }
0x11: {  	[smem:$0x3FB3] =	sst s9;
	s0 =	simm.s32 @!p0 $0x0  }
0x12: {  	s1 =	sld [smem:$0x3F99];
	s0 =	simm.s32 @p0 $0x1  }
0x13: {  	[smem:$0x3FB4] =	sst s0;
	s0 =	simm.s32 @!p1 $0x0  }
0x14: {  	s2 =	sld [smem:$0x3F98];
	s0 =	simm.s32 @p1 $0x1  }
0x15: {  	[smem:$0x3FB5] =	sst s0;
	s0 =	simm.s32 @!p2 $0x0  }
0x16: {  	s3 =	sld [smem:$0x3FDB];
	s0 =	simm.s32 @p2 $0x1  }
0x17: {  	s4 =	simm.s32 $0x1BF5;
	[smem:$0x3FB7] =	sst s0  }
0x18: {  	s0 =	sld [smem:$0x3F9A];
	_ =	swait.ge [sflag:s4], $0x0  }
0x19: {  	s7 =	sld [smem:$0x3F9B]  }
0x1a: {  	s8 =	sadd.s32 $0xFFFFE003, lr  }
0x1b: {  	s9 =	sadd.s32 $0xFFFFFEF7, lr;
	s5 =	simm.s32 $0xFFFFFFFF;
	p2 =	slt.u32 s8, $0xFFFFF086  }
0x1c: {  	p1 =	slt.u32 s9, $0xF7A;
	s5 =	simm.s32 @!p2 $0x0  }
0x1d: {  	s5 =	simm.s32 @p1 $0x1;
	p0 =	seq.s32 s7, s2  }
0x1e: {  	s7 =	smul.u32 @!p0 $0xF7A, s2;
	p2 =	seq.s32 @!p0 s5, $0x0  }
0x1f: {  	s9 =	smul.u32 $0xF7A, s1;
	s8 =	simm.s32 @!p0 $0x1BF5;
	p2 =	por !p2, p0  }
0x20: {  	[sflag:s8] =	ssyncset.s32 @!p0 $0xFFFFF086;
	s6 =	sadd.s32 @!p0 s3, s7;
	s7 =	simm.s32 @!p0 $0x108  }
0x21: {  	s3 =	sadd.s32 s3, s9;
	s6 =	sadd.s32 @!p0 $0x88, s6;
	s7 =	simm.s32 @p2 $0x1082  }
0x22: {  	[simem:s7], [sflag:s8] =	dma.local @!p0 [hbm:s6], $0xF7A  }
0x23: {  	s9 =	sor.u32 $0xD0000000, s2;
	s6 =	simm.s32 $0x108;
	_ =	swait.ge @!p0 [sflag:s8], $0x0  }
0x24: {  	s3 =	sadd.s32 $0x88, s3;
	s6 =	simm.s32 @!p1 $0x1082;
	[sflag:s4] =	ssyncset.s32 $0xFFFFF086  }
0x25: {  	[simem:s6], [sflag:s4] =	dma.local [hbm:s3], $0xF7A  }
0x26: {  	[smem:$0x3F9B] =	sst s1;
	(tag) =	ssettag s2;
	_ =	strace s9  }
0x27: {  	s1 =	sld [smem:$0x3FAB]  }
0x28: {  	s2 =	sld [smem:$0x3FAC]  }
0x29: {  	s4 =	sld [smem:$0x3FAE]  }
0x2a: {  	p0 =	seq.s32 s5, $0x0;
	s5 =	sld [smem:$0x3FAF]  }
0x2b: {  	s6 =	sld [smem:$0x3FB0]  }
0x2c: {  	s7 =	sld [smem:$0x3FB1]  }
0x2d: {  	s3 =	simm.s32 $0x108;
	s8 =	sld [smem:$0x3FB2]  }
0x2e: {  	s3 =	simm.s32 @!p0 $0x1082;
	s9 =	sld [smem:$0x3FB3]  }
0x2f: {  	lr =	sadd.s32 s0, s3;
	s0 =	sld [smem:$0x3FAA]  }
0x30: {  	s3 =	sld [smem:$0x3FAD]  }
0x31: {  	[smem:$0x3FB6] =	sst s10  }
0x32: {  	s10 =	sld [smem:$0x3FB4];
	_ =	sdelay $0x3  }
0x33: {  	p0 =	seq.s32 s10, $0x1;
	s10 =	sld [smem:$0x3FB6];
	_ =	sdelay $0x3  }
0x34: {  	[smem:$0x3FB6] =	sst s10  }
0x35: {  	s10 =	sld [smem:$0x3FB5];
	_ =	sdelay $0x3  }
0x36: {  	p1 =	seq.s32 s10, $0x1;
	s10 =	sld [smem:$0x3FB6];
	_ =	sdelay $0x3  }
0x37: {  	[smem:$0x3FB6] =	sst s10  }
0x38: {  	s10 =	sld [smem:$0x3FB7]  }
0x39: {  	_ = 	snop;
	(pc) =	sbr.ind lr, $3  }
0x3a: {  	_ = 	snop  }
0x3b: {  	_ = 	snop  }
0x3c: {  	p2 =	seq.s32 s10, $0x1;
	s10 =	sld [smem:$0x3FB6]  }
0x3d: {  	_ =	shalt  }
0x3e: {  	_ =	shalt  }
0x3f: {  	_ =	shalt  }
0x40: {  	_ =	shalt  }
0x41: {  	_ =	shalt  }
0x42: {  	_ =	shalt  }
0x43: {  	_ =	shalt  }
0x44: {  	_ =	shalt  }
0x45: {  	_ =	shalt  }
0x46: {  	_ =	shalt  }
0x47: {  	_ =	shalt  }
0x48: {  	_ =	shalt  }
0x49: {  	_ =	shalt  }
0x4a: {  	_ =	shalt  }
0x4b: {  	_ =	shalt  }
0x4c: {  	_ =	shalt  }
0x4d: {  	_ =	shalt  }
0x4e: {  	_ =	shalt  }
0x4f: {  	_ =	shalt  }
0x50: {  	_ =	shalt  }
0x51: {  	_ =	shalt  }
0x52: {  	_ =	shalt  }
0x53: {  	_ =	shalt  }
0x54: {  	_ =	shalt  }
0x55: {  	_ =	shalt  }
0x56: {  	_ =	shalt  }
0x57: {  	_ =	shalt  }
0x58: {  	_ =	shalt  }
0x59: {  	_ =	shalt  }
0x5a: {  	_ =	shalt  }
0x5b: {  	_ =	shalt  }
0x5c: {  	_ =	shalt  }
0x5d: {  	_ =	shalt  }
0x5e: {  	_ =	shalt  }
0x5f: {  	_ =	shalt  }
0x60: {  	_ =	shalt  }
0x61: {  	_ =	shalt  }
0x62: {  	_ =	shalt  }
0x63: {  	_ =	shalt  }
0x64: {  	_ =	shalt  }
0x65: {  	_ =	shalt  }
0x66: {  	_ =	shalt  }
0x67: {  	_ =	shalt  }
0x68: {  	_ =	shalt  }
0x69: {  	_ =	shalt  }
0x6a: {  	_ =	shalt  }
0x6b: {  	_ =	shalt  }
0x6c: {  	_ =	shalt  }
0x6d: {  	_ =	shalt  }
0x6e: {  	_ =	shalt  }
0x6f: {  	_ =	shalt  }
0x70: {  	_ =	shalt  }
0x71: {  	_ =	shalt  }
0x72: {  	_ =	shalt  }
0x73: {  	_ =	shalt  }
0x74: {  	_ =	shalt  }
0x75: {  	_ =	shalt  }
0x76: {  	_ =	shalt  }
0x77: {  	_ =	shalt  }
0x78: {  	_ =	shalt  }
0x79: {  	_ =	shalt  }
0x7a: {  	_ =	shalt  }
0x7b: {  	_ =	shalt  }
0x7c: {  	_ =	shalt  }
0x7d: {  	_ =	shalt  }
0x7e: {  	_ =	shalt  }
0x7f: {  	_ =	shalt  }
0x80: {  	_ =	shalt  }
0x81: {  	_ =	shalt  }
0x82: {  	_ =	shalt  }
0x83: {  	_ =	shalt  }
0x84: {  	_ =	shalt  }
0x85: {  	_ =	shalt  }
0x86: {  	_ =	shalt  }
0x87: {  	_ =	shalt  }
.Lfunc_end0:
.L_simem_size_0:
called_computation.2_lowered:
.L_overlay_start_0:
0x88: {  	s2 =	sld [smem:$0x3FD9]  }
0x89: {  	s3 =	sld [smem:$0x3FFE];
	_ =	sdelay $0x1  }
0x8a: {  	s1 =	srdreg.scid  }
0x8b: {  	s0 =	sand.u32 $0x1, s1  }
0x8c: {  	s16 =	sshll.u32 s0, $0xA;
	s2 =	sadd.s32 s3, s2  }
0x8d: {  	s2 =	sadd.s32 s2, s16  }
0x8e: {  	[smem:$0x3FC2] =	sst s2  }
0x8f: {  	_ = 	snop  }
0x90: {  	(tm) =	ssettm $0x1  }
0x91: {  	s17 =	sld [smem:$0x3FFB];
	_ =	sdelay $0x3  }
0x92: {  	_ =	strace s17  }
0x93: {  	s2 =	sld [smem:$0x3FFC];
	_ =	sdelay $0x3  }
0x94: {  	_ =	strace s2  }
0x95: {  	s2 =	sld [smem:$0x3FFD];
	_ =	sdelay $0x3  }
0x96: {  	_ =	strace s2  }
0x97: {  	_ =	strace $0x8FFFFFFF  }
0x98: {  	s18 =	sld [smem:$0x3FDB];
	_ =	sdelay $0x1  }
0x99: {  	s19 =	simm.s32 $_scs_section_size  }
0x9a: {  	s4 =	simm.s32 $_size__tile_overlayer_lowered;
	s5 =	simm.s32 $_tile_overlayer_lowered  }
0x9b: {  	s22 =	simm.s32 $0x1BFF;
	s21 =	sshll.u32 s5, $0x1;
	s2 =	sadd.s32 s19, s18  }
0x9c: {  	s6 =	simm.s32 $0x0;
	s20 =	sshll.u32 s4, $0x1;
	s4 =	sadd.s32 s21, s2  }
0x9d: {  	[timem:s6], [sflag:s22] =	dma.local [hbm:s4], s20  }
0x9e: {  	_ =	swait.ge [sflag:s22], s20  }
0x9f: {  	s3 =	ssub.s32 $0x0, s20;
	[sflag:s22] =	ssyncset.done $0x0  }
0xa0: {  	[sflag:s22] =	ssyncadd.s32 s3;
	_ =	sdelay $0x1  }
0xa1: {  	s23 =	simm.s32 $0x1B8B  }
0xa2: {  	_ =	swait.ge [sflag:s23], $0x1  }
0xa3: {  	[sflag:s23] =	ssyncset.done $0x0  }
0xa4: {  	s25 =	simm.s32 $0x1B8E;
	s24 =	sld [smem:$0x3FFE];
	[sflag:s23] =	ssyncadd.s32 $0xFFFFFFFF  }
0xa5: {  	s26 =	simm.s32 $execute0_lowered;
	[smem:$0x3FD2] =	sst s25  }
0xa6: {  	s4 =	sshll.u32 s26, $0x1;
	_ =	strace $0x8000004C;
	[dreg:$0x1] =	wrdreg $0xFFFFFFFF  }
0xa7: {  	s28 =	simm.s32 $_size_execute0_lowered;
	s2 =	sadd.s32 s2, s4;
	[dreg:$0x0] =	wrdreg $0x0  }
0xa8: {  	s4 =	sshll.u32 s28, $0x1;
	[dreg:$0x2] =	wrdreg s2  }
0xa9: {  	[dreg:$0x3] =	wrdreg s4  }
0xaa: {  	[dreg:$0x4] =	wrdreg $0xC0  }
0xab: {  	_ =	task [dreg:s6], $0x5FFFF  }
0xac: {  	[dreg:$0x1] =	wrdreg $0xFFFFFFFF  }
0xad: {  	[dreg:$0x0] =	wrdreg $0x60  }
0xae: {  	[dreg:$0x2] =	wrdreg s24  }
0xaf: {  	[dreg:$0x3] =	wrdreg $0x19000  }
0xb0: {  	[dreg:$0x4] =	wrdreg $0x9  }
0xb1: {  	_ =	task.clear_ibuf [dreg:s6], $0x5FFFF;
	_ =	strace $0x9000004C  }
0xb2: {  	s29 =	simm.s32 $0x9;
	_ =	strace $0x8000004E  }
0xb3: {  	_ =	swait.ge [sflag:s29], $0x1  }
0xb4: {  	[sflag:s29] =	ssyncadd.s32 $0xFFFFFFFF  }
0xb5: {  	_ =	strace $0x9000004E  }
0xb6: {  	_ =	sfence  }
0xb7: {  	s30 =	sld [smem:$0x0];
	_ =	sdelay $0x2  }
0xb8: {  	s31 =	sshll.u32 s1, $0xD;
	s1 =	sshrl.u32 s1, $0x2  }
0xb9: {  	s3 =	sand.u32 $0x4000, s31;
	s1 =	sadd.s32 s1, s30  }
0xba: {  	s0 =	sor.u32 s3, s0;
	s1 =	sshll.u32 s1, $0x11  }
0xbb: {  	s0 =	sor.u32 s1, s0  }
0xbc: {  	s0 =	sadd.s32 $0x8F2B, s0  }
0xbd: {  	[sflag:s0] =	ssyncadd.remote.s32 $0x1  }
0xbe: {  	_ =	sfence.sel $0xFFFF  }
0xbf: {  	[dreg:$0x0] =	wrdreg $0xFFFFFFFF;
	(pc) =	sbr.abs _section_cstart, $3  }
0xc0: {  	[dreg:$0x1] =	wrdreg $0xFFFFFFFF  }
0xc1: {  	_ =	task.clear_ibuf [dreg:s6], $0x2FFFF;
	_ =	strace $0x9FFFFFFF  }
0xc2: {  	(tm) =	ssettm $0x7FFFFFFF  }
0xc3: {  	_ =	shalt  }
tec
execute0_lowered:
.L_overlay_start_1:
0x0: {  	(tag) =	ssettag $0x1  }
0x1: {  	s1 =	srdreg.scid  }
0x2: {  	s0 =	stileid.u32;
	s5 =	rddreg [dreg:$0x0]  }
0x3: {  	s2 =	rddreg [dreg:$0x1];
	s3 =	simm.s32 $0x0;
	s14 =	simm.s32 $0x2  }
0x4: {  	s15 =	simm.s32 $0x80;
	s16 =	simm.s32 $0x100;
	s17 =	simm.s32 $0x1  }
0x5: {  	s6 =	sand.u32 $0x1, s1;
	s4 =	smul.u32 $0x1388, s0;
	s1 =	rddreg [dreg:$0x2]  }
0x6: {  	s18 =	simm.s32 $0x0;
	[smem:$0x7FF] =	sst s3;
	s24 =	smul.u32 $0x7800, s0  }
0x7: {  	s11 =	sshll.u32 s0, $0x1;
	s30 =	sshll.u32 s0, $0x6;
	s7 =	smul.u32 $0x9C4, s6  }
0x8: {  	_ =	strace $0x8000004D;
	s10 =	smul.u32 $0x78000, s6;
	s28 =	ssub.s32 $0x2, s6  }
0x9: {  	s6 =	sor.u32 s6, s11;
	s9 =	sshrl.u32 s24, $0x3;
	s13 =	sshrl.u32 s28, $0x1  }
0xa: {  	s11 =	smul.u32 $0x9C4, s6;
	s29 =	sadd.s32 s24, s2;
	s6 =	sor.u32 $0x1C02, s30  }
0xb: {  	s4 =	sadd.s32 s7, s4;
	s25 =	sadd.s32 s9, s5;
	s26 =	sadd.s32 s24, s10  }
0xc: {  	s10 =	ssub.s32 s28, s13;
	s13 =	sshrl.u32 s29, $0x3;
	s4 =	sshrl.u32 s4, $0x1  }
.Ltmp0:
0xd: {  	s9 =	sshrl.u32 s26, $0x3;
	s7 =	sshrl.u32 s11, $0x5;
	(pc) =	sbr.rel .LBB2_1-.Ltmp0, $4  }
0xe: {  	s31 =	sadd.s32 $0x9C4, s11;
	s10 =	smax.u32 s10, $0x1;
	s8 =	sand.u32 $0x1FFF0, s4  }
0xf: {  	s4 =	sadd.s32 $0x15C00, s5;
	s9 =	sadd.s32 s9, s5;
	s12 =	sadd.s32 s8, s5  }
0x10: {  	s5 =	sadd.s32 $0x24800, s25;
	s8 =	sshrl.u32 s31, $0x5;
	s9 =	sadd.s32 $0x33800, s9  }
0x11: {  	s11 =	sadd.s32 $0xBE00, s12;
	s12 =	sadd.s32 $0x2000, s12;
	p0 =	sge.u32 s7, s8  }
.LBB2_4:
0x12: {  	[sflag:s14] =	ssyncadd.s32 $0xFFFFE800  }
.LBB2_5:
0x13: {  	s18 =	sadd.s32 $0x1, s18  }
0x14: {  	p1 =	sne.s32 s18, s10  }
.Ltmp1:
0x15: {  	[bflag:$0x0] =	sbarrier.arrive $0xFFFF;
	(pc) =	sbr.rel @!p1 .LBB2_6-.Ltmp1, $4  }
0x16: {  	[hbm:s9], [sflag:s6] =	dma.local [spmem:s13], $0xF00  }
0x17: {  	_ =	swait.ge [sflag:s14], $0xF00  }
0x18: {  	[sflag:s14] =	ssyncset.done $0x0  }
0x19: {  	[sflag:s14] =	ssyncadd.s32 $0xFFFFF100  }
.LBB2_1:
0x1a: {  	[spmem:s13], [sflag:s6] =	dma.local [hbm:s5], $0xF00  }
.Ltmp2:
0x1b: {  	_ =	swait.ge [sflag:s14], $0xF00;
	(pc) =	sbr.rel @p0 .LBB2_5-.Ltmp2, $3  }
0x1c: {  	[sflag:s14] =	ssyncset.done $0x0  }
0x1d: {  	[sflag:s14] =	ssyncadd.s32 $0xFFFFF100  }
0x1e: {  	[bflag:$0x0] =	sbarrier.arrive $0xFFFF;
	_ =	sdelay $0x1  }
0x1f: {  	[tilespmem:s3], [sflag:$0x2] =	stream.linear.gather [hbm4b:s12+s3], $0x80, $0x38;
	[tilespmem:$0x9100] =	vst v63  }
0x20: {  	_ =	swait.ge [sflag:s14], $0x80  }
0x21: {  	[sflag:s14] =	ssyncset.done $0x0  }
0x22: {  	[sflag:s14] =	ssyncadd.s32 $0xFFFFFF80  }
0x23: {  	[tilespmem:s15], [sflag:$0x2] =	stream.linear.gather [hbm4b:s11+s3], $0x80, $0x38;
	[tilespmem:$0x9100] =	vst v63  }
0x24: {  	_ =	swait.ge [sflag:s14], $0x80  }
0x25: {  	[sflag:s14] =	ssyncset.done $0x0  }
0x26: {  	s19 =	sadd.s32 $0x1, s7;
	[sflag:s14] =	ssyncadd.s32 $0xFFFFFF80  }
0x27: {  	[tilespmem:s16], [sflag:$0x1] =	stream.indirect.gather [hbm4b:s4+s15], $0x30, s3, s15, $0xb8;
	[tilespmem:$0x9100] =	vst v63  }
0x28: {  	p1 =	slt.u32 s19, s8;
	_ =	swait.ge [sflag:s17], $0x1800  }
.Ltmp3:
0x29: {  	[sflag:s17] =	ssyncset.done $0x0;
	(pc) =	sbr.rel @!p1 .LBB2_4-.Ltmp3, $4  }
0x2a: {  	[sflag:s17] =	ssyncadd.s32 $0xFFFFE800  }
0x2b: {  	[spmem:s2] =	stream.indirect.scatter.add.f32 [tilespmem:s16], [sflag:$0x2], $0x30, s15, s15, $0xb8;
	[tilespmem:$0x9100] =	vst v63  }
0x2c: {  	_ =	swait.ge [sflag:s14], $0x1800  }
0x2d: {  	s20 =	sadd.s32 $0x10, s12;
	s21 =	smov.u32 s11;
	[sflag:s14] =	ssyncset.done $0x0  }
.LBB2_3:
0x2e: {  	s19 =	sadd.s32 $0x1, s19;
	[sflag:s14] =	ssyncadd.s32 $0xFFFFE800;
	s21 =	sadd.s32 $0x10, s21  }
0x2f: {  	[tilespmem:s3], [sflag:$0x2] =	stream.linear.gather [hbm4b:s20+s3], $0x80, $0x38;
	[tilespmem:$0x9100] =	vst v63  }
0x30: {  	p1 =	slt.u32 s19, s8;
	_ =	swait.ge [sflag:s14], $0x80  }
0x31: {  	[sflag:s14] =	ssyncset.done $0x0  }
0x32: {  	[sflag:s14] =	ssyncadd.s32 $0xFFFFFF80  }
0x33: {  	[tilespmem:s15], [sflag:$0x2] =	stream.linear.gather [hbm4b:s21+s3], $0x80, $0x38;
	[tilespmem:$0x9100] =	vst v63  }
0x34: {  	_ =	swait.ge [sflag:s14], $0x80  }
0x35: {  	[sflag:s14] =	ssyncset.done $0x0  }
0x36: {  	[sflag:s14] =	ssyncadd.s32 $0xFFFFFF80  }
0x37: {  	[tilespmem:s16], [sflag:$0x1] =	stream.indirect.gather [hbm4b:s4+s15], $0x30, s3, s15, $0xb8;
	[tilespmem:$0x9100] =	vst v63  }
0x38: {  	_ =	swait.ge [sflag:s17], $0x1800  }
.Ltmp4:
0x39: {  	[sflag:s17] =	ssyncset.done $0x0;
	(pc) =	sbr.rel @p1 .LBB2_3-.Ltmp4, $4  }
0x3a: {  	[sflag:s17] =	ssyncadd.s32 $0xFFFFE800  }
0x3b: {  	[spmem:s2] =	stream.indirect.scatter.add.f32 [tilespmem:s16], [sflag:$0x2], $0x30, s15, s15, $0xb8;
	[tilespmem:$0x9100] =	vst v63  }
0x3c: {  	_ =	swait.ge [sflag:s14], $0x1800  }
0x3d: {  	s20 =	sadd.s32 $0x10, s20;
	[sflag:s14] =	ssyncset.done $0x0  }
.Ltmp5:
0x3e: {  	_ = 	snop;
	(pc) =	sbr.rel .LBB2_4-.Ltmp5, $1  }
0x3f: {  	_ =	sdelay $0x3  }
.LBB2_6:
0x40: {  	_ =	sfence.sel $0x180000  }
0x41: {  	[bflag:$0x0] =	sbarrier.arrive $0xFFFF  }
0x42: {  	p0 =	sne.s32 s0, $0x0;
	_ =	strace $0x9000004D  }
0x43: {  	s0 =	sadd.s32 @!p0 $0x100000, s1;
	[bflag:$0x2] =	sbarrier.arrive $0xFFFF  }
0x44: {  	[sflag:s0] =	ssyncadd.tile.s32 @!p0 $0x1;
	_ =	shalt  }
.Lfunc_end2:
_tile_overlayer_lowered:
.L_overlay_start_2:
0x45: {  	(tag) =	ssettag $0x2  }
0x46: {  	s0 =	rddreg [dreg:$0x0];
	s2 =	stileid.u32  }
0x47: {  	s1 =	rddreg [dreg:$0x1];
	p0 =	sne.s32 s2, $0x0  }
0x48: {  	s3 =	rddreg [dreg:$0x2];
	[bflag:$0x3] =	sbarrier.arrive $0xFFFF;
	s2 =	simm.s32 @!p0 $0x1C02  }
0x49: {  	[timem:s3], [sflag:s2] =	dma.local @!p0 [hbm:s0], s1  }
0x4a: {  	s0 =	simm.s32 @!p0 $0x2  }
0x4b: {  	_ =	swait.ge @!p0 [sflag:s0], s1  }
0x4c: {  	s1 =	ssub.s32 @!p0 $0x0, s1;
	[sflag:s0] =	ssyncset.done @!p0 $0x0  }
0x4d: {  	[sflag:s0] =	ssyncadd.s32 @!p0 s1  }
0x4e: {  	[bflag:$0x3] =	sbarrier.arrive $0xFFFF  }
0x4f: {  	_ =	shalt  }

// kernel: kernel.9.cloned.1.call-start
scs
__scs_entry_jumppad:
0x0: {  	(pc) =	sbr.rel $0x88, $3  }
0x1: {  	(tag) =	ssettag $0x0;
	lr =	simm.s32 $0x1  }
0x2: {  	[smem:$0x3F9B] =	sst lr;
	_ =	strace $0xD0000000  }
0x3: {  	_ = 	snop  }
0x4: {  	_ = 	snop  }
0x5: {  	_ = 	snop  }
0x6: {  	_ = 	snop  }
0x7: {  	_ = 	snop  }
__scs_overlays_trampoline_lowered:
0x8: {  	[smem:$0x3FAA] =	sst s0  }
0x9: {  	[smem:$0x3FAB] =	sst s1  }
0xa: {  	[smem:$0x3FAC] =	sst s2  }
0xb: {  	[smem:$0x3FAD] =	sst s3  }
0xc: {  	[smem:$0x3FAE] =	sst s4  }
0xd: {  	[smem:$0x3FAF] =	sst s5  }
0xe: {  	[smem:$0x3FB0] =	sst s6  }
0xf: {  	[smem:$0x3FB1] =	sst s7  }
0x10: {  	[smem:$0x3FB2] =	sst s8  }
0x11: {  	[smem:$0x3FB3] =	sst s9;
	s0 =	simm.s32 @!p0 $0x0  }
0x12: {  	s1 =	sld [smem:$0x3F99];
	s0 =	simm.s32 @p0 $0x1  }
0x13: {  	[smem:$0x3FB4] =	sst s0;
	s0 =	simm.s32 @!p1 $0x0  }
0x14: {  	s2 =	sld [smem:$0x3F98];
	s0 =	simm.s32 @p1 $0x1  }
0x15: {  	[smem:$0x3FB5] =	sst s0;
	s0 =	simm.s32 @!p2 $0x0  }
0x16: {  	s3 =	sld [smem:$0x3FDB];
	s0 =	simm.s32 @p2 $0x1  }
0x17: {  	s4 =	simm.s32 $0x1BF5;
	[smem:$0x3FB7] =	sst s0  }
0x18: {  	s0 =	sld [smem:$0x3F9A];
	_ =	swait.ge [sflag:s4], $0x0  }
0x19: {  	s7 =	sld [smem:$0x3F9B]  }
0x1a: {  	s8 =	sadd.s32 $0xFFFFE003, lr  }
0x1b: {  	s9 =	sadd.s32 $0xFFFFFEF7, lr;
	s5 =	simm.s32 $0xFFFFFFFF;
	p2 =	slt.u32 s8, $0xFFFFF086  }
0x1c: {  	p1 =	slt.u32 s9, $0xF7A;
	s5 =	simm.s32 @!p2 $0x0  }
0x1d: {  	s5 =	simm.s32 @p1 $0x1;
	p0 =	seq.s32 s7, s2  }
0x1e: {  	s7 =	smul.u32 @!p0 $0xF7A, s2;
	p2 =	seq.s32 @!p0 s5, $0x0  }
0x1f: {  	s9 =	smul.u32 $0xF7A, s1;
	s8 =	simm.s32 @!p0 $0x1BF5;
	p2 =	por !p2, p0  }
0x20: {  	[sflag:s8] =	ssyncset.s32 @!p0 $0xFFFFF086;
	s6 =	sadd.s32 @!p0 s3, s7;
	s7 =	simm.s32 @!p0 $0x108  }
0x21: {  	s3 =	sadd.s32 s3, s9;
	s6 =	sadd.s32 @!p0 $0x88, s6;
	s7 =	simm.s32 @p2 $0x1082  }
0x22: {  	[simem:s7], [sflag:s8] =	dma.local @!p0 [hbm:s6], $0xF7A  }
0x23: {  	s9 =	sor.u32 $0xD0000000, s2;
	s6 =	simm.s32 $0x108;
	_ =	swait.ge @!p0 [sflag:s8], $0x0  }
0x24: {  	s3 =	sadd.s32 $0x88, s3;
	s6 =	simm.s32 @!p1 $0x1082;
	[sflag:s4] =	ssyncset.s32 $0xFFFFF086  }
0x25: {  	[simem:s6], [sflag:s4] =	dma.local [hbm:s3], $0xF7A  }
0x26: {  	[smem:$0x3F9B] =	sst s1;
	(tag) =	ssettag s2;
	_ =	strace s9  }
0x27: {  	s1 =	sld [smem:$0x3FAB]  }
0x28: {  	s2 =	sld [smem:$0x3FAC]  }
0x29: {  	s4 =	sld [smem:$0x3FAE]  }
0x2a: {  	p0 =	seq.s32 s5, $0x0;
	s5 =	sld [smem:$0x3FAF]  }
0x2b: {  	s6 =	sld [smem:$0x3FB0]  }
0x2c: {  	s7 =	sld [smem:$0x3FB1]  }
0x2d: {  	s3 =	simm.s32 $0x108;
	s8 =	sld [smem:$0x3FB2]  }
0x2e: {  	s3 =	simm.s32 @!p0 $0x1082;
	s9 =	sld [smem:$0x3FB3]  }
0x2f: {  	lr =	sadd.s32 s0, s3;
	s0 =	sld [smem:$0x3FAA]  }
0x30: {  	s3 =	sld [smem:$0x3FAD]  }
0x31: {  	[smem:$0x3FB6] =	sst s10  }
0x32: {  	s10 =	sld [smem:$0x3FB4];
	_ =	sdelay $0x3  }
0x33: {  	p0 =	seq.s32 s10, $0x1;
	s10 =	sld [smem:$0x3FB6];
	_ =	sdelay $0x3  }
0x34: {  	[smem:$0x3FB6] =	sst s10  }
0x35: {  	s10 =	sld [smem:$0x3FB5];
	_ =	sdelay $0x3  }
0x36: {  	p1 =	seq.s32 s10, $0x1;
	s10 =	sld [smem:$0x3FB6];
	_ =	sdelay $0x3  }
0x37: {  	[smem:$0x3FB6] =	sst s10  }
0x38: {  	s10 =	sld [smem:$0x3FB7]  }
0x39: {  	_ = 	snop;
	(pc) =	sbr.ind lr, $3  }
0x3a: {  	_ = 	snop  }
0x3b: {  	_ = 	snop  }
0x3c: {  	p2 =	seq.s32 s10, $0x1;
	s10 =	sld [smem:$0x3FB6]  }
0x3d: {  	_ =	shalt  }
0x3e: {  	_ =	shalt  }
0x3f: {  	_ =	shalt  }
0x40: {  	_ =	shalt  }
0x41: {  	_ =	shalt  }
0x42: {  	_ =	shalt  }
0x43: {  	_ =	shalt  }
0x44: {  	_ =	shalt  }
0x45: {  	_ =	shalt  }
0x46: {  	_ =	shalt  }
0x47: {  	_ =	shalt  }
0x48: {  	_ =	shalt  }
0x49: {  	_ =	shalt  }
0x4a: {  	_ =	shalt  }
0x4b: {  	_ =	shalt  }
0x4c: {  	_ =	shalt  }
0x4d: {  	_ =	shalt  }
0x4e: {  	_ =	shalt  }
0x4f: {  	_ =	shalt  }
0x50: {  	_ =	shalt  }
0x51: {  	_ =	shalt  }
0x52: {  	_ =	shalt  }
0x53: {  	_ =	shalt  }
0x54: {  	_ =	shalt  }
0x55: {  	_ =	shalt  }
0x56: {  	_ =	shalt  }
0x57: {  	_ =	shalt  }
0x58: {  	_ =	shalt  }
0x59: {  	_ =	shalt  }
0x5a: {  	_ =	shalt  }
0x5b: {  	_ =	shalt  }
0x5c: {  	_ =	shalt  }
0x5d: {  	_ =	shalt  }
0x5e: {  	_ =	shalt  }
0x5f: {  	_ =	shalt  }
0x60: {  	_ =	shalt  }
0x61: {  	_ =	shalt  }
0x62: {  	_ =	shalt  }
0x63: {  	_ =	shalt  }
0x64: {  	_ =	shalt  }
0x65: {  	_ =	shalt  }
0x66: {  	_ =	shalt  }
0x67: {  	_ =	shalt  }
0x68: {  	_ =	shalt  }
0x69: {  	_ =	shalt  }
0x6a: {  	_ =	shalt  }
0x6b: {  	_ =	shalt  }
0x6c: {  	_ =	shalt  }
0x6d: {  	_ =	shalt  }
0x6e: {  	_ =	shalt  }
0x6f: {  	_ =	shalt  }
0x70: {  	_ =	shalt  }
0x71: {  	_ =	shalt  }
0x72: {  	_ =	shalt  }
0x73: {  	_ =	shalt  }
0x74: {  	_ =	shalt  }
0x75: {  	_ =	shalt  }
0x76: {  	_ =	shalt  }
0x77: {  	_ =	shalt  }
0x78: {  	_ =	shalt  }
0x79: {  	_ =	shalt  }
0x7a: {  	_ =	shalt  }
0x7b: {  	_ =	shalt  }
0x7c: {  	_ =	shalt  }
0x7d: {  	_ =	shalt  }
0x7e: {  	_ =	shalt  }
0x7f: {  	_ =	shalt  }
0x80: {  	_ =	shalt  }
0x81: {  	_ =	shalt  }
0x82: {  	_ =	shalt  }
0x83: {  	_ =	shalt  }
0x84: {  	_ =	shalt  }
0x85: {  	_ =	shalt  }
0x86: {  	_ =	shalt  }
0x87: {  	_ =	shalt  }
.Lfunc_end0:
.L_simem_size_0:
called_computation_lowered:
.L_overlay_start_0:
0x88: {  	s2 =	sld [smem:$0x3FD9]  }
0x89: {  	s3 =	sld [smem:$0x3FFE];
	_ =	sdelay $0x1  }
0x8a: {  	s1 =	srdreg.scid  }
0x8b: {  	s0 =	sand.u32 $0x1, s1  }
0x8c: {  	s17 =	sshll.u32 s0, $0xA;
	s2 =	sadd.s32 s3, s2  }
0x8d: {  	s2 =	sadd.s32 s2, s17  }
0x8e: {  	[smem:$0x3FC2] =	sst s2  }
0x8f: {  	_ = 	snop  }
0x90: {  	s2 =	sld [smem:$0x3FD0];
	(tm) =	ssettm $0x1  }
0x91: {  	s18 =	sld [smem:$0x3FFB];
	_ =	sdelay $0x3  }
0x92: {  	_ =	strace s18  }
0x93: {  	s3 =	sld [smem:$0x3FFC];
	_ =	sdelay $0x3  }
0x94: {  	_ =	strace s3  }
0x95: {  	s3 =	sld [smem:$0x3FFD];
	_ =	sdelay $0x3  }
0x96: {  	_ =	strace s3  }
0x97: {  	_ =	strace $0x8FFFFFFF  }
0x98: {  	s19 =	sld [smem:$0x3FDB];
	_ =	sdelay $0x1  }
0x99: {  	s4 =	simm.s32 $_scs_section_size  }
0x9a: {  	s5 =	simm.s32 $_size__tile_overlayer_lowered;
	s6 =	simm.s32 $_tile_overlayer_lowered  }
0x9b: {  	s22 =	simm.s32 $0x1BFF;
	s21 =	sshll.u32 s6, $0x1;
	s3 =	sadd.s32 s4, s19  }
0x9c: {  	s7 =	simm.s32 $0x0;
	s20 =	sshll.u32 s5, $0x1;
	s5 =	sadd.s32 s21, s3  }
0x9d: {  	[timem:s7], [sflag:s22] =	dma.local [hbm:s5], s20  }
0x9e: {  	_ =	swait.ge [sflag:s22], s20  }
0x9f: {  	s4 =	ssub.s32 $0x0, s20;
	[sflag:s22] =	ssyncset.done $0x0  }
0xa0: {  	[sflag:s22] =	ssyncadd.s32 s4;
	_ =	sdelay $0x1  }
0xa1: {  	s23 =	simm.s32 $0x1B8B  }
0xa2: {  	_ =	swait.ge [sflag:s23], $0x1  }
0xa3: {  	[sflag:s23] =	ssyncset.done $0x0  }
0xa4: {  	s25 =	simm.s32 $0x1B8E;
	s24 =	sld [smem:$0x3FFE];
	[sflag:s23] =	ssyncadd.s32 $0xFFFFFFFF  }
0xa5: {  	s26 =	simm.s32 $execute0_lowered;
	[smem:$0x3FD2] =	sst s25  }
0xa6: {  	s5 =	sshll.u32 s26, $0x1;
	_ =	strace $0x80000046;
	[dreg:$0x1] =	wrdreg $0xFFFFFFFF  }
0xa7: {  	s28 =	simm.s32 $_size_execute0_lowered;
	s3 =	sadd.s32 s3, s5;
	[dreg:$0x0] =	wrdreg $0x0  }
0xa8: {  	s5 =	sshll.u32 s28, $0x1;
	[dreg:$0x2] =	wrdreg s3  }
0xa9: {  	[dreg:$0x3] =	wrdreg s5  }
0xaa: {  	[dreg:$0x4] =	wrdreg $0xC0  }
0xab: {  	_ =	task [dreg:s7], $0x5FFFF  }
0xac: {  	[dreg:$0x1] =	wrdreg $0xFFFFFFFF  }
0xad: {  	[dreg:$0x0] =	wrdreg $0x60  }
0xae: {  	[dreg:$0x2] =	wrdreg s24  }
0xaf: {  	[dreg:$0x3] =	wrdreg s2  }
0xb0: {  	[dreg:$0x4] =	wrdreg $0x18000  }
0xb1: {  	[dreg:$0x5] =	wrdreg $0x9  }
0xb2: {  	_ =	task.clear_ibuf [dreg:s7], $0x6FFFF;
	_ =	strace $0x90000046  }
0xb3: {  	s29 =	simm.s32 $0x9;
	_ =	strace $0x80000048  }
0xb4: {  	_ =	swait.ge [sflag:s29], $0x1  }
0xb5: {  	[sflag:s29] =	ssyncadd.s32 $0xFFFFFFFF  }
0xb6: {  	_ =	strace $0x90000048  }
0xb7: {  	_ =	sfence  }
0xb8: {  	s30 =	sld [smem:$0x0];
	_ =	sdelay $0x2  }
0xb9: {  	s31 =	sshll.u32 s1, $0xD;
	s1 =	sshrl.u32 s1, $0x2  }
0xba: {  	s3 =	sand.u32 $0x4000, s31;
	s1 =	sadd.s32 s1, s30  }
0xbb: {  	s0 =	sor.u32 s3, s0;
	s1 =	sshll.u32 s1, $0x11  }
0xbc: {  	s0 =	sor.u32 s1, s0  }
0xbd: {  	s0 =	sadd.s32 $0x8F2B, s0  }
0xbe: {  	[sflag:s0] =	ssyncadd.remote.s32 $0x1  }
0xbf: {  	_ =	sfence.sel $0xFFFF  }
0xc0: {  	[dreg:$0x0] =	wrdreg $0xFFFFFFFF;
	(pc) =	sbr.abs _section_cstart, $3  }
0xc1: {  	[dreg:$0x1] =	wrdreg $0xFFFFFFFF  }
0xc2: {  	_ =	task.clear_ibuf [dreg:s7], $0x2FFFF;
	_ =	strace $0x9FFFFFFF  }
0xc3: {  	(tm) =	ssettm $0x7FFFFFFF  }
tec
execute0_lowered:
.L_overlay_start_1:
0x0: {  	(tag) =	ssettag $0x1  }
0x1: {  	s0 =	rddreg [dreg:$0x0]  }
0x2: {  	s1 =	rddreg [dreg:$0x1]  }
0x3: {  	s2 =	rddreg [dreg:$0x2];
	s15 =	simm.s32 $0x0  }
0x4: {  	s9 =	stileid.u32;
	s3 =	srdreg.scid;
	s10 =	simm.s32 $0x80  }
0x5: {  	s11 =	simm.s32 $0x1;
	p0 =	por $0x0, $0x0;
	[smem:$0x7FF] =	sst s15  }
0x6: {  	s4 =	smul.u32 $0x1400, s9;
	s3 =	sand.u32 $0x1, s3;
	s5 =	sadd.s32 $0x18400, s0  }
0x7: {  	s26 =	sshll.u32 s9, $0x1;
	s29 =	sshll.u32 s9, $0x6;
	_ =	strace $0x80000047  }
0x8: {  	s6 =	smul.u32 $0x14000, s3;
	[dreg:$0x4] =	wrdreg s5;
	s5 =	sor.u32 s3, s26  }
0x9: {  	s9 =	simm.s32 $0x1400;
	s3 =	ssub.s32 $0x2, s3;
	s8 =	smul.u32 $0x2800, s5  }
0xa: {  	s7 =	sshrl.u32 s4, $0x3;
	s5 =	smul.u32 $0x500, s5;
	s6 =	sadd.s32 s4, s6  }
0xb: {  	s28 =	sshrl.u32 s3, $0x1;
	s30 =	sadd.s32 s4, s2;
	s6 =	sshrl.u32 s6, $0x3  }
0xc: {  	s7 =	sadd.s32 s7, s0;
	s0 =	sadd.s32 s6, s0;
	s6 =	ssub.s32 s3, s28  }
0xd: {  	s4 =	simm.s32 $0x5;
	s7 =	sadd.s32 $0x15C00, s7;
	s12 =	smax.u32 s6, $0x1  }
0xe: {  	s8 =	sshrl.u32 s8, $0x3;
	s5 =	sadd.s32 s1, s5;
	p1 =	sne.s32 s12, $0x1  }
.Ltmp0:
0xf: {  	[dreg:$0x5] =	wrdreg s7;
	s1 =	sadd.s32 s1, s8;
	(pc) =	sbr.rel @!p1 .LBB2_5-.Ltmp0, $4  }
0x10: {  	[dreg:$0x6] =	wrdreg s5;
	s3 =	sor.u32 $0x1C05, s29;
	s5 =	sshrl.u32 s30, $0x3  }
0x11: {  	s8 =	simm.s32 $0x2;
	s1 =	sadd.s32 $0x280, s1;
	s31 =	rddreg [dreg:$0x5]  }
0x12: {  	s7 =	simm.s32 $0x3;
	s0 =	sadd.s32 $0x18600, s0;
	[dreg:$0x7] =	wrdreg s1  }
0x13: {  	s6 =	simm.s32 $0x4;
	[dreg:$0x8] =	wrdreg s0;
	s1 =	sadd.s32 $0xFFFFFFFF, s12  }
0x14: {  	[spmem:s5], [sflag:s3] =	dma.local [hbm:s31], $0x280  }
0x15: {  	_ =	swait.ge [sflag:s4], $0x280  }
0x16: {  	[sflag:s4] =	ssyncset.done $0x0  }
0x17: {  	s31 =	rddreg [dreg:$0x4];
	[sflag:s4] =	ssyncadd.s32 $0xFFFFFD80  }
0x18: {  	[tilespmem:s9], [sflag:$0x5] =	stream.linear.gather [hbm4b:s31+s15], $0x400, $0x38;
	[tilespmem:$0x2C00] =	vst v63  }
0x19: {  	_ =	swait.ge [sflag:s4], $0x400  }
0x1a: {  	[sflag:s4] =	ssyncset.done $0x0  }
0x1b: {  	[sflag:s4] =	ssyncadd.s32 $0xFFFFFC00  }
0x1c: {  	[bflag:$0x0] =	sbarrier.arrive $0xFFFF  }
0x1d: {  	s31 =	rddreg [dreg:$0x6]  }
0x1e: {  	[tilespmem:s15], [sflag:$0x5] =	stream.linear.gather [hbm4b:s31+s15], $0x1400, $0x38;
	[tilespmem:$0x2C00] =	vst v63  }
0x1f: {  	_ =	swait.ge [sflag:s4], $0x1400  }
0x20: {  	[sflag:s4] =	ssyncset.done $0x0  }
0x21: {  	[sflag:s4] =	ssyncadd.s32 $0xFFFFEC00  }
0x22: {  	[spmem:s2] =	stream.indirect.scatter.add.f32 [tilespmem:s9], [sflag:$0x1], $0x8, s15, s10, $0xb8;
	[tilespmem:$0x2C00] =	vst v63  }
0x23: {  	_ = 	snop  }
0x24: {  	[spmem:s2] =	stream.indirect.scatter.add.f32 [tilespmem:s9], [sflag:$0x2], $0x8, s10, s10, $0xb8;
	[tilespmem:$0x2C00] =	vst v63  }
0x25: {  	s29 =	simm.s32 $0x100  }
0x26: {  	[spmem:s2] =	stream.indirect.scatter.add.f32 [tilespmem:s9], [sflag:$0x3], $0x8, s29, s10, $0xb8;
	[tilespmem:$0x2C00] =	vst v63  }
0x27: {  	s12 =	simm.s32 $0x180  }
0x28: {  	[spmem:s2] =	stream.indirect.scatter.add.f32 [tilespmem:s9], [sflag:$0x4], $0x8, s12, s10, $0xb8;
	[tilespmem:$0x2C00] =	vst v63  }
0x29: {  	_ =	swait.ge [sflag:s11], $0x400  }
0x2a: {  	[sflag:s11] =	ssyncset.done $0x0  }
0x2b: {  	[sflag:s11] =	ssyncadd.s32 $0xFFFFFC00  }
0x2c: {  	_ =	swait.ge [sflag:s8], $0x400  }
0x2d: {  	[sflag:s8] =	ssyncset.done $0x0  }
0x2e: {  	[sflag:s8] =	ssyncadd.s32 $0xFFFFFC00  }
0x2f: {  	_ =	swait.ge [sflag:s7], $0x400  }
0x30: {  	[sflag:s7] =	ssyncset.done $0x0  }
0x31: {  	[sflag:s7] =	ssyncadd.s32 $0xFFFFFC00  }
0x32: {  	_ =	swait.ge [sflag:s6], $0x400  }
0x33: {  	[sflag:s6] =	ssyncset.done $0x0  }
0x34: {  	s13 =	simm.s32 $0x200;
	[sflag:s6] =	ssyncadd.s32 $0xFFFFFC00  }
0x35: {  	[spmem:s2] =	stream.indirect.scatter.add.f32 [tilespmem:s9], [sflag:$0x1], $0x8, s13, s10, $0xb8;
	[tilespmem:$0x2C00] =	vst v63  }
0x36: {  	s18 =	simm.s32 $0x280  }
0x37: {  	[spmem:s2] =	stream.indirect.scatter.add.f32 [tilespmem:s9], [sflag:$0x2], $0x8, s18, s10, $0xb8;
	[tilespmem:$0x2C00] =	vst v63  }
0x38: {  	s26 =	simm.s32 $0x300  }
0x39: {  	[spmem:s2] =	stream.indirect.scatter.add.f32 [tilespmem:s9], [sflag:$0x3], $0x8, s26, s10, $0xb8;
	[tilespmem:$0x2C00] =	vst v63  }
0x3a: {  	s14 =	simm.s32 $0x380  }
0x3b: {  	[spmem:s2] =	stream.indirect.scatter.add.f32 [tilespmem:s9], [sflag:$0x4], $0x8, s14, s10, $0xb8;
	[tilespmem:$0x2C00] =	vst v63  }
0x3c: {  	_ =	swait.ge [sflag:s11], $0x400  }
0x3d: {  	[sflag:s11] =	ssyncset.done $0x0  }
0x3e: {  	[sflag:s11] =	ssyncadd.s32 $0xFFFFFC00  }
0x3f: {  	_ =	swait.ge [sflag:s8], $0x400  }
0x40: {  	[sflag:s8] =	ssyncset.done $0x0  }
0x41: {  	[sflag:s8] =	ssyncadd.s32 $0xFFFFFC00  }
0x42: {  	_ =	swait.ge [sflag:s7], $0x400  }
0x43: {  	[sflag:s7] =	ssyncset.done $0x0  }
0x44: {  	[sflag:s7] =	ssyncadd.s32 $0xFFFFFC00  }
0x45: {  	_ =	swait.ge [sflag:s6], $0x400  }
0x46: {  	[sflag:s6] =	ssyncset.done $0x0  }
0x47: {  	s25 =	simm.s32 $0x400;
	[sflag:s6] =	ssyncadd.s32 $0xFFFFFC00  }
0x48: {  	[spmem:s2] =	stream.indirect.scatter.add.f32 [tilespmem:s9], [sflag:$0x1], $0x8, s25, s10, $0xb8;
	[tilespmem:$0x2C00] =	vst v63  }
0x49: {  	s17 =	simm.s32 $0x480  }
0x4a: {  	[spmem:s2] =	stream.indirect.scatter.add.f32 [tilespmem:s9], [sflag:$0x2], $0x8, s17, s10, $0xb8;
	[tilespmem:$0x2C00] =	vst v63  }
0x4b: {  	s24 =	simm.s32 $0x500  }
0x4c: {  	[spmem:s2] =	stream.indirect.scatter.add.f32 [tilespmem:s9], [sflag:$0x3], $0x8, s24, s10, $0xb8;
	[tilespmem:$0x2C00] =	vst v63  }
0x4d: {  	s19 =	simm.s32 $0x580  }
0x4e: {  	[spmem:s2] =	stream.indirect.scatter.add.f32 [tilespmem:s9], [sflag:$0x4], $0x8, s19, s10, $0xb8;
	[tilespmem:$0x2C00] =	vst v63  }
0x4f: {  	_ =	swait.ge [sflag:s11], $0x400  }
0x50: {  	[sflag:s11] =	ssyncset.done $0x0  }
0x51: {  	[sflag:s11] =	ssyncadd.s32 $0xFFFFFC00  }
0x52: {  	_ =	swait.ge [sflag:s8], $0x400  }
0x53: {  	[sflag:s8] =	ssyncset.done $0x0  }
0x54: {  	[sflag:s8] =	ssyncadd.s32 $0xFFFFFC00  }
0x55: {  	_ =	swait.ge [sflag:s7], $0x400  }
0x56: {  	[sflag:s7] =	ssyncset.done $0x0  }
0x57: {  	[sflag:s7] =	ssyncadd.s32 $0xFFFFFC00  }
0x58: {  	_ =	swait.ge [sflag:s6], $0x400  }
0x59: {  	[sflag:s6] =	ssyncset.done $0x0  }
0x5a: {  	s21 =	simm.s32 $0x600;
	[sflag:s6] =	ssyncadd.s32 $0xFFFFFC00  }
0x5b: {  	[spmem:s2] =	stream.indirect.scatter.add.f32 [tilespmem:s9], [sflag:$0x1], $0x8, s21, s10, $0xb8;
	[tilespmem:$0x2C00] =	vst v63  }
0x5c: {  	s0 =	simm.s32 $0x680  }
0x5d: {  	[spmem:s2] =	stream.indirect.scatter.add.f32 [tilespmem:s9], [sflag:$0x2], $0x8, s0, s10, $0xb8;
	[tilespmem:$0x2C00] =	vst v63  }
0x5e: {  	[dreg:$0x9] =	wrdreg s3;
	s3 =	simm.s32 $0x700  }
0x5f: {  	[spmem:s2] =	stream.indirect.scatter.add.f32 [tilespmem:s9], [sflag:$0x3], $0x8, s3, s10, $0xb8;
	[tilespmem:$0x2C00] =	vst v63  }
0x60: {  	[dreg:$0xa] =	wrdreg s5;
	s5 =	simm.s32 $0x780  }
0x61: {  	[spmem:s2] =	stream.indirect.scatter.add.f32 [tilespmem:s9], [sflag:$0x4], $0x8, s5, s10, $0xb8;
	[tilespmem:$0x2C00] =	vst v63  }
0x62: {  	_ =	swait.ge [sflag:s11], $0x400  }
0x63: {  	[sflag:s11] =	ssyncset.done $0x0  }
0x64: {  	[sflag:s11] =	ssyncadd.s32 $0xFFFFFC00  }
0x65: {  	_ =	swait.ge [sflag:s8], $0x400  }
0x66: {  	[sflag:s8] =	ssyncset.done $0x0  }
0x67: {  	[sflag:s8] =	ssyncadd.s32 $0xFFFFFC00  }
0x68: {  	_ =	swait.ge [sflag:s7], $0x400  }
0x69: {  	[sflag:s7] =	ssyncset.done $0x0  }
0x6a: {  	[sflag:s7] =	ssyncadd.s32 $0xFFFFFC00  }
0x6b: {  	_ =	swait.ge [sflag:s6], $0x400  }
0x6c: {  	[sflag:s6] =	ssyncset.done $0x0  }
0x6d: {  	s22 =	simm.s32 $0x800;
	[sflag:s6] =	ssyncadd.s32 $0xFFFFFC00  }
0x6e: {  	[spmem:s2] =	stream.indirect.scatter.add.f32 [tilespmem:s9], [sflag:$0x1], $0x8, s22, s10, $0xb8;
	[tilespmem:$0x2C00] =	vst v63  }
0x6f: {  	s16 =	simm.s32 $0x880  }
0x70: {  	[spmem:s2] =	stream.indirect.scatter.add.f32 [tilespmem:s9], [sflag:$0x2], $0x8, s16, s10, $0xb8;
	[tilespmem:$0x2C00] =	vst v63  }
0x71: {  	s15 =	simm.s32 $0x900  }
0x72: {  	[spmem:s2] =	stream.indirect.scatter.add.f32 [tilespmem:s9], [sflag:$0x3], $0x8, s15, s10, $0xb8;
	[tilespmem:$0x2C00] =	vst v63  }
0x73: {  	s30 =	simm.s32 $0x980  }
0x74: {  	[spmem:s2] =	stream.indirect.scatter.add.f32 [tilespmem:s9], [sflag:$0x4], $0x8, s30, s10, $0xb8;
	[tilespmem:$0x2C00] =	vst v63  }
0x75: {  	_ =	swait.ge [sflag:s11], $0x400  }
0x76: {  	[sflag:s11] =	ssyncset.done $0x0  }
0x77: {  	[sflag:s11] =	ssyncadd.s32 $0xFFFFFC00  }
0x78: {  	_ =	swait.ge [sflag:s8], $0x400  }
0x79: {  	[sflag:s8] =	ssyncset.done $0x0  }
0x7a: {  	[sflag:s8] =	ssyncadd.s32 $0xFFFFFC00  }
0x7b: {  	_ =	swait.ge [sflag:s7], $0x400  }
0x7c: {  	[sflag:s7] =	ssyncset.done $0x0  }
0x7d: {  	[sflag:s7] =	ssyncadd.s32 $0xFFFFFC00  }
0x7e: {  	_ =	swait.ge [sflag:s6], $0x400  }
0x7f: {  	[sflag:s6] =	ssyncset.done $0x0  }
0x80: {  	s20 =	simm.s32 $0xA00;
	[sflag:s6] =	ssyncadd.s32 $0xFFFFFC00  }
0x81: {  	[spmem:s2] =	stream.indirect.scatter.add.f32 [tilespmem:s9], [sflag:$0x1], $0x8, s20, s10, $0xb8;
	[tilespmem:$0x2C00] =	vst v63  }
0x82: {  	s23 =	simm.s32 $0xA80  }
0x83: {  	[spmem:s2] =	stream.indirect.scatter.add.f32 [tilespmem:s9], [sflag:$0x2], $0x8, s23, s10, $0xb8;
	[tilespmem:$0x2C00] =	vst v63  }
0x84: {  	s28 =	simm.s32 $0xB00  }
0x85: {  	[spmem:s2] =	stream.indirect.scatter.add.f32 [tilespmem:s9], [sflag:$0x3], $0x8, s28, s10, $0xb8;
	[tilespmem:$0x2C00] =	vst v63  }
0x86: {  	s23 =	simm.s32 $0xB80  }
0x87: {  	[spmem:s2] =	stream.indirect.scatter.add.f32 [tilespmem:s9], [sflag:$0x4], $0x8, s23, s10, $0xb8;
	[tilespmem:$0x2C00] =	vst v63  }
0x88: {  	_ =	swait.ge [sflag:s11], $0x400  }
0x89: {  	[sflag:s11] =	ssyncset.done $0x0  }
0x8a: {  	[sflag:s11] =	ssyncadd.s32 $0xFFFFFC00  }
0x8b: {  	_ =	swait.ge [sflag:s8], $0x400  }
0x8c: {  	[sflag:s8] =	ssyncset.done $0x0  }
0x8d: {  	[sflag:s8] =	ssyncadd.s32 $0xFFFFFC00  }
0x8e: {  	_ =	swait.ge [sflag:s7], $0x400  }
0x8f: {  	[sflag:s7] =	ssyncset.done $0x0  }
0x90: {  	[sflag:s7] =	ssyncadd.s32 $0xFFFFFC00  }
0x91: {  	_ =	swait.ge [sflag:s6], $0x400  }
0x92: {  	[sflag:s6] =	ssyncset.done $0x0  }
0x93: {  	s20 =	simm.s32 $0xC00;
	[sflag:s6] =	ssyncadd.s32 $0xFFFFFC00  }
0x94: {  	[spmem:s2] =	stream.indirect.scatter.add.f32 [tilespmem:s9], [sflag:$0x1], $0x8, s20, s10, $0xb8;
	[tilespmem:$0x2C00] =	vst v63  }
0x95: {  	s23 =	simm.s32 $0xC80  }
0x96: {  	[spmem:s2] =	stream.indirect.scatter.add.f32 [tilespmem:s9], [sflag:$0x2], $0x8, s23, s10, $0xb8;
	[tilespmem:$0x2C00] =	vst v63  }
0x97: {  	s28 =	simm.s32 $0xD00  }
0x98: {  	[spmem:s2] =	stream.indirect.scatter.add.f32 [tilespmem:s9], [sflag:$0x3], $0x8, s28, s10, $0xb8;
	[tilespmem:$0x2C00] =	vst v63  }
0x99: {  	s28 =	simm.s32 $0xD80  }
0x9a: {  	[spmem:s2] =	stream.indirect.scatter.add.f32 [tilespmem:s9], [sflag:$0x4], $0x8, s28, s10, $0xb8;
	[tilespmem:$0x2C00] =	vst v63  }
0x9b: {  	_ =	swait.ge [sflag:s11], $0x400  }
0x9c: {  	[sflag:s11] =	ssyncset.done $0x0  }
0x9d: {  	[sflag:s11] =	ssyncadd.s32 $0xFFFFFC00  }
0x9e: {  	_ =	swait.ge [sflag:s8], $0x400  }
0x9f: {  	[sflag:s8] =	ssyncset.done $0x0  }
0xa0: {  	[sflag:s8] =	ssyncadd.s32 $0xFFFFFC00  }
0xa1: {  	_ =	swait.ge [sflag:s7], $0x400  }
0xa2: {  	[sflag:s7] =	ssyncset.done $0x0  }
0xa3: {  	[sflag:s7] =	ssyncadd.s32 $0xFFFFFC00  }
0xa4: {  	_ =	swait.ge [sflag:s6], $0x400  }
0xa5: {  	[sflag:s6] =	ssyncset.done $0x0  }
0xa6: {  	s23 =	simm.s32 $0xE00;
	[sflag:s6] =	ssyncadd.s32 $0xFFFFFC00  }
0xa7: {  	[spmem:s2] =	stream.indirect.scatter.add.f32 [tilespmem:s9], [sflag:$0x1], $0x8, s23, s10, $0xb8;
	[tilespmem:$0x2C00] =	vst v63  }
0xa8: {  	s28 =	simm.s32 $0xE80  }
0xa9: {  	[spmem:s2] =	stream.indirect.scatter.add.f32 [tilespmem:s9], [sflag:$0x2], $0x8, s28, s10, $0xb8;
	[tilespmem:$0x2C00] =	vst v63  }
0xaa: {  	s28 =	simm.s32 $0xF00  }
0xab: {  	[spmem:s2] =	stream.indirect.scatter.add.f32 [tilespmem:s9], [sflag:$0x3], $0x8, s28, s10, $0xb8;
	[tilespmem:$0x2C00] =	vst v63  }
0xac: {  	s28 =	simm.s32 $0xF80  }
0xad: {  	[spmem:s2] =	stream.indirect.scatter.add.f32 [tilespmem:s9], [sflag:$0x4], $0x8, s28, s10, $0xb8;
	[tilespmem:$0x2C00] =	vst v63  }
0xae: {  	_ =	swait.ge [sflag:s11], $0x400  }
0xaf: {  	[sflag:s11] =	ssyncset.done $0x0  }
0xb0: {  	[sflag:s11] =	ssyncadd.s32 $0xFFFFFC00  }
0xb1: {  	_ =	swait.ge [sflag:s8], $0x400  }
0xb2: {  	[sflag:s8] =	ssyncset.done $0x0  }
0xb3: {  	[sflag:s8] =	ssyncadd.s32 $0xFFFFFC00  }
0xb4: {  	_ =	swait.ge [sflag:s7], $0x400  }
0xb5: {  	[sflag:s7] =	ssyncset.done $0x0  }
0xb6: {  	[sflag:s7] =	ssyncadd.s32 $0xFFFFFC00  }
0xb7: {  	_ =	swait.ge [sflag:s6], $0x400  }
0xb8: {  	[sflag:s6] =	ssyncset.done $0x0  }
0xb9: {  	s28 =	simm.s32 $0x1000;
	[sflag:s6] =	ssyncadd.s32 $0xFFFFFC00  }
0xba: {  	[spmem:s2] =	stream.indirect.scatter.add.f32 [tilespmem:s9], [sflag:$0x1], $0x8, s28, s10, $0xb8;
	[tilespmem:$0x2C00] =	vst v63  }
0xbb: {  	s31 =	simm.s32 $0x1080  }
0xbc: {  	[spmem:s2] =	stream.indirect.scatter.add.f32 [tilespmem:s9], [sflag:$0x2], $0x8, s31, s10, $0xb8;
	[tilespmem:$0x2C00] =	vst v63  }
0xbd: {  	s31 =	simm.s32 $0x1100  }
0xbe: {  	[spmem:s2] =	stream.indirect.scatter.add.f32 [tilespmem:s9], [sflag:$0x3], $0x8, s31, s10, $0xb8;
	[tilespmem:$0x2C00] =	vst v63  }
0xbf: {  	s31 =	simm.s32 $0x1180  }
0xc0: {  	[spmem:s2] =	stream.indirect.scatter.add.f32 [tilespmem:s9], [sflag:$0x4], $0x8, s31, s10, $0xb8;
	[tilespmem:$0x2C00] =	vst v63  }
0xc1: {  	_ =	swait.ge [sflag:s11], $0x400  }
0xc2: {  	[sflag:s11] =	ssyncset.done $0x0  }
0xc3: {  	[sflag:s11] =	ssyncadd.s32 $0xFFFFFC00  }
0xc4: {  	_ =	swait.ge [sflag:s8], $0x400  }
0xc5: {  	[sflag:s8] =	ssyncset.done $0x0  }
0xc6: {  	[sflag:s8] =	ssyncadd.s32 $0xFFFFFC00  }
0xc7: {  	_ =	swait.ge [sflag:s7], $0x400  }
0xc8: {  	[sflag:s7] =	ssyncset.done $0x0  }
0xc9: {  	[sflag:s7] =	ssyncadd.s32 $0xFFFFFC00  }
0xca: {  	_ =	swait.ge [sflag:s6], $0x400  }
0xcb: {  	[sflag:s6] =	ssyncset.done $0x0  }
0xcc: {  	s31 =	simm.s32 $0x1200;
	[sflag:s6] =	ssyncadd.s32 $0xFFFFFC00  }
0xcd: {  	[spmem:s2] =	stream.indirect.scatter.add.f32 [tilespmem:s9], [sflag:$0x1], $0x8, s31, s10, $0xb8;
	[tilespmem:$0x2C00] =	vst v63  }
0xce: {  	s31 =	simm.s32 $0x1280  }
0xcf: {  	[spmem:s2] =	stream.indirect.scatter.add.f32 [tilespmem:s9], [sflag:$0x2], $0x8, s31, s10, $0xb8;
	[tilespmem:$0x2C00] =	vst v63  }
0xd0: {  	s31 =	simm.s32 $0x1300  }
0xd1: {  	[spmem:s2] =	stream.indirect.scatter.add.f32 [tilespmem:s9], [sflag:$0x3], $0x8, s31, s10, $0xb8;
	[tilespmem:$0x2C00] =	vst v63  }
0xd2: {  	s31 =	simm.s32 $0x1380  }
0xd3: {  	[spmem:s2] =	stream.indirect.scatter.add.f32 [tilespmem:s9], [sflag:$0x4], $0x8, s31, s10, $0xb8;
	[tilespmem:$0x2C00] =	vst v63  }
0xd4: {  	_ =	swait.ge [sflag:s11], $0x400  }
0xd5: {  	[sflag:s11] =	ssyncset.done $0x0  }
0xd6: {  	[sflag:s11] =	ssyncadd.s32 $0xFFFFFC00  }
0xd7: {  	_ =	swait.ge [sflag:s8], $0x400  }
0xd8: {  	[sflag:s8] =	ssyncset.done $0x0  }
0xd9: {  	[sflag:s8] =	ssyncadd.s32 $0xFFFFFC00  }
0xda: {  	_ =	swait.ge [sflag:s7], $0x400  }
0xdb: {  	[sflag:s7] =	ssyncset.done $0x0  }
0xdc: {  	[sflag:s7] =	ssyncadd.s32 $0xFFFFFC00  }
0xdd: {  	_ =	swait.ge [sflag:s6], $0x400  }
0xde: {  	[sflag:s6] =	ssyncset.done $0x0  }
0xdf: {  	s0 =	simm.s32 $0x0;
	s31 =	rddreg [dreg:$0x7];
	[sflag:s6] =	ssyncadd.s32 $0xFFFFFC00  }
0xe0: {  	[tilespmem:s0], [sflag:$0x5] =	stream.linear.gather [hbm4b:s31+s0], $0x1400, $0x38;
	[tilespmem:$0x2C00] =	vst v63  }
0xe1: {  	_ =	swait.ge [sflag:s4], $0x1400  }
0xe2: {  	[sflag:s4] =	ssyncset.done $0x0  }
0xe3: {  	[sflag:s4] =	ssyncadd.s32 $0xFFFFEC00  }
0xe4: {  	[spmem:s2] =	stream.indirect.scatter.add.f32 [tilespmem:s9], [sflag:$0x1], $0x8, s0, s10, $0xb8;
	[tilespmem:$0x2C00] =	vst v63  }
0xe5: {  	_ = 	snop  }
0xe6: {  	[spmem:s2] =	stream.indirect.scatter.add.f32 [tilespmem:s9], [sflag:$0x2], $0x8, s10, s10, $0xb8;
	[tilespmem:$0x2C00] =	vst v63  }
0xe7: {  	_ = 	snop  }
0xe8: {  	[spmem:s2] =	stream.indirect.scatter.add.f32 [tilespmem:s9], [sflag:$0x3], $0x8, s29, s10, $0xb8;
	[tilespmem:$0x2C00] =	vst v63  }
0xe9: {  	_ = 	snop  }
0xea: {  	[spmem:s2] =	stream.indirect.scatter.add.f32 [tilespmem:s9], [sflag:$0x4], $0x8, s12, s10, $0xb8;
	[tilespmem:$0x2C00] =	vst v63  }
0xeb: {  	_ =	swait.ge [sflag:s11], $0x400  }
0xec: {  	[sflag:s11] =	ssyncset.done $0x0  }
0xed: {  	[sflag:s11] =	ssyncadd.s32 $0xFFFFFC00  }
0xee: {  	_ =	swait.ge [sflag:s8], $0x400  }
0xef: {  	[sflag:s8] =	ssyncset.done $0x0  }
0xf0: {  	[sflag:s8] =	ssyncadd.s32 $0xFFFFFC00  }
0xf1: {  	_ =	swait.ge [sflag:s7], $0x400  }
0xf2: {  	[sflag:s7] =	ssyncset.done $0x0  }
0xf3: {  	[sflag:s7] =	ssyncadd.s32 $0xFFFFFC00  }
0xf4: {  	_ =	swait.ge [sflag:s6], $0x400  }
0xf5: {  	[sflag:s6] =	ssyncset.done $0x0  }
0xf6: {  	[sflag:s6] =	ssyncadd.s32 $0xFFFFFC00  }
0xf7: {  	[spmem:s2] =	stream.indirect.scatter.add.f32 [tilespmem:s9], [sflag:$0x1], $0x8, s13, s10, $0xb8;
	[tilespmem:$0x2C00] =	vst v63  }
0xf8: {  	_ = 	snop  }
0xf9: {  	[spmem:s2] =	stream.indirect.scatter.add.f32 [tilespmem:s9], [sflag:$0x2], $0x8, s18, s10, $0xb8;
	[tilespmem:$0x2C00] =	vst v63  }
0xfa: {  	_ = 	snop  }
0xfb: {  	[spmem:s2] =	stream.indirect.scatter.add.f32 [tilespmem:s9], [sflag:$0x3], $0x8, s26, s10, $0xb8;
	[tilespmem:$0x2C00] =	vst v63  }
0xfc: {  	_ = 	snop  }
0xfd: {  	[spmem:s2] =	stream.indirect.scatter.add.f32 [tilespmem:s9], [sflag:$0x4], $0x8, s14, s10, $0xb8;
	[tilespmem:$0x2C00] =	vst v63  }
0xfe: {  	_ =	swait.ge [sflag:s11], $0x400  }
0xff: {  	[sflag:s11] =	ssyncset.done $0x0  }
0x100: {  	[sflag:s11] =	ssyncadd.s32 $0xFFFFFC00  }
0x101: {  	_ =	swait.ge [sflag:s8], $0x400  }
0x102: {  	[sflag:s8] =	ssyncset.done $0x0  }
0x103: {  	[sflag:s8] =	ssyncadd.s32 $0xFFFFFC00  }
0x104: {  	_ =	swait.ge [sflag:s7], $0x400  }
0x105: {  	[sflag:s7] =	ssyncset.done $0x0  }
0x106: {  	[sflag:s7] =	ssyncadd.s32 $0xFFFFFC00  }
0x107: {  	_ =	swait.ge [sflag:s6], $0x400  }
0x108: {  	[sflag:s6] =	ssyncset.done $0x0  }
0x109: {  	[sflag:s6] =	ssyncadd.s32 $0xFFFFFC00  }
0x10a: {  	[spmem:s2] =	stream.indirect.scatter.add.f32 [tilespmem:s9], [sflag:$0x1], $0x8, s25, s10, $0xb8;
	[tilespmem:$0x2C00] =	vst v63  }
0x10b: {  	_ = 	snop  }
0x10c: {  	[spmem:s2] =	stream.indirect.scatter.add.f32 [tilespmem:s9], [sflag:$0x2], $0x8, s17, s10, $0xb8;
	[tilespmem:$0x2C00] =	vst v63  }
0x10d: {  	_ = 	snop  }
0x10e: {  	[spmem:s2] =	stream.indirect.scatter.add.f32 [tilespmem:s9], [sflag:$0x3], $0x8, s24, s10, $0xb8;
	[tilespmem:$0x2C00] =	vst v63  }
0x10f: {  	_ = 	snop  }
0x110: {  	[spmem:s2] =	stream.indirect.scatter.add.f32 [tilespmem:s9], [sflag:$0x4], $0x8, s19, s10, $0xb8;
	[tilespmem:$0x2C00] =	vst v63  }
0x111: {  	_ =	swait.ge [sflag:s11], $0x400  }
0x112: {  	[sflag:s11] =	ssyncset.done $0x0  }
0x113: {  	[sflag:s11] =	ssyncadd.s32 $0xFFFFFC00  }
0x114: {  	_ =	swait.ge [sflag:s8], $0x400  }
0x115: {  	[sflag:s8] =	ssyncset.done $0x0  }
0x116: {  	[sflag:s8] =	ssyncadd.s32 $0xFFFFFC00  }
0x117: {  	_ =	swait.ge [sflag:s7], $0x400  }
0x118: {  	[sflag:s7] =	ssyncset.done $0x0  }
0x119: {  	[sflag:s7] =	ssyncadd.s32 $0xFFFFFC00  }
0x11a: {  	_ =	swait.ge [sflag:s6], $0x400  }
0x11b: {  	[sflag:s6] =	ssyncset.done $0x0  }
0x11c: {  	[sflag:s6] =	ssyncadd.s32 $0xFFFFFC00  }
0x11d: {  	[spmem:s2] =	stream.indirect.scatter.add.f32 [tilespmem:s9], [sflag:$0x1], $0x8, s21, s10, $0xb8;
	[tilespmem:$0x2C00] =	vst v63  }
0x11e: {  	s29 =	simm.s32 $0x680  }
0x11f: {  	[spmem:s2] =	stream.indirect.scatter.add.f32 [tilespmem:s9], [sflag:$0x2], $0x8, s29, s10, $0xb8;
	[tilespmem:$0x2C00] =	vst v63  }
0x120: {  	_ = 	snop  }
0x121: {  	[spmem:s2] =	stream.indirect.scatter.add.f32 [tilespmem:s9], [sflag:$0x3], $0x8, s3, s10, $0xb8;
	[tilespmem:$0x2C00] =	vst v63  }
0x122: {  	s3 =	rddreg [dreg:$0x9]  }
0x123: {  	[spmem:s2] =	stream.indirect.scatter.add.f32 [tilespmem:s9], [sflag:$0x4], $0x8, s5, s10, $0xb8;
	[tilespmem:$0x2C00] =	vst v63  }
0x124: {  	s5 =	rddreg [dreg:$0xa];
	_ =	swait.ge [sflag:s11], $0x400  }
0x125: {  	[sflag:s11] =	ssyncset.done $0x0  }
0x126: {  	[sflag:s11] =	ssyncadd.s32 $0xFFFFFC00  }
0x127: {  	_ =	swait.ge [sflag:s8], $0x400  }
0x128: {  	[sflag:s8] =	ssyncset.done $0x0  }
0x129: {  	[sflag:s8] =	ssyncadd.s32 $0xFFFFFC00  }
0x12a: {  	_ =	swait.ge [sflag:s7], $0x400  }
0x12b: {  	[sflag:s7] =	ssyncset.done $0x0  }
0x12c: {  	[sflag:s7] =	ssyncadd.s32 $0xFFFFFC00  }
0x12d: {  	_ =	swait.ge [sflag:s6], $0x400  }
0x12e: {  	[sflag:s6] =	ssyncset.done $0x0  }
0x12f: {  	[sflag:s6] =	ssyncadd.s32 $0xFFFFFC00  }
0x130: {  	[spmem:s2] =	stream.indirect.scatter.add.f32 [tilespmem:s9], [sflag:$0x1], $0x8, s22, s10, $0xb8;
	[tilespmem:$0x2C00] =	vst v63  }
0x131: {  	_ = 	snop  }
0x132: {  	[spmem:s2] =	stream.indirect.scatter.add.f32 [tilespmem:s9], [sflag:$0x2], $0x8, s16, s10, $0xb8;
	[tilespmem:$0x2C00] =	vst v63  }
0x133: {  	_ = 	snop  }
0x134: {  	[spmem:s2] =	stream.indirect.scatter.add.f32 [tilespmem:s9], [sflag:$0x3], $0x8, s15, s10, $0xb8;
	[tilespmem:$0x2C00] =	vst v63  }
0x135: {  	_ = 	snop  }
0x136: {  	[spmem:s2] =	stream.indirect.scatter.add.f32 [tilespmem:s9], [sflag:$0x4], $0x8, s30, s10, $0xb8;
	[tilespmem:$0x2C00] =	vst v63  }
0x137: {  	_ =	swait.ge [sflag:s11], $0x400  }
0x138: {  	[sflag:s11] =	ssyncset.done $0x0  }
0x139: {  	[sflag:s11] =	ssyncadd.s32 $0xFFFFFC00  }
0x13a: {  	_ =	swait.ge [sflag:s8], $0x400  }
0x13b: {  	[sflag:s8] =	ssyncset.done $0x0  }
0x13c: {  	[sflag:s8] =	ssyncadd.s32 $0xFFFFFC00  }
0x13d: {  	_ =	swait.ge [sflag:s7], $0x400  }
0x13e: {  	[sflag:s7] =	ssyncset.done $0x0  }
0x13f: {  	[sflag:s7] =	ssyncadd.s32 $0xFFFFFC00  }
0x140: {  	_ =	swait.ge [sflag:s6], $0x400  }
0x141: {  	[sflag:s6] =	ssyncset.done $0x0  }
0x142: {  	s12 =	simm.s32 $0xA00;
	[sflag:s6] =	ssyncadd.s32 $0xFFFFFC00  }
0x143: {  	[spmem:s2] =	stream.indirect.scatter.add.f32 [tilespmem:s9], [sflag:$0x1], $0x8, s12, s10, $0xb8;
	[tilespmem:$0x2C00] =	vst v63  }
0x144: {  	s13 =	simm.s32 $0xA80  }
0x145: {  	[spmem:s2] =	stream.indirect.scatter.add.f32 [tilespmem:s9], [sflag:$0x2], $0x8, s13, s10, $0xb8;
	[tilespmem:$0x2C00] =	vst v63  }
0x146: {  	s14 =	simm.s32 $0xB00  }
0x147: {  	[spmem:s2] =	stream.indirect.scatter.add.f32 [tilespmem:s9], [sflag:$0x3], $0x8, s14, s10, $0xb8;
	[tilespmem:$0x2C00] =	vst v63  }
0x148: {  	s15 =	simm.s32 $0xB80  }
0x149: {  	[spmem:s2] =	stream.indirect.scatter.add.f32 [tilespmem:s9], [sflag:$0x4], $0x8, s15, s10, $0xb8;
	[tilespmem:$0x2C00] =	vst v63  }
0x14a: {  	_ =	swait.ge [sflag:s11], $0x400  }
0x14b: {  	[sflag:s11] =	ssyncset.done $0x0  }
0x14c: {  	[sflag:s11] =	ssyncadd.s32 $0xFFFFFC00  }
0x14d: {  	_ =	swait.ge [sflag:s8], $0x400  }
0x14e: {  	[sflag:s8] =	ssyncset.done $0x0  }
0x14f: {  	[sflag:s8] =	ssyncadd.s32 $0xFFFFFC00  }
0x150: {  	_ =	swait.ge [sflag:s7], $0x400  }
0x151: {  	[sflag:s7] =	ssyncset.done $0x0  }
0x152: {  	[sflag:s7] =	ssyncadd.s32 $0xFFFFFC00  }
0x153: {  	_ =	swait.ge [sflag:s6], $0x400  }
0x154: {  	[sflag:s6] =	ssyncset.done $0x0  }
0x155: {  	[sflag:s6] =	ssyncadd.s32 $0xFFFFFC00  }
0x156: {  	[spmem:s2] =	stream.indirect.scatter.add.f32 [tilespmem:s9], [sflag:$0x1], $0x8, s20, s10, $0xb8;
	[tilespmem:$0x2C00] =	vst v63  }
0x157: {  	s16 =	simm.s32 $0xC80  }
0x158: {  	[spmem:s2] =	stream.indirect.scatter.add.f32 [tilespmem:s9], [sflag:$0x2], $0x8, s16, s10, $0xb8;
	[tilespmem:$0x2C00] =	vst v63  }
0x159: {  	s17 =	simm.s32 $0xD00  }
0x15a: {  	[spmem:s2] =	stream.indirect.scatter.add.f32 [tilespmem:s9], [sflag:$0x3], $0x8, s17, s10, $0xb8;
	[tilespmem:$0x2C00] =	vst v63  }
0x15b: {  	s18 =	simm.s32 $0xD80  }
0x15c: {  	[spmem:s2] =	stream.indirect.scatter.add.f32 [tilespmem:s9], [sflag:$0x4], $0x8, s18, s10, $0xb8;
	[tilespmem:$0x2C00] =	vst v63  }
0x15d: {  	_ =	swait.ge [sflag:s11], $0x400  }
0x15e: {  	[sflag:s11] =	ssyncset.done $0x0  }
0x15f: {  	[sflag:s11] =	ssyncadd.s32 $0xFFFFFC00  }
0x160: {  	_ =	swait.ge [sflag:s8], $0x400  }
0x161: {  	[sflag:s8] =	ssyncset.done $0x0  }
0x162: {  	[sflag:s8] =	ssyncadd.s32 $0xFFFFFC00  }
0x163: {  	_ =	swait.ge [sflag:s7], $0x400  }
0x164: {  	[sflag:s7] =	ssyncset.done $0x0  }
0x165: {  	[sflag:s7] =	ssyncadd.s32 $0xFFFFFC00  }
0x166: {  	_ =	swait.ge [sflag:s6], $0x400  }
0x167: {  	[sflag:s6] =	ssyncset.done $0x0  }
0x168: {  	[sflag:s6] =	ssyncadd.s32 $0xFFFFFC00  }
0x169: {  	[spmem:s2] =	stream.indirect.scatter.add.f32 [tilespmem:s9], [sflag:$0x1], $0x8, s23, s10, $0xb8;
	[tilespmem:$0x2C00] =	vst v63  }
0x16a: {  	s19 =	simm.s32 $0xE80  }
0x16b: {  	[spmem:s2] =	stream.indirect.scatter.add.f32 [tilespmem:s9], [sflag:$0x2], $0x8, s19, s10, $0xb8;
	[tilespmem:$0x2C00] =	vst v63  }
0x16c: {  	s20 =	simm.s32 $0xF00  }
0x16d: {  	[spmem:s2] =	stream.indirect.scatter.add.f32 [tilespmem:s9], [sflag:$0x3], $0x8, s20, s10, $0xb8;
	[tilespmem:$0x2C00] =	vst v63  }
0x16e: {  	s21 =	simm.s32 $0xF80  }
0x16f: {  	[spmem:s2] =	stream.indirect.scatter.add.f32 [tilespmem:s9], [sflag:$0x4], $0x8, s21, s10, $0xb8;
	[tilespmem:$0x2C00] =	vst v63  }
0x170: {  	_ =	swait.ge [sflag:s11], $0x400  }
0x171: {  	[sflag:s11] =	ssyncset.done $0x0  }
0x172: {  	[sflag:s11] =	ssyncadd.s32 $0xFFFFFC00  }
0x173: {  	_ =	swait.ge [sflag:s8], $0x400  }
0x174: {  	[sflag:s8] =	ssyncset.done $0x0  }
0x175: {  	[sflag:s8] =	ssyncadd.s32 $0xFFFFFC00  }
0x176: {  	_ =	swait.ge [sflag:s7], $0x400  }
0x177: {  	[sflag:s7] =	ssyncset.done $0x0  }
0x178: {  	[sflag:s7] =	ssyncadd.s32 $0xFFFFFC00  }
0x179: {  	_ =	swait.ge [sflag:s6], $0x400  }
0x17a: {  	[sflag:s6] =	ssyncset.done $0x0  }
0x17b: {  	[sflag:s6] =	ssyncadd.s32 $0xFFFFFC00  }
0x17c: {  	[spmem:s2] =	stream.indirect.scatter.add.f32 [tilespmem:s9], [sflag:$0x1], $0x8, s28, s10, $0xb8;
	[tilespmem:$0x2C00] =	vst v63  }
0x17d: {  	s22 =	simm.s32 $0x1080  }
0x17e: {  	[spmem:s2] =	stream.indirect.scatter.add.f32 [tilespmem:s9], [sflag:$0x2], $0x8, s22, s10, $0xb8;
	[tilespmem:$0x2C00] =	vst v63  }
0x17f: {  	s23 =	simm.s32 $0x1100  }
0x180: {  	[spmem:s2] =	stream.indirect.scatter.add.f32 [tilespmem:s9], [sflag:$0x3], $0x8, s23, s10, $0xb8;
	[tilespmem:$0x2C00] =	vst v63  }
0x181: {  	s24 =	simm.s32 $0x1180  }
0x182: {  	[spmem:s2] =	stream.indirect.scatter.add.f32 [tilespmem:s9], [sflag:$0x4], $0x8, s24, s10, $0xb8;
	[tilespmem:$0x2C00] =	vst v63  }
0x183: {  	_ =	swait.ge [sflag:s11], $0x400  }
0x184: {  	[sflag:s11] =	ssyncset.done $0x0  }
0x185: {  	[sflag:s11] =	ssyncadd.s32 $0xFFFFFC00  }
0x186: {  	_ =	swait.ge [sflag:s8], $0x400  }
0x187: {  	[sflag:s8] =	ssyncset.done $0x0  }
0x188: {  	[sflag:s8] =	ssyncadd.s32 $0xFFFFFC00  }
0x189: {  	_ =	swait.ge [sflag:s7], $0x400  }
0x18a: {  	[sflag:s7] =	ssyncset.done $0x0  }
0x18b: {  	[sflag:s7] =	ssyncadd.s32 $0xFFFFFC00  }
0x18c: {  	_ =	swait.ge [sflag:s6], $0x400  }
0x18d: {  	[sflag:s6] =	ssyncset.done $0x0  }
0x18e: {  	s25 =	simm.s32 $0x1200;
	[sflag:s6] =	ssyncadd.s32 $0xFFFFFC00  }
0x18f: {  	[spmem:s2] =	stream.indirect.scatter.add.f32 [tilespmem:s9], [sflag:$0x1], $0x8, s25, s10, $0xb8;
	[tilespmem:$0x2C00] =	vst v63  }
0x190: {  	s26 =	simm.s32 $0x1280  }
0x191: {  	[spmem:s2] =	stream.indirect.scatter.add.f32 [tilespmem:s9], [sflag:$0x2], $0x8, s26, s10, $0xb8;
	[tilespmem:$0x2C00] =	vst v63  }
0x192: {  	s28 =	simm.s32 $0x1300  }
0x193: {  	[spmem:s2] =	stream.indirect.scatter.add.f32 [tilespmem:s9], [sflag:$0x3], $0x8, s28, s10, $0xb8;
	[tilespmem:$0x2C00] =	vst v63  }
0x194: {  	s29 =	simm.s32 $0x1380  }
0x195: {  	[spmem:s2] =	stream.indirect.scatter.add.f32 [tilespmem:s9], [sflag:$0x4], $0x8, s29, s10, $0xb8;
	[tilespmem:$0x2C00] =	vst v63  }
0x196: {  	_ =	swait.ge [sflag:s11], $0x400  }
0x197: {  	[sflag:s11] =	ssyncset.done $0x0  }
0x198: {  	[sflag:s11] =	ssyncadd.s32 $0xFFFFFC00  }
0x199: {  	_ =	swait.ge [sflag:s8], $0x400  }
0x19a: {  	[sflag:s8] =	ssyncset.done $0x0  }
0x19b: {  	[sflag:s8] =	ssyncadd.s32 $0xFFFFFC00  }
0x19c: {  	_ =	swait.ge [sflag:s7], $0x400  }
0x19d: {  	[sflag:s7] =	ssyncset.done $0x0  }
0x19e: {  	[sflag:s7] =	ssyncadd.s32 $0xFFFFFC00  }
0x19f: {  	_ =	swait.ge [sflag:s6], $0x400  }
0x1a0: {  	[sflag:s6] =	ssyncset.done $0x0  }
0x1a1: {  	p1 =	sne.s32 s1, $0x1;
	[sflag:s6] =	ssyncadd.s32 $0xFFFFFC00  }
.Ltmp1:
0x1a2: {  	[bflag:$0x0] =	sbarrier.arrive $0xFFFF;
	(pc) =	sbr.rel @!p1 .LBB2_6-.Ltmp1, $4  }
0x1a3: {  	s31 =	rddreg [dreg:$0x8]  }
0x1a4: {  	[hbm:s31], [sflag:s3] =	dma.local [spmem:s5], $0x280  }
0x1a5: {  	p0 =	por $0x1, $0x1;
	_ =	swait.ge [sflag:s4], $0x280  }
0x1a6: {  	s30 =	sadd.s32 $0xFFFFFFFF, s1;
	s31 =	rddreg [dreg:$0x5];
	[sflag:s4] =	ssyncset.done $0x0  }
0x1a7: {  	s29 =	simm.s32 $0x100;
	s12 =	simm.s32 $0x180  }
0x1a8: {  	s18 =	simm.s32 $0x280;
	s26 =	simm.s32 $0x300;
	s14 =	simm.s32 $0x380  }
0x1a9: {  	s25 =	simm.s32 $0x400;
	s17 =	simm.s32 $0x480;
	s24 =	simm.s32 $0x500  }
0x1aa: {  	s19 =	simm.s32 $0x580;
	s21 =	simm.s32 $0x600;
	s13 =	simm.s32 $0x680  }
0x1ab: {  	s22 =	simm.s32 $0x800;
	s16 =	simm.s32 $0x880;
	s15 =	simm.s32 $0x900  }
.LBB2_3:
0x1ac: {  	[sflag:s4] =	ssyncadd.s32 $0xFFFFFD80  }
0x1ad: {  	[spmem:s5], [sflag:s3] =	dma.local [hbm:s31], $0x280  }
0x1ae: {  	_ =	swait.ge [sflag:s4], $0x280  }
0x1af: {  	[sflag:s4] =	ssyncset.done $0x0  }
0x1b0: {  	s0 =	simm.s32 $0x0;
	s31 =	rddreg [dreg:$0x4];
	[sflag:s4] =	ssyncadd.s32 $0xFFFFFD80  }
0x1b1: {  	[tilespmem:s9], [sflag:$0x5] =	stream.linear.gather [hbm4b:s31+s0], $0x400, $0x38;
	[tilespmem:$0x2C00] =	vst v63  }
0x1b2: {  	_ =	swait.ge [sflag:s4], $0x400  }
0x1b3: {  	[sflag:s4] =	ssyncset.done $0x0  }
0x1b4: {  	[sflag:s4] =	ssyncadd.s32 $0xFFFFFC00  }
0x1b5: {  	[bflag:$0x0] =	sbarrier.arrive $0xFFFF  }
0x1b6: {  	s31 =	rddreg [dreg:$0x6]  }
0x1b7: {  	[tilespmem:s0], [sflag:$0x5] =	stream.linear.gather [hbm4b:s31+s0], $0x1400, $0x38;
	[tilespmem:$0x2C00] =	vst v63  }
0x1b8: {  	_ =	swait.ge [sflag:s4], $0x1400  }
0x1b9: {  	[sflag:s4] =	ssyncset.done $0x0  }
0x1ba: {  	[sflag:s4] =	ssyncadd.s32 $0xFFFFEC00  }
0x1bb: {  	[spmem:s2] =	stream.indirect.scatter.add.f32 [tilespmem:s9], [sflag:$0x1], $0x8, s0, s10, $0xb8;
	[tilespmem:$0x2C00] =	vst v63  }
0x1bc: {  	_ = 	snop  }
0x1bd: {  	[spmem:s2] =	stream.indirect.scatter.add.f32 [tilespmem:s9], [sflag:$0x2], $0x8, s10, s10, $0xb8;
	[tilespmem:$0x2C00] =	vst v63  }
0x1be: {  	_ = 	snop  }
0x1bf: {  	[spmem:s2] =	stream.indirect.scatter.add.f32 [tilespmem:s9], [sflag:$0x3], $0x8, s29, s10, $0xb8;
	[tilespmem:$0x2C00] =	vst v63  }
0x1c0: {  	_ = 	snop  }
0x1c1: {  	[spmem:s2] =	stream.indirect.scatter.add.f32 [tilespmem:s9], [sflag:$0x4], $0x8, s12, s10, $0xb8;
	[tilespmem:$0x2C00] =	vst v63  }
0x1c2: {  	_ =	swait.ge [sflag:s11], $0x400  }
0x1c3: {  	[sflag:s11] =	ssyncset.done $0x0  }
0x1c4: {  	[sflag:s11] =	ssyncadd.s32 $0xFFFFFC00  }
0x1c5: {  	_ =	swait.ge [sflag:s8], $0x400  }
0x1c6: {  	[sflag:s8] =	ssyncset.done $0x0  }
0x1c7: {  	[sflag:s8] =	ssyncadd.s32 $0xFFFFFC00  }
0x1c8: {  	_ =	swait.ge [sflag:s7], $0x400  }
0x1c9: {  	[sflag:s7] =	ssyncset.done $0x0  }
0x1ca: {  	[sflag:s7] =	ssyncadd.s32 $0xFFFFFC00  }
0x1cb: {  	_ =	swait.ge [sflag:s6], $0x400  }
0x1cc: {  	[sflag:s6] =	ssyncset.done $0x0  }
0x1cd: {  	s1 =	simm.s32 $0x200;
	[sflag:s6] =	ssyncadd.s32 $0xFFFFFC00  }
0x1ce: {  	[spmem:s2] =	stream.indirect.scatter.add.f32 [tilespmem:s9], [sflag:$0x1], $0x8, s1, s10, $0xb8;
	[tilespmem:$0x2C00] =	vst v63  }
0x1cf: {  	_ = 	snop  }
0x1d0: {  	[spmem:s2] =	stream.indirect.scatter.add.f32 [tilespmem:s9], [sflag:$0x2], $0x8, s18, s10, $0xb8;
	[tilespmem:$0x2C00] =	vst v63  }
0x1d1: {  	_ = 	snop  }
0x1d2: {  	[spmem:s2] =	stream.indirect.scatter.add.f32 [tilespmem:s9], [sflag:$0x3], $0x8, s26, s10, $0xb8;
	[tilespmem:$0x2C00] =	vst v63  }
0x1d3: {  	_ = 	snop  }
0x1d4: {  	[spmem:s2] =	stream.indirect.scatter.add.f32 [tilespmem:s9], [sflag:$0x4], $0x8, s14, s10, $0xb8;
	[tilespmem:$0x2C00] =	vst v63  }
0x1d5: {  	_ =	swait.ge [sflag:s11], $0x400  }
0x1d6: {  	[sflag:s11] =	ssyncset.done $0x0  }
0x1d7: {  	[sflag:s11] =	ssyncadd.s32 $0xFFFFFC00  }
0x1d8: {  	_ =	swait.ge [sflag:s8], $0x400  }
0x1d9: {  	[sflag:s8] =	ssyncset.done $0x0  }
0x1da: {  	[sflag:s8] =	ssyncadd.s32 $0xFFFFFC00  }
0x1db: {  	_ =	swait.ge [sflag:s7], $0x400  }
0x1dc: {  	[sflag:s7] =	ssyncset.done $0x0  }
0x1dd: {  	[sflag:s7] =	ssyncadd.s32 $0xFFFFFC00  }
0x1de: {  	_ =	swait.ge [sflag:s6], $0x400  }
0x1df: {  	[sflag:s6] =	ssyncset.done $0x0  }
0x1e0: {  	[sflag:s6] =	ssyncadd.s32 $0xFFFFFC00  }
0x1e1: {  	[spmem:s2] =	stream.indirect.scatter.add.f32 [tilespmem:s9], [sflag:$0x1], $0x8, s25, s10, $0xb8;
	[tilespmem:$0x2C00] =	vst v63  }
0x1e2: {  	_ = 	snop  }
0x1e3: {  	[spmem:s2] =	stream.indirect.scatter.add.f32 [tilespmem:s9], [sflag:$0x2], $0x8, s17, s10, $0xb8;
	[tilespmem:$0x2C00] =	vst v63  }
0x1e4: {  	_ = 	snop  }
0x1e5: {  	[spmem:s2] =	stream.indirect.scatter.add.f32 [tilespmem:s9], [sflag:$0x3], $0x8, s24, s10, $0xb8;
	[tilespmem:$0x2C00] =	vst v63  }
0x1e6: {  	_ = 	snop  }
0x1e7: {  	[spmem:s2] =	stream.indirect.scatter.add.f32 [tilespmem:s9], [sflag:$0x4], $0x8, s19, s10, $0xb8;
	[tilespmem:$0x2C00] =	vst v63  }
0x1e8: {  	_ =	swait.ge [sflag:s11], $0x400  }
0x1e9: {  	[sflag:s11] =	ssyncset.done $0x0  }
0x1ea: {  	[sflag:s11] =	ssyncadd.s32 $0xFFFFFC00  }
0x1eb: {  	_ =	swait.ge [sflag:s8], $0x400  }
0x1ec: {  	[sflag:s8] =	ssyncset.done $0x0  }
0x1ed: {  	[sflag:s8] =	ssyncadd.s32 $0xFFFFFC00  }
0x1ee: {  	_ =	swait.ge [sflag:s7], $0x400  }
0x1ef: {  	[sflag:s7] =	ssyncset.done $0x0  }
0x1f0: {  	[sflag:s7] =	ssyncadd.s32 $0xFFFFFC00  }
0x1f1: {  	_ =	swait.ge [sflag:s6], $0x400  }
0x1f2: {  	[sflag:s6] =	ssyncset.done $0x0  }
0x1f3: {  	[sflag:s6] =	ssyncadd.s32 $0xFFFFFC00  }
0x1f4: {  	[spmem:s2] =	stream.indirect.scatter.add.f32 [tilespmem:s9], [sflag:$0x1], $0x8, s21, s10, $0xb8;
	[tilespmem:$0x2C00] =	vst v63  }
0x1f5: {  	_ = 	snop  }
0x1f6: {  	[spmem:s2] =	stream.indirect.scatter.add.f32 [tilespmem:s9], [sflag:$0x2], $0x8, s13, s10, $0xb8;
	[tilespmem:$0x2C00] =	vst v63  }
0x1f7: {  	s3 =	simm.s32 $0x700  }
0x1f8: {  	[spmem:s2] =	stream.indirect.scatter.add.f32 [tilespmem:s9], [sflag:$0x3], $0x8, s3, s10, $0xb8;
	[tilespmem:$0x2C00] =	vst v63  }
0x1f9: {  	s5 =	simm.s32 $0x780  }
0x1fa: {  	[spmem:s2] =	stream.indirect.scatter.add.f32 [tilespmem:s9], [sflag:$0x4], $0x8, s5, s10, $0xb8;
	[tilespmem:$0x2C00] =	vst v63  }
0x1fb: {  	_ =	swait.ge [sflag:s11], $0x400  }
0x1fc: {  	[sflag:s11] =	ssyncset.done $0x0  }
0x1fd: {  	[sflag:s11] =	ssyncadd.s32 $0xFFFFFC00  }
0x1fe: {  	_ =	swait.ge [sflag:s8], $0x400  }
0x1ff: {  	[sflag:s8] =	ssyncset.done $0x0  }
0x200: {  	[sflag:s8] =	ssyncadd.s32 $0xFFFFFC00  }
0x201: {  	_ =	swait.ge [sflag:s7], $0x400  }
0x202: {  	[sflag:s7] =	ssyncset.done $0x0  }
0x203: {  	[sflag:s7] =	ssyncadd.s32 $0xFFFFFC00  }
0x204: {  	_ =	swait.ge [sflag:s6], $0x400  }
0x205: {  	[sflag:s6] =	ssyncset.done $0x0  }
0x206: {  	[sflag:s6] =	ssyncadd.s32 $0xFFFFFC00  }
0x207: {  	[spmem:s2] =	stream.indirect.scatter.add.f32 [tilespmem:s9], [sflag:$0x1], $0x8, s22, s10, $0xb8;
	[tilespmem:$0x2C00] =	vst v63  }
0x208: {  	_ = 	snop  }
0x209: {  	[spmem:s2] =	stream.indirect.scatter.add.f32 [tilespmem:s9], [sflag:$0x2], $0x8, s16, s10, $0xb8;
	[tilespmem:$0x2C00] =	vst v63  }
0x20a: {  	_ = 	snop  }
0x20b: {  	[spmem:s2] =	stream.indirect.scatter.add.f32 [tilespmem:s9], [sflag:$0x3], $0x8, s15, s10, $0xb8;
	[tilespmem:$0x2C00] =	vst v63  }
0x20c: {  	s23 =	simm.s32 $0x980  }
0x20d: {  	[spmem:s2] =	stream.indirect.scatter.add.f32 [tilespmem:s9], [sflag:$0x4], $0x8, s23, s10, $0xb8;
	[tilespmem:$0x2C00] =	vst v63  }
0x20e: {  	_ =	swait.ge [sflag:s11], $0x400  }
0x20f: {  	[sflag:s11] =	ssyncset.done $0x0  }
0x210: {  	[sflag:s11] =	ssyncadd.s32 $0xFFFFFC00  }
0x211: {  	_ =	swait.ge [sflag:s8], $0x400  }
0x212: {  	[sflag:s8] =	ssyncset.done $0x0  }
0x213: {  	[sflag:s8] =	ssyncadd.s32 $0xFFFFFC00  }
0x214: {  	_ =	swait.ge [sflag:s7], $0x400  }
0x215: {  	[sflag:s7] =	ssyncset.done $0x0  }
0x216: {  	[sflag:s7] =	ssyncadd.s32 $0xFFFFFC00  }
0x217: {  	_ =	swait.ge [sflag:s6], $0x400  }
0x218: {  	[sflag:s6] =	ssyncset.done $0x0  }
0x219: {  	s1 =	simm.s32 $0xA00;
	[sflag:s6] =	ssyncadd.s32 $0xFFFFFC00  }
0x21a: {  	[spmem:s2] =	stream.indirect.scatter.add.f32 [tilespmem:s9], [sflag:$0x1], $0x8, s1, s10, $0xb8;
	[tilespmem:$0x2C00] =	vst v63  }
0x21b: {  	s20 =	simm.s32 $0xA80  }
0x21c: {  	[spmem:s2] =	stream.indirect.scatter.add.f32 [tilespmem:s9], [sflag:$0x2], $0x8, s20, s10, $0xb8;
	[tilespmem:$0x2C00] =	vst v63  }
0x21d: {  	s28 =	simm.s32 $0xB00  }
0x21e: {  	[spmem:s2] =	stream.indirect.scatter.add.f32 [tilespmem:s9], [sflag:$0x3], $0x8, s28, s10, $0xb8;
	[tilespmem:$0x2C00] =	vst v63  }
0x21f: {  	s23 =	simm.s32 $0xB80  }
0x220: {  	[spmem:s2] =	stream.indirect.scatter.add.f32 [tilespmem:s9], [sflag:$0x4], $0x8, s23, s10, $0xb8;
	[tilespmem:$0x2C00] =	vst v63  }
0x221: {  	_ =	swait.ge [sflag:s11], $0x400  }
0x222: {  	[sflag:s11] =	ssyncset.done $0x0  }
0x223: {  	[sflag:s11] =	ssyncadd.s32 $0xFFFFFC00  }
0x224: {  	_ =	swait.ge [sflag:s8], $0x400  }
0x225: {  	[sflag:s8] =	ssyncset.done $0x0  }
0x226: {  	[sflag:s8] =	ssyncadd.s32 $0xFFFFFC00  }
0x227: {  	_ =	swait.ge [sflag:s7], $0x400  }
0x228: {  	[sflag:s7] =	ssyncset.done $0x0  }
0x229: {  	[sflag:s7] =	ssyncadd.s32 $0xFFFFFC00  }
0x22a: {  	_ =	swait.ge [sflag:s6], $0x400  }
0x22b: {  	[sflag:s6] =	ssyncset.done $0x0  }
0x22c: {  	s20 =	simm.s32 $0xC00;
	[sflag:s6] =	ssyncadd.s32 $0xFFFFFC00  }
0x22d: {  	[spmem:s2] =	stream.indirect.scatter.add.f32 [tilespmem:s9], [sflag:$0x1], $0x8, s20, s10, $0xb8;
	[tilespmem:$0x2C00] =	vst v63  }
0x22e: {  	s23 =	simm.s32 $0xC80  }
0x22f: {  	[spmem:s2] =	stream.indirect.scatter.add.f32 [tilespmem:s9], [sflag:$0x2], $0x8, s23, s10, $0xb8;
	[tilespmem:$0x2C00] =	vst v63  }
0x230: {  	s28 =	simm.s32 $0xD00  }
0x231: {  	[spmem:s2] =	stream.indirect.scatter.add.f32 [tilespmem:s9], [sflag:$0x3], $0x8, s28, s10, $0xb8;
	[tilespmem:$0x2C00] =	vst v63  }
0x232: {  	s28 =	simm.s32 $0xD80  }
0x233: {  	[spmem:s2] =	stream.indirect.scatter.add.f32 [tilespmem:s9], [sflag:$0x4], $0x8, s28, s10, $0xb8;
	[tilespmem:$0x2C00] =	vst v63  }
0x234: {  	_ =	swait.ge [sflag:s11], $0x400  }
0x235: {  	[sflag:s11] =	ssyncset.done $0x0  }
0x236: {  	[sflag:s11] =	ssyncadd.s32 $0xFFFFFC00  }
0x237: {  	_ =	swait.ge [sflag:s8], $0x400  }
0x238: {  	[sflag:s8] =	ssyncset.done $0x0  }
0x239: {  	[sflag:s8] =	ssyncadd.s32 $0xFFFFFC00  }
0x23a: {  	_ =	swait.ge [sflag:s7], $0x400  }
0x23b: {  	[sflag:s7] =	ssyncset.done $0x0  }
0x23c: {  	[sflag:s7] =	ssyncadd.s32 $0xFFFFFC00  }
0x23d: {  	_ =	swait.ge [sflag:s6], $0x400  }
0x23e: {  	[sflag:s6] =	ssyncset.done $0x0  }
0x23f: {  	s23 =	simm.s32 $0xE00;
	[sflag:s6] =	ssyncadd.s32 $0xFFFFFC00  }
0x240: {  	[spmem:s2] =	stream.indirect.scatter.add.f32 [tilespmem:s9], [sflag:$0x1], $0x8, s23, s10, $0xb8;
	[tilespmem:$0x2C00] =	vst v63  }
0x241: {  	s28 =	simm.s32 $0xE80  }
0x242: {  	[spmem:s2] =	stream.indirect.scatter.add.f32 [tilespmem:s9], [sflag:$0x2], $0x8, s28, s10, $0xb8;
	[tilespmem:$0x2C00] =	vst v63  }
0x243: {  	s28 =	simm.s32 $0xF00  }
0x244: {  	[spmem:s2] =	stream.indirect.scatter.add.f32 [tilespmem:s9], [sflag:$0x3], $0x8, s28, s10, $0xb8;
	[tilespmem:$0x2C00] =	vst v63  }
0x245: {  	s28 =	simm.s32 $0xF80  }
0x246: {  	[spmem:s2] =	stream.indirect.scatter.add.f32 [tilespmem:s9], [sflag:$0x4], $0x8, s28, s10, $0xb8;
	[tilespmem:$0x2C00] =	vst v63  }
0x247: {  	_ =	swait.ge [sflag:s11], $0x400  }
0x248: {  	[sflag:s11] =	ssyncset.done $0x0  }
0x249: {  	[sflag:s11] =	ssyncadd.s32 $0xFFFFFC00  }
0x24a: {  	_ =	swait.ge [sflag:s8], $0x400  }
0x24b: {  	[sflag:s8] =	ssyncset.done $0x0  }
0x24c: {  	[sflag:s8] =	ssyncadd.s32 $0xFFFFFC00  }
0x24d: {  	_ =	swait.ge [sflag:s7], $0x400  }
0x24e: {  	[sflag:s7] =	ssyncset.done $0x0  }
0x24f: {  	[sflag:s7] =	ssyncadd.s32 $0xFFFFFC00  }
0x250: {  	_ =	swait.ge [sflag:s6], $0x400  }
0x251: {  	[sflag:s6] =	ssyncset.done $0x0  }
0x252: {  	s28 =	simm.s32 $0x1000;
	[sflag:s6] =	ssyncadd.s32 $0xFFFFFC00  }
0x253: {  	[spmem:s2] =	stream.indirect.scatter.add.f32 [tilespmem:s9], [sflag:$0x1], $0x8, s28, s10, $0xb8;
	[tilespmem:$0x2C00] =	vst v63  }
0x254: {  	s31 =	simm.s32 $0x1080  }
0x255: {  	[spmem:s2] =	stream.indirect.scatter.add.f32 [tilespmem:s9], [sflag:$0x2], $0x8, s31, s10, $0xb8;
	[tilespmem:$0x2C00] =	vst v63  }
0x256: {  	s31 =	simm.s32 $0x1100  }
0x257: {  	[spmem:s2] =	stream.indirect.scatter.add.f32 [tilespmem:s9], [sflag:$0x3], $0x8, s31, s10, $0xb8;
	[tilespmem:$0x2C00] =	vst v63  }
0x258: {  	s31 =	simm.s32 $0x1180  }
0x259: {  	[spmem:s2] =	stream.indirect.scatter.add.f32 [tilespmem:s9], [sflag:$0x4], $0x8, s31, s10, $0xb8;
	[tilespmem:$0x2C00] =	vst v63  }
0x25a: {  	_ =	swait.ge [sflag:s11], $0x400  }
0x25b: {  	[sflag:s11] =	ssyncset.done $0x0  }
0x25c: {  	[sflag:s11] =	ssyncadd.s32 $0xFFFFFC00  }
0x25d: {  	_ =	swait.ge [sflag:s8], $0x400  }
0x25e: {  	[sflag:s8] =	ssyncset.done $0x0  }
0x25f: {  	[sflag:s8] =	ssyncadd.s32 $0xFFFFFC00  }
0x260: {  	_ =	swait.ge [sflag:s7], $0x400  }
0x261: {  	[sflag:s7] =	ssyncset.done $0x0  }
0x262: {  	[sflag:s7] =	ssyncadd.s32 $0xFFFFFC00  }
0x263: {  	_ =	swait.ge [sflag:s6], $0x400  }
0x264: {  	[sflag:s6] =	ssyncset.done $0x0  }
0x265: {  	s31 =	simm.s32 $0x1200;
	[sflag:s6] =	ssyncadd.s32 $0xFFFFFC00  }
0x266: {  	[spmem:s2] =	stream.indirect.scatter.add.f32 [tilespmem:s9], [sflag:$0x1], $0x8, s31, s10, $0xb8;
	[tilespmem:$0x2C00] =	vst v63  }
0x267: {  	s31 =	simm.s32 $0x1280  }
0x268: {  	[spmem:s2] =	stream.indirect.scatter.add.f32 [tilespmem:s9], [sflag:$0x2], $0x8, s31, s10, $0xb8;
	[tilespmem:$0x2C00] =	vst v63  }
0x269: {  	s31 =	simm.s32 $0x1300  }
0x26a: {  	[spmem:s2] =	stream.indirect.scatter.add.f32 [tilespmem:s9], [sflag:$0x3], $0x8, s31, s10, $0xb8;
	[tilespmem:$0x2C00] =	vst v63  }
0x26b: {  	s31 =	simm.s32 $0x1380  }
0x26c: {  	[spmem:s2] =	stream.indirect.scatter.add.f32 [tilespmem:s9], [sflag:$0x4], $0x8, s31, s10, $0xb8;
	[tilespmem:$0x2C00] =	vst v63  }
0x26d: {  	_ =	swait.ge [sflag:s11], $0x400  }
0x26e: {  	[sflag:s11] =	ssyncset.done $0x0  }
0x26f: {  	[sflag:s11] =	ssyncadd.s32 $0xFFFFFC00  }
0x270: {  	_ =	swait.ge [sflag:s8], $0x400  }
0x271: {  	[sflag:s8] =	ssyncset.done $0x0  }
0x272: {  	[sflag:s8] =	ssyncadd.s32 $0xFFFFFC00  }
0x273: {  	_ =	swait.ge [sflag:s7], $0x400  }
0x274: {  	[sflag:s7] =	ssyncset.done $0x0  }
0x275: {  	[sflag:s7] =	ssyncadd.s32 $0xFFFFFC00  }
0x276: {  	_ =	swait.ge [sflag:s6], $0x400  }
0x277: {  	[sflag:s6] =	ssyncset.done $0x0  }
0x278: {  	s31 =	rddreg [dreg:$0x7];
	[sflag:s6] =	ssyncadd.s32 $0xFFFFFC00  }
0x279: {  	[tilespmem:s0], [sflag:$0x5] =	stream.linear.gather [hbm4b:s31+s0], $0x1400, $0x38;
	[tilespmem:$0x2C00] =	vst v63  }
0x27a: {  	_ =	swait.ge [sflag:s4], $0x1400  }
0x27b: {  	[sflag:s4] =	ssyncset.done $0x0  }
0x27c: {  	[sflag:s4] =	ssyncadd.s32 $0xFFFFEC00  }
0x27d: {  	[spmem:s2] =	stream.indirect.scatter.add.f32 [tilespmem:s9], [sflag:$0x1], $0x8, s0, s10, $0xb8;
	[tilespmem:$0x2C00] =	vst v63  }
0x27e: {  	_ = 	snop  }
0x27f: {  	[spmem:s2] =	stream.indirect.scatter.add.f32 [tilespmem:s9], [sflag:$0x2], $0x8, s10, s10, $0xb8;
	[tilespmem:$0x2C00] =	vst v63  }
0x280: {  	_ = 	snop  }
0x281: {  	[spmem:s2] =	stream.indirect.scatter.add.f32 [tilespmem:s9], [sflag:$0x3], $0x8, s29, s10, $0xb8;
	[tilespmem:$0x2C00] =	vst v63  }
0x282: {  	_ = 	snop  }
0x283: {  	[spmem:s2] =	stream.indirect.scatter.add.f32 [tilespmem:s9], [sflag:$0x4], $0x8, s12, s10, $0xb8;
	[tilespmem:$0x2C00] =	vst v63  }
0x284: {  	_ =	swait.ge [sflag:s11], $0x400  }
0x285: {  	[sflag:s11] =	ssyncset.done $0x0  }
0x286: {  	[sflag:s11] =	ssyncadd.s32 $0xFFFFFC00  }
0x287: {  	_ =	swait.ge [sflag:s8], $0x400  }
0x288: {  	[sflag:s8] =	ssyncset.done $0x0  }
0x289: {  	[sflag:s8] =	ssyncadd.s32 $0xFFFFFC00  }
0x28a: {  	_ =	swait.ge [sflag:s7], $0x400  }
0x28b: {  	[sflag:s7] =	ssyncset.done $0x0  }
0x28c: {  	[sflag:s7] =	ssyncadd.s32 $0xFFFFFC00  }
0x28d: {  	_ =	swait.ge [sflag:s6], $0x400  }
0x28e: {  	[sflag:s6] =	ssyncset.done $0x0  }
0x28f: {  	s0 =	simm.s32 $0x200;
	[sflag:s6] =	ssyncadd.s32 $0xFFFFFC00  }
0x290: {  	[spmem:s2] =	stream.indirect.scatter.add.f32 [tilespmem:s9], [sflag:$0x1], $0x8, s0, s10, $0xb8;
	[tilespmem:$0x2C00] =	vst v63  }
0x291: {  	_ = 	snop  }
0x292: {  	[spmem:s2] =	stream.indirect.scatter.add.f32 [tilespmem:s9], [sflag:$0x2], $0x8, s18, s10, $0xb8;
	[tilespmem:$0x2C00] =	vst v63  }
0x293: {  	_ = 	snop  }
0x294: {  	[spmem:s2] =	stream.indirect.scatter.add.f32 [tilespmem:s9], [sflag:$0x3], $0x8, s26, s10, $0xb8;
	[tilespmem:$0x2C00] =	vst v63  }
0x295: {  	_ = 	snop  }
0x296: {  	[spmem:s2] =	stream.indirect.scatter.add.f32 [tilespmem:s9], [sflag:$0x4], $0x8, s14, s10, $0xb8;
	[tilespmem:$0x2C00] =	vst v63  }
0x297: {  	_ =	swait.ge [sflag:s11], $0x400  }
0x298: {  	[sflag:s11] =	ssyncset.done $0x0  }
0x299: {  	[sflag:s11] =	ssyncadd.s32 $0xFFFFFC00  }
0x29a: {  	_ =	swait.ge [sflag:s8], $0x400  }
0x29b: {  	[sflag:s8] =	ssyncset.done $0x0  }
0x29c: {  	[sflag:s8] =	ssyncadd.s32 $0xFFFFFC00  }
0x29d: {  	_ =	swait.ge [sflag:s7], $0x400  }
0x29e: {  	[sflag:s7] =	ssyncset.done $0x0  }
0x29f: {  	[sflag:s7] =	ssyncadd.s32 $0xFFFFFC00  }
0x2a0: {  	_ =	swait.ge [sflag:s6], $0x400  }
0x2a1: {  	[sflag:s6] =	ssyncset.done $0x0  }
0x2a2: {  	[sflag:s6] =	ssyncadd.s32 $0xFFFFFC00  }
0x2a3: {  	[spmem:s2] =	stream.indirect.scatter.add.f32 [tilespmem:s9], [sflag:$0x1], $0x8, s25, s10, $0xb8;
	[tilespmem:$0x2C00] =	vst v63  }
0x2a4: {  	_ = 	snop  }
0x2a5: {  	[spmem:s2] =	stream.indirect.scatter.add.f32 [tilespmem:s9], [sflag:$0x2], $0x8, s17, s10, $0xb8;
	[tilespmem:$0x2C00] =	vst v63  }
0x2a6: {  	_ = 	snop  }
0x2a7: {  	[spmem:s2] =	stream.indirect.scatter.add.f32 [tilespmem:s9], [sflag:$0x3], $0x8, s24, s10, $0xb8;
	[tilespmem:$0x2C00] =	vst v63  }
0x2a8: {  	_ = 	snop  }
0x2a9: {  	[spmem:s2] =	stream.indirect.scatter.add.f32 [tilespmem:s9], [sflag:$0x4], $0x8, s19, s10, $0xb8;
	[tilespmem:$0x2C00] =	vst v63  }
0x2aa: {  	_ =	swait.ge [sflag:s11], $0x400  }
0x2ab: {  	[sflag:s11] =	ssyncset.done $0x0  }
0x2ac: {  	[sflag:s11] =	ssyncadd.s32 $0xFFFFFC00  }
0x2ad: {  	_ =	swait.ge [sflag:s8], $0x400  }
0x2ae: {  	[sflag:s8] =	ssyncset.done $0x0  }
0x2af: {  	[sflag:s8] =	ssyncadd.s32 $0xFFFFFC00  }
0x2b0: {  	_ =	swait.ge [sflag:s7], $0x400  }
0x2b1: {  	[sflag:s7] =	ssyncset.done $0x0  }
0x2b2: {  	[sflag:s7] =	ssyncadd.s32 $0xFFFFFC00  }
0x2b3: {  	_ =	swait.ge [sflag:s6], $0x400  }
0x2b4: {  	[sflag:s6] =	ssyncset.done $0x0  }
0x2b5: {  	[sflag:s6] =	ssyncadd.s32 $0xFFFFFC00  }
0x2b6: {  	[spmem:s2] =	stream.indirect.scatter.add.f32 [tilespmem:s9], [sflag:$0x1], $0x8, s21, s10, $0xb8;
	[tilespmem:$0x2C00] =	vst v63  }
0x2b7: {  	_ = 	snop  }
0x2b8: {  	[spmem:s2] =	stream.indirect.scatter.add.f32 [tilespmem:s9], [sflag:$0x2], $0x8, s13, s10, $0xb8;
	[tilespmem:$0x2C00] =	vst v63  }
0x2b9: {  	_ = 	snop  }
0x2ba: {  	[spmem:s2] =	stream.indirect.scatter.add.f32 [tilespmem:s9], [sflag:$0x3], $0x8, s3, s10, $0xb8;
	[tilespmem:$0x2C00] =	vst v63  }
0x2bb: {  	s3 =	rddreg [dreg:$0x9]  }
0x2bc: {  	[spmem:s2] =	stream.indirect.scatter.add.f32 [tilespmem:s9], [sflag:$0x4], $0x8, s5, s10, $0xb8;
	[tilespmem:$0x2C00] =	vst v63  }
0x2bd: {  	s5 =	rddreg [dreg:$0xa];
	_ =	swait.ge [sflag:s11], $0x400  }
0x2be: {  	[sflag:s11] =	ssyncset.done $0x0  }
0x2bf: {  	[sflag:s11] =	ssyncadd.s32 $0xFFFFFC00  }
0x2c0: {  	_ =	swait.ge [sflag:s8], $0x400  }
0x2c1: {  	[sflag:s8] =	ssyncset.done $0x0  }
0x2c2: {  	[sflag:s8] =	ssyncadd.s32 $0xFFFFFC00  }
0x2c3: {  	_ =	swait.ge [sflag:s7], $0x400  }
0x2c4: {  	[sflag:s7] =	ssyncset.done $0x0  }
0x2c5: {  	[sflag:s7] =	ssyncadd.s32 $0xFFFFFC00  }
0x2c6: {  	_ =	swait.ge [sflag:s6], $0x400  }
0x2c7: {  	[sflag:s6] =	ssyncset.done $0x0  }
0x2c8: {  	[sflag:s6] =	ssyncadd.s32 $0xFFFFFC00  }
0x2c9: {  	[spmem:s2] =	stream.indirect.scatter.add.f32 [tilespmem:s9], [sflag:$0x1], $0x8, s22, s10, $0xb8;
	[tilespmem:$0x2C00] =	vst v63  }
0x2ca: {  	_ = 	snop  }
0x2cb: {  	[spmem:s2] =	stream.indirect.scatter.add.f32 [tilespmem:s9], [sflag:$0x2], $0x8, s16, s10, $0xb8;
	[tilespmem:$0x2C00] =	vst v63  }
0x2cc: {  	_ = 	snop  }
0x2cd: {  	[spmem:s2] =	stream.indirect.scatter.add.f32 [tilespmem:s9], [sflag:$0x3], $0x8, s15, s10, $0xb8;
	[tilespmem:$0x2C00] =	vst v63  }
0x2ce: {  	s0 =	simm.s32 $0x980  }
0x2cf: {  	[spmem:s2] =	stream.indirect.scatter.add.f32 [tilespmem:s9], [sflag:$0x4], $0x8, s0, s10, $0xb8;
	[tilespmem:$0x2C00] =	vst v63  }
0x2d0: {  	_ =	swait.ge [sflag:s11], $0x400  }
0x2d1: {  	[sflag:s11] =	ssyncset.done $0x0  }
0x2d2: {  	[sflag:s11] =	ssyncadd.s32 $0xFFFFFC00  }
0x2d3: {  	_ =	swait.ge [sflag:s8], $0x400  }
0x2d4: {  	[sflag:s8] =	ssyncset.done $0x0  }
0x2d5: {  	[sflag:s8] =	ssyncadd.s32 $0xFFFFFC00  }
0x2d6: {  	_ =	swait.ge [sflag:s7], $0x400  }
0x2d7: {  	[sflag:s7] =	ssyncset.done $0x0  }
0x2d8: {  	[sflag:s7] =	ssyncadd.s32 $0xFFFFFC00  }
0x2d9: {  	_ =	swait.ge [sflag:s6], $0x400  }
0x2da: {  	[sflag:s6] =	ssyncset.done $0x0  }
0x2db: {  	[sflag:s6] =	ssyncadd.s32 $0xFFFFFC00  }
0x2dc: {  	[spmem:s2] =	stream.indirect.scatter.add.f32 [tilespmem:s9], [sflag:$0x1], $0x8, s1, s10, $0xb8;
	[tilespmem:$0x2C00] =	vst v63  }
0x2dd: {  	s1 =	simm.s32 $0xA80  }
0x2de: {  	[spmem:s2] =	stream.indirect.scatter.add.f32 [tilespmem:s9], [sflag:$0x2], $0x8, s1, s10, $0xb8;
	[tilespmem:$0x2C00] =	vst v63  }
0x2df: {  	s1 =	simm.s32 $0xB00  }
0x2e0: {  	[spmem:s2] =	stream.indirect.scatter.add.f32 [tilespmem:s9], [sflag:$0x3], $0x8, s1, s10, $0xb8;
	[tilespmem:$0x2C00] =	vst v63  }
0x2e1: {  	s1 =	simm.s32 $0xB80  }
0x2e2: {  	[spmem:s2] =	stream.indirect.scatter.add.f32 [tilespmem:s9], [sflag:$0x4], $0x8, s1, s10, $0xb8;
	[tilespmem:$0x2C00] =	vst v63  }
0x2e3: {  	_ =	swait.ge [sflag:s11], $0x400  }
0x2e4: {  	[sflag:s11] =	ssyncset.done $0x0  }
0x2e5: {  	[sflag:s11] =	ssyncadd.s32 $0xFFFFFC00  }
0x2e6: {  	_ =	swait.ge [sflag:s8], $0x400  }
0x2e7: {  	[sflag:s8] =	ssyncset.done $0x0  }
0x2e8: {  	[sflag:s8] =	ssyncadd.s32 $0xFFFFFC00  }
0x2e9: {  	_ =	swait.ge [sflag:s7], $0x400  }
0x2ea: {  	[sflag:s7] =	ssyncset.done $0x0  }
0x2eb: {  	[sflag:s7] =	ssyncadd.s32 $0xFFFFFC00  }
0x2ec: {  	_ =	swait.ge [sflag:s6], $0x400  }
0x2ed: {  	[sflag:s6] =	ssyncset.done $0x0  }
0x2ee: {  	[sflag:s6] =	ssyncadd.s32 $0xFFFFFC00  }
0x2ef: {  	[spmem:s2] =	stream.indirect.scatter.add.f32 [tilespmem:s9], [sflag:$0x1], $0x8, s20, s10, $0xb8;
	[tilespmem:$0x2C00] =	vst v63  }
0x2f0: {  	s1 =	simm.s32 $0xC80  }
0x2f1: {  	[spmem:s2] =	stream.indirect.scatter.add.f32 [tilespmem:s9], [sflag:$0x2], $0x8, s1, s10, $0xb8;
	[tilespmem:$0x2C00] =	vst v63  }
0x2f2: {  	s20 =	simm.s32 $0xD00  }
0x2f3: {  	[spmem:s2] =	stream.indirect.scatter.add.f32 [tilespmem:s9], [sflag:$0x3], $0x8, s20, s10, $0xb8;
	[tilespmem:$0x2C00] =	vst v63  }
0x2f4: {  	s1 =	simm.s32 $0xD80  }
0x2f5: {  	[spmem:s2] =	stream.indirect.scatter.add.f32 [tilespmem:s9], [sflag:$0x4], $0x8, s1, s10, $0xb8;
	[tilespmem:$0x2C00] =	vst v63  }
0x2f6: {  	_ =	swait.ge [sflag:s11], $0x400  }
0x2f7: {  	[sflag:s11] =	ssyncset.done $0x0  }
0x2f8: {  	[sflag:s11] =	ssyncadd.s32 $0xFFFFFC00  }
0x2f9: {  	_ =	swait.ge [sflag:s8], $0x400  }
0x2fa: {  	[sflag:s8] =	ssyncset.done $0x0  }
0x2fb: {  	[sflag:s8] =	ssyncadd.s32 $0xFFFFFC00  }
0x2fc: {  	_ =	swait.ge [sflag:s7], $0x400  }
0x2fd: {  	[sflag:s7] =	ssyncset.done $0x0  }
0x2fe: {  	[sflag:s7] =	ssyncadd.s32 $0xFFFFFC00  }
0x2ff: {  	_ =	swait.ge [sflag:s6], $0x400  }
0x300: {  	[sflag:s6] =	ssyncset.done $0x0  }
0x301: {  	[sflag:s6] =	ssyncadd.s32 $0xFFFFFC00  }
0x302: {  	[spmem:s2] =	stream.indirect.scatter.add.f32 [tilespmem:s9], [sflag:$0x1], $0x8, s23, s10, $0xb8;
	[tilespmem:$0x2C00] =	vst v63  }
0x303: {  	s20 =	simm.s32 $0xE80  }
0x304: {  	[spmem:s2] =	stream.indirect.scatter.add.f32 [tilespmem:s9], [sflag:$0x2], $0x8, s20, s10, $0xb8;
	[tilespmem:$0x2C00] =	vst v63  }
0x305: {  	s23 =	simm.s32 $0xF00  }
0x306: {  	[spmem:s2] =	stream.indirect.scatter.add.f32 [tilespmem:s9], [sflag:$0x3], $0x8, s23, s10, $0xb8;
	[tilespmem:$0x2C00] =	vst v63  }
0x307: {  	s1 =	simm.s32 $0xF80  }
0x308: {  	[spmem:s2] =	stream.indirect.scatter.add.f32 [tilespmem:s9], [sflag:$0x4], $0x8, s1, s10, $0xb8;
	[tilespmem:$0x2C00] =	vst v63  }
0x309: {  	_ =	swait.ge [sflag:s11], $0x400  }
0x30a: {  	[sflag:s11] =	ssyncset.done $0x0  }
0x30b: {  	[sflag:s11] =	ssyncadd.s32 $0xFFFFFC00  }
0x30c: {  	_ =	swait.ge [sflag:s8], $0x400  }
0x30d: {  	[sflag:s8] =	ssyncset.done $0x0  }
0x30e: {  	[sflag:s8] =	ssyncadd.s32 $0xFFFFFC00  }
0x30f: {  	_ =	swait.ge [sflag:s7], $0x400  }
0x310: {  	[sflag:s7] =	ssyncset.done $0x0  }
0x311: {  	[sflag:s7] =	ssyncadd.s32 $0xFFFFFC00  }
0x312: {  	_ =	swait.ge [sflag:s6], $0x400  }
0x313: {  	[sflag:s6] =	ssyncset.done $0x0  }
0x314: {  	[sflag:s6] =	ssyncadd.s32 $0xFFFFFC00  }
0x315: {  	[spmem:s2] =	stream.indirect.scatter.add.f32 [tilespmem:s9], [sflag:$0x1], $0x8, s28, s10, $0xb8;
	[tilespmem:$0x2C00] =	vst v63  }
0x316: {  	s20 =	simm.s32 $0x1080  }
0x317: {  	[spmem:s2] =	stream.indirect.scatter.add.f32 [tilespmem:s9], [sflag:$0x2], $0x8, s20, s10, $0xb8;
	[tilespmem:$0x2C00] =	vst v63  }
0x318: {  	s23 =	simm.s32 $0x1100  }
0x319: {  	[spmem:s2] =	stream.indirect.scatter.add.f32 [tilespmem:s9], [sflag:$0x3], $0x8, s23, s10, $0xb8;
	[tilespmem:$0x2C00] =	vst v63  }
0x31a: {  	s28 =	simm.s32 $0x1180  }
0x31b: {  	[spmem:s2] =	stream.indirect.scatter.add.f32 [tilespmem:s9], [sflag:$0x4], $0x8, s28, s10, $0xb8;
	[tilespmem:$0x2C00] =	vst v63  }
0x31c: {  	_ =	swait.ge [sflag:s11], $0x400  }
0x31d: {  	[sflag:s11] =	ssyncset.done $0x0  }
0x31e: {  	[sflag:s11] =	ssyncadd.s32 $0xFFFFFC00  }
0x31f: {  	_ =	swait.ge [sflag:s8], $0x400  }
0x320: {  	[sflag:s8] =	ssyncset.done $0x0  }
0x321: {  	[sflag:s8] =	ssyncadd.s32 $0xFFFFFC00  }
0x322: {  	_ =	swait.ge [sflag:s7], $0x400  }
0x323: {  	[sflag:s7] =	ssyncset.done $0x0  }
0x324: {  	[sflag:s7] =	ssyncadd.s32 $0xFFFFFC00  }
0x325: {  	_ =	swait.ge [sflag:s6], $0x400  }
0x326: {  	[sflag:s6] =	ssyncset.done $0x0  }
0x327: {  	s1 =	simm.s32 $0x1200;
	[sflag:s6] =	ssyncadd.s32 $0xFFFFFC00  }
0x328: {  	[spmem:s2] =	stream.indirect.scatter.add.f32 [tilespmem:s9], [sflag:$0x1], $0x8, s1, s10, $0xb8;
	[tilespmem:$0x2C00] =	vst v63  }
0x329: {  	s20 =	simm.s32 $0x1280  }
0x32a: {  	[spmem:s2] =	stream.indirect.scatter.add.f32 [tilespmem:s9], [sflag:$0x2], $0x8, s20, s10, $0xb8;
	[tilespmem:$0x2C00] =	vst v63  }
0x32b: {  	s23 =	simm.s32 $0x1300  }
0x32c: {  	[spmem:s2] =	stream.indirect.scatter.add.f32 [tilespmem:s9], [sflag:$0x3], $0x8, s23, s10, $0xb8;
	[tilespmem:$0x2C00] =	vst v63  }
0x32d: {  	s28 =	simm.s32 $0x1380  }
0x32e: {  	[spmem:s2] =	stream.indirect.scatter.add.f32 [tilespmem:s9], [sflag:$0x4], $0x8, s28, s10, $0xb8;
	[tilespmem:$0x2C00] =	vst v63  }
0x32f: {  	_ =	swait.ge [sflag:s11], $0x400  }
0x330: {  	[sflag:s11] =	ssyncset.done $0x0  }
0x331: {  	[sflag:s11] =	ssyncadd.s32 $0xFFFFFC00  }
0x332: {  	_ =	swait.ge [sflag:s8], $0x400  }
0x333: {  	[sflag:s8] =	ssyncset.done $0x0  }
0x334: {  	[sflag:s8] =	ssyncadd.s32 $0xFFFFFC00  }
0x335: {  	_ =	swait.ge [sflag:s7], $0x400  }
0x336: {  	[sflag:s7] =	ssyncset.done $0x0  }
0x337: {  	[sflag:s7] =	ssyncadd.s32 $0xFFFFFC00  }
0x338: {  	_ =	swait.ge [sflag:s6], $0x400  }
0x339: {  	[sflag:s6] =	ssyncset.done $0x0  }
0x33a: {  	p1 =	sne.s32 s30, $0x1;
	[sflag:s6] =	ssyncadd.s32 $0xFFFFFC00  }
.Ltmp2:
0x33b: {  	[bflag:$0x0] =	sbarrier.arrive $0xFFFF;
	(pc) =	sbr.rel @p1 .LBB2_3-.Ltmp2, $4  }
0x33c: {  	s31 =	rddreg [dreg:$0x8]  }
0x33d: {  	[hbm:s31], [sflag:s3] =	dma.local [spmem:s5], $0x280  }
0x33e: {  	_ =	swait.ge [sflag:s4], $0x280  }
0x33f: {  	s30 =	sadd.s32 $0xFFFFFFFF, s30;
	s31 =	rddreg [dreg:$0x5];
	[sflag:s4] =	ssyncset.done $0x0  }
0x340: {  	s15 =	simm.s32 $0x0  }
.LBB2_5:
0x341: {  	[sflag:s4] =	ssyncadd.s32 @p0 $0xFFFFFD80  }
0x342: {  	[spmem:s5], [sflag:s3] =	dma.local [hbm:s31], $0x280  }
0x343: {  	_ =	swait.ge [sflag:s4], $0x280  }
0x344: {  	[sflag:s4] =	ssyncset.done $0x0  }
0x345: {  	s30 =	rddreg [dreg:$0x4];
	[sflag:s4] =	ssyncadd.s32 $0xFFFFFD80  }
0x346: {  	[tilespmem:s9], [sflag:$0x5] =	stream.linear.gather [hbm4b:s30+s15], $0x400, $0x38;
	[tilespmem:$0x2C00] =	vst v63  }
0x347: {  	_ =	swait.ge [sflag:s4], $0x400  }
0x348: {  	[sflag:s4] =	ssyncset.done $0x0  }
0x349: {  	[sflag:s4] =	ssyncadd.s32 $0xFFFFFC00  }
0x34a: {  	[bflag:$0x0] =	sbarrier.arrive $0xFFFF  }
0x34b: {  	s29 =	rddreg [dreg:$0x6]  }
0x34c: {  	[tilespmem:s15], [sflag:$0x5] =	stream.linear.gather [hbm4b:s29+s15], $0x1400, $0x38;
	[tilespmem:$0x2C00] =	vst v63  }
0x34d: {  	_ =	swait.ge [sflag:s4], $0x1400  }
0x34e: {  	[sflag:s4] =	ssyncset.done $0x0  }
0x34f: {  	[sflag:s4] =	ssyncadd.s32 $0xFFFFEC00  }
0x350: {  	[spmem:s2] =	stream.indirect.scatter.add.f32 [tilespmem:s9], [sflag:$0x1], $0x8, s15, s10, $0xb8;
	[tilespmem:$0x2C00] =	vst v63  }
0x351: {  	_ = 	snop  }
0x352: {  	[spmem:s2] =	stream.indirect.scatter.add.f32 [tilespmem:s9], [sflag:$0x2], $0x8, s10, s10, $0xb8;
	[tilespmem:$0x2C00] =	vst v63  }
0x353: {  	s0 =	simm.s32 $0x100  }
0x354: {  	[spmem:s2] =	stream.indirect.scatter.add.f32 [tilespmem:s9], [sflag:$0x3], $0x8, s0, s10, $0xb8;
	[tilespmem:$0x2C00] =	vst v63  }
0x355: {  	s1 =	simm.s32 $0x180  }
0x356: {  	[spmem:s2] =	stream.indirect.scatter.add.f32 [tilespmem:s9], [sflag:$0x4], $0x8, s1, s10, $0xb8;
	[tilespmem:$0x2C00] =	vst v63  }
0x357: {  	_ =	swait.ge [sflag:s11], $0x400  }
0x358: {  	[sflag:s11] =	ssyncset.done $0x0  }
0x359: {  	[sflag:s11] =	ssyncadd.s32 $0xFFFFFC00  }
0x35a: {  	_ =	swait.ge [sflag:s8], $0x400  }
0x35b: {  	[sflag:s8] =	ssyncset.done $0x0  }
0x35c: {  	[sflag:s8] =	ssyncadd.s32 $0xFFFFFC00  }
0x35d: {  	_ =	swait.ge [sflag:s7], $0x400  }
0x35e: {  	[sflag:s7] =	ssyncset.done $0x0  }
0x35f: {  	[sflag:s7] =	ssyncadd.s32 $0xFFFFFC00  }
0x360: {  	_ =	swait.ge [sflag:s6], $0x400  }
0x361: {  	[sflag:s6] =	ssyncset.done $0x0  }
0x362: {  	s12 =	simm.s32 $0x200;
	[sflag:s6] =	ssyncadd.s32 $0xFFFFFC00  }
0x363: {  	[spmem:s2] =	stream.indirect.scatter.add.f32 [tilespmem:s9], [sflag:$0x1], $0x8, s12, s10, $0xb8;
	[tilespmem:$0x2C00] =	vst v63  }
0x364: {  	s30 =	simm.s32 $0x280  }
0x365: {  	[spmem:s2] =	stream.indirect.scatter.add.f32 [tilespmem:s9], [sflag:$0x2], $0x8, s30, s10, $0xb8;
	[tilespmem:$0x2C00] =	vst v63  }
0x366: {  	s12 =	simm.s32 $0x300  }
0x367: {  	[spmem:s2] =	stream.indirect.scatter.add.f32 [tilespmem:s9], [sflag:$0x3], $0x8, s12, s10, $0xb8;
	[tilespmem:$0x2C00] =	vst v63  }
0x368: {  	s13 =	simm.s32 $0x380  }
0x369: {  	[spmem:s2] =	stream.indirect.scatter.add.f32 [tilespmem:s9], [sflag:$0x4], $0x8, s13, s10, $0xb8;
	[tilespmem:$0x2C00] =	vst v63  }
0x36a: {  	_ =	swait.ge [sflag:s11], $0x400  }
0x36b: {  	[sflag:s11] =	ssyncset.done $0x0  }
0x36c: {  	[sflag:s11] =	ssyncadd.s32 $0xFFFFFC00  }
0x36d: {  	_ =	swait.ge [sflag:s8], $0x400  }
0x36e: {  	[sflag:s8] =	ssyncset.done $0x0  }
0x36f: {  	[sflag:s8] =	ssyncadd.s32 $0xFFFFFC00  }
0x370: {  	_ =	swait.ge [sflag:s7], $0x400  }
0x371: {  	[sflag:s7] =	ssyncset.done $0x0  }
0x372: {  	[sflag:s7] =	ssyncadd.s32 $0xFFFFFC00  }
0x373: {  	_ =	swait.ge [sflag:s6], $0x400  }
0x374: {  	[sflag:s6] =	ssyncset.done $0x0  }
0x375: {  	s14 =	simm.s32 $0x400;
	[sflag:s6] =	ssyncadd.s32 $0xFFFFFC00  }
0x376: {  	[spmem:s2] =	stream.indirect.scatter.add.f32 [tilespmem:s9], [sflag:$0x1], $0x8, s14, s10, $0xb8;
	[tilespmem:$0x2C00] =	vst v63  }
0x377: {  	s31 =	simm.s32 $0x480  }
0x378: {  	[spmem:s2] =	stream.indirect.scatter.add.f32 [tilespmem:s9], [sflag:$0x2], $0x8, s31, s10, $0xb8;
	[tilespmem:$0x2C00] =	vst v63  }
0x379: {  	s16 =	simm.s32 $0x500  }
0x37a: {  	[spmem:s2] =	stream.indirect.scatter.add.f32 [tilespmem:s9], [sflag:$0x3], $0x8, s16, s10, $0xb8;
	[tilespmem:$0x2C00] =	vst v63  }
0x37b: {  	s17 =	simm.s32 $0x580  }
0x37c: {  	[spmem:s2] =	stream.indirect.scatter.add.f32 [tilespmem:s9], [sflag:$0x4], $0x8, s17, s10, $0xb8;
	[tilespmem:$0x2C00] =	vst v63  }
0x37d: {  	_ =	swait.ge [sflag:s11], $0x400  }
0x37e: {  	[sflag:s11] =	ssyncset.done $0x0  }
0x37f: {  	[sflag:s11] =	ssyncadd.s32 $0xFFFFFC00  }
0x380: {  	_ =	swait.ge [sflag:s8], $0x400  }
0x381: {  	[sflag:s8] =	ssyncset.done $0x0  }
0x382: {  	[sflag:s8] =	ssyncadd.s32 $0xFFFFFC00  }
0x383: {  	_ =	swait.ge [sflag:s7], $0x400  }
0x384: {  	[sflag:s7] =	ssyncset.done $0x0  }
0x385: {  	[sflag:s7] =	ssyncadd.s32 $0xFFFFFC00  }
0x386: {  	_ =	swait.ge [sflag:s6], $0x400  }
0x387: {  	[sflag:s6] =	ssyncset.done $0x0  }
0x388: {  	s18 =	simm.s32 $0x600;
	[sflag:s6] =	ssyncadd.s32 $0xFFFFFC00  }
0x389: {  	[spmem:s2] =	stream.indirect.scatter.add.f32 [tilespmem:s9], [sflag:$0x1], $0x8, s18, s10, $0xb8;
	[tilespmem:$0x2C00] =	vst v63  }
0x38a: {  	s19 =	simm.s32 $0x680  }
0x38b: {  	[spmem:s2] =	stream.indirect.scatter.add.f32 [tilespmem:s9], [sflag:$0x2], $0x8, s19, s10, $0xb8;
	[tilespmem:$0x2C00] =	vst v63  }
0x38c: {  	s20 =	simm.s32 $0x700  }
0x38d: {  	[spmem:s2] =	stream.indirect.scatter.add.f32 [tilespmem:s9], [sflag:$0x3], $0x8, s20, s10, $0xb8;
	[tilespmem:$0x2C00] =	vst v63  }
0x38e: {  	s21 =	simm.s32 $0x780  }
0x38f: {  	[spmem:s2] =	stream.indirect.scatter.add.f32 [tilespmem:s9], [sflag:$0x4], $0x8, s21, s10, $0xb8;
	[tilespmem:$0x2C00] =	vst v63  }
0x390: {  	_ =	swait.ge [sflag:s11], $0x400  }
0x391: {  	[sflag:s11] =	ssyncset.done $0x0  }
0x392: {  	[sflag:s11] =	ssyncadd.s32 $0xFFFFFC00  }
0x393: {  	_ =	swait.ge [sflag:s8], $0x400  }
0x394: {  	[sflag:s8] =	ssyncset.done $0x0  }
0x395: {  	[sflag:s8] =	ssyncadd.s32 $0xFFFFFC00  }
0x396: {  	_ =	swait.ge [sflag:s7], $0x400  }
0x397: {  	[sflag:s7] =	ssyncset.done $0x0  }
0x398: {  	[sflag:s7] =	ssyncadd.s32 $0xFFFFFC00  }
0x399: {  	_ =	swait.ge [sflag:s6], $0x400  }
0x39a: {  	[sflag:s6] =	ssyncset.done $0x0  }
0x39b: {  	s22 =	simm.s32 $0x800;
	[sflag:s6] =	ssyncadd.s32 $0xFFFFFC00  }
0x39c: {  	[spmem:s2] =	stream.indirect.scatter.add.f32 [tilespmem:s9], [sflag:$0x1], $0x8, s22, s10, $0xb8;
	[tilespmem:$0x2C00] =	vst v63  }
0x39d: {  	s23 =	simm.s32 $0x880  }
0x39e: {  	[spmem:s2] =	stream.indirect.scatter.add.f32 [tilespmem:s9], [sflag:$0x2], $0x8, s23, s10, $0xb8;
	[tilespmem:$0x2C00] =	vst v63  }
0x39f: {  	s24 =	simm.s32 $0x900  }
0x3a0: {  	[spmem:s2] =	stream.indirect.scatter.add.f32 [tilespmem:s9], [sflag:$0x3], $0x8, s24, s10, $0xb8;
	[tilespmem:$0x2C00] =	vst v63  }
0x3a1: {  	s25 =	simm.s32 $0x980  }
0x3a2: {  	[spmem:s2] =	stream.indirect.scatter.add.f32 [tilespmem:s9], [sflag:$0x4], $0x8, s25, s10, $0xb8;
	[tilespmem:$0x2C00] =	vst v63  }
0x3a3: {  	_ =	swait.ge [sflag:s11], $0x400  }
0x3a4: {  	[sflag:s11] =	ssyncset.done $0x0  }
0x3a5: {  	[sflag:s11] =	ssyncadd.s32 $0xFFFFFC00  }
0x3a6: {  	_ =	swait.ge [sflag:s8], $0x400  }
0x3a7: {  	[sflag:s8] =	ssyncset.done $0x0  }
0x3a8: {  	[sflag:s8] =	ssyncadd.s32 $0xFFFFFC00  }
0x3a9: {  	_ =	swait.ge [sflag:s7], $0x400  }
0x3aa: {  	[sflag:s7] =	ssyncset.done $0x0  }
0x3ab: {  	[sflag:s7] =	ssyncadd.s32 $0xFFFFFC00  }
0x3ac: {  	_ =	swait.ge [sflag:s6], $0x400  }
0x3ad: {  	[sflag:s6] =	ssyncset.done $0x0  }
0x3ae: {  	s26 =	simm.s32 $0xA00;
	[sflag:s6] =	ssyncadd.s32 $0xFFFFFC00  }
0x3af: {  	[spmem:s2] =	stream.indirect.scatter.add.f32 [tilespmem:s9], [sflag:$0x1], $0x8, s26, s10, $0xb8;
	[tilespmem:$0x2C00] =	vst v63  }
0x3b0: {  	s29 =	simm.s32 $0xA80  }
0x3b1: {  	[spmem:s2] =	stream.indirect.scatter.add.f32 [tilespmem:s9], [sflag:$0x2], $0x8, s29, s10, $0xb8;
	[tilespmem:$0x2C00] =	vst v63  }
0x3b2: {  	s31 =	simm.s32 $0xB00  }
0x3b3: {  	[spmem:s2] =	stream.indirect.scatter.add.f32 [tilespmem:s9], [sflag:$0x3], $0x8, s31, s10, $0xb8;
	[tilespmem:$0x2C00] =	vst v63  }
0x3b4: {  	s28 =	simm.s32 $0xB80  }
0x3b5: {  	[spmem:s2] =	stream.indirect.scatter.add.f32 [tilespmem:s9], [sflag:$0x4], $0x8, s28, s10, $0xb8;
	[tilespmem:$0x2C00] =	vst v63  }
0x3b6: {  	_ =	swait.ge [sflag:s11], $0x400  }
0x3b7: {  	[sflag:s11] =	ssyncset.done $0x0  }
0x3b8: {  	[sflag:s11] =	ssyncadd.s32 $0xFFFFFC00  }
0x3b9: {  	_ =	swait.ge [sflag:s8], $0x400  }
0x3ba: {  	[sflag:s8] =	ssyncset.done $0x0  }
0x3bb: {  	[sflag:s8] =	ssyncadd.s32 $0xFFFFFC00  }
0x3bc: {  	_ =	swait.ge [sflag:s7], $0x400  }
0x3bd: {  	[sflag:s7] =	ssyncset.done $0x0  }
0x3be: {  	[sflag:s7] =	ssyncadd.s32 $0xFFFFFC00  }
0x3bf: {  	_ =	swait.ge [sflag:s6], $0x400  }
0x3c0: {  	[sflag:s6] =	ssyncset.done $0x0  }
0x3c1: {  	s24 =	simm.s32 $0xC00;
	[sflag:s6] =	ssyncadd.s32 $0xFFFFFC00  }
0x3c2: {  	[spmem:s2] =	stream.indirect.scatter.add.f32 [tilespmem:s9], [sflag:$0x1], $0x8, s24, s10, $0xb8;
	[tilespmem:$0x2C00] =	vst v63  }
0x3c3: {  	s25 =	simm.s32 $0xC80  }
0x3c4: {  	[spmem:s2] =	stream.indirect.scatter.add.f32 [tilespmem:s9], [sflag:$0x2], $0x8, s25, s10, $0xb8;
	[tilespmem:$0x2C00] =	vst v63  }
0x3c5: {  	s26 =	simm.s32 $0xD00  }
0x3c6: {  	[spmem:s2] =	stream.indirect.scatter.add.f32 [tilespmem:s9], [sflag:$0x3], $0x8, s26, s10, $0xb8;
	[tilespmem:$0x2C00] =	vst v63  }
0x3c7: {  	s28 =	simm.s32 $0xD80  }
0x3c8: {  	[spmem:s2] =	stream.indirect.scatter.add.f32 [tilespmem:s9], [sflag:$0x4], $0x8, s28, s10, $0xb8;
	[tilespmem:$0x2C00] =	vst v63  }
0x3c9: {  	_ =	swait.ge [sflag:s11], $0x400  }
0x3ca: {  	[sflag:s11] =	ssyncset.done $0x0  }
0x3cb: {  	[sflag:s11] =	ssyncadd.s32 $0xFFFFFC00  }
0x3cc: {  	_ =	swait.ge [sflag:s8], $0x400  }
0x3cd: {  	[sflag:s8] =	ssyncset.done $0x0  }
0x3ce: {  	[sflag:s8] =	ssyncadd.s32 $0xFFFFFC00  }
0x3cf: {  	_ =	swait.ge [sflag:s7], $0x400  }
0x3d0: {  	[sflag:s7] =	ssyncset.done $0x0  }
0x3d1: {  	[sflag:s7] =	ssyncadd.s32 $0xFFFFFC00  }
0x3d2: {  	_ =	swait.ge [sflag:s6], $0x400  }
0x3d3: {  	[sflag:s6] =	ssyncset.done $0x0  }
0x3d4: {  	s20 =	simm.s32 $0xE00;
	[sflag:s6] =	ssyncadd.s32 $0xFFFFFC00  }
0x3d5: {  	[spmem:s2] =	stream.indirect.scatter.add.f32 [tilespmem:s9], [sflag:$0x1], $0x8, s20, s10, $0xb8;
	[tilespmem:$0x2C00] =	vst v63  }
0x3d6: {  	s21 =	simm.s32 $0xE80  }
0x3d7: {  	[spmem:s2] =	stream.indirect.scatter.add.f32 [tilespmem:s9], [sflag:$0x2], $0x8, s21, s10, $0xb8;
	[tilespmem:$0x2C00] =	vst v63  }
0x3d8: {  	s22 =	simm.s32 $0xF00  }
0x3d9: {  	[spmem:s2] =	stream.indirect.scatter.add.f32 [tilespmem:s9], [sflag:$0x3], $0x8, s22, s10, $0xb8;
	[tilespmem:$0x2C00] =	vst v63  }
0x3da: {  	s23 =	simm.s32 $0xF80  }
0x3db: {  	[spmem:s2] =	stream.indirect.scatter.add.f32 [tilespmem:s9], [sflag:$0x4], $0x8, s23, s10, $0xb8;
	[tilespmem:$0x2C00] =	vst v63  }
0x3dc: {  	_ =	swait.ge [sflag:s11], $0x400  }
0x3dd: {  	[sflag:s11] =	ssyncset.done $0x0  }
0x3de: {  	[sflag:s11] =	ssyncadd.s32 $0xFFFFFC00  }
0x3df: {  	_ =	swait.ge [sflag:s8], $0x400  }
0x3e0: {  	[sflag:s8] =	ssyncset.done $0x0  }
0x3e1: {  	[sflag:s8] =	ssyncadd.s32 $0xFFFFFC00  }
0x3e2: {  	_ =	swait.ge [sflag:s7], $0x400  }
0x3e3: {  	[sflag:s7] =	ssyncset.done $0x0  }
0x3e4: {  	[sflag:s7] =	ssyncadd.s32 $0xFFFFFC00  }
0x3e5: {  	_ =	swait.ge [sflag:s6], $0x400  }
0x3e6: {  	[sflag:s6] =	ssyncset.done $0x0  }
0x3e7: {  	s16 =	simm.s32 $0x1000;
	[sflag:s6] =	ssyncadd.s32 $0xFFFFFC00  }
0x3e8: {  	[spmem:s2] =	stream.indirect.scatter.add.f32 [tilespmem:s9], [sflag:$0x1], $0x8, s16, s10, $0xb8;
	[tilespmem:$0x2C00] =	vst v63  }
0x3e9: {  	s17 =	simm.s32 $0x1080  }
0x3ea: {  	[spmem:s2] =	stream.indirect.scatter.add.f32 [tilespmem:s9], [sflag:$0x2], $0x8, s17, s10, $0xb8;
	[tilespmem:$0x2C00] =	vst v63  }
0x3eb: {  	s18 =	simm.s32 $0x1100  }
0x3ec: {  	[spmem:s2] =	stream.indirect.scatter.add.f32 [tilespmem:s9], [sflag:$0x3], $0x8, s18, s10, $0xb8;
	[tilespmem:$0x2C00] =	vst v63  }
0x3ed: {  	s19 =	simm.s32 $0x1180  }
0x3ee: {  	[spmem:s2] =	stream.indirect.scatter.add.f32 [tilespmem:s9], [sflag:$0x4], $0x8, s19, s10, $0xb8;
	[tilespmem:$0x2C00] =	vst v63  }
0x3ef: {  	_ =	swait.ge [sflag:s11], $0x400  }
0x3f0: {  	[sflag:s11] =	ssyncset.done $0x0  }
0x3f1: {  	[sflag:s11] =	ssyncadd.s32 $0xFFFFFC00  }
0x3f2: {  	_ =	swait.ge [sflag:s8], $0x400  }
0x3f3: {  	[sflag:s8] =	ssyncset.done $0x0  }
0x3f4: {  	[sflag:s8] =	ssyncadd.s32 $0xFFFFFC00  }
0x3f5: {  	_ =	swait.ge [sflag:s7], $0x400  }
0x3f6: {  	[sflag:s7] =	ssyncset.done $0x0  }
0x3f7: {  	[sflag:s7] =	ssyncadd.s32 $0xFFFFFC00  }
0x3f8: {  	_ =	swait.ge [sflag:s6], $0x400  }
0x3f9: {  	[sflag:s6] =	ssyncset.done $0x0  }
0x3fa: {  	s30 =	simm.s32 $0x1200;
	[sflag:s6] =	ssyncadd.s32 $0xFFFFFC00  }
0x3fb: {  	[spmem:s2] =	stream.indirect.scatter.add.f32 [tilespmem:s9], [sflag:$0x1], $0x8, s30, s10, $0xb8;
	[tilespmem:$0x2C00] =	vst v63  }
0x3fc: {  	s30 =	simm.s32 $0x1280  }
0x3fd: {  	[spmem:s2] =	stream.indirect.scatter.add.f32 [tilespmem:s9], [sflag:$0x2], $0x8, s30, s10, $0xb8;
	[tilespmem:$0x2C00] =	vst v63  }
0x3fe: {  	s30 =	simm.s32 $0x1300  }
0x3ff: {  	[spmem:s2] =	stream.indirect.scatter.add.f32 [tilespmem:s9], [sflag:$0x3], $0x8, s30, s10, $0xb8;
	[tilespmem:$0x2C00] =	vst v63  }
0x400: {  	s14 =	simm.s32 $0x1380  }
0x401: {  	[spmem:s2] =	stream.indirect.scatter.add.f32 [tilespmem:s9], [sflag:$0x4], $0x8, s14, s10, $0xb8;
	[tilespmem:$0x2C00] =	vst v63  }
0x402: {  	_ =	swait.ge [sflag:s11], $0x400  }
0x403: {  	[sflag:s11] =	ssyncset.done $0x0  }
0x404: {  	[sflag:s11] =	ssyncadd.s32 $0xFFFFFC00  }
0x405: {  	_ =	swait.ge [sflag:s8], $0x400  }
0x406: {  	[sflag:s8] =	ssyncset.done $0x0  }
0x407: {  	[sflag:s8] =	ssyncadd.s32 $0xFFFFFC00  }
0x408: {  	_ =	swait.ge [sflag:s7], $0x400  }
0x409: {  	[sflag:s7] =	ssyncset.done $0x0  }
0x40a: {  	[sflag:s7] =	ssyncadd.s32 $0xFFFFFC00  }
0x40b: {  	_ =	swait.ge [sflag:s6], $0x400  }
0x40c: {  	[sflag:s6] =	ssyncset.done $0x0  }
0x40d: {  	s30 =	rddreg [dreg:$0x7];
	[sflag:s6] =	ssyncadd.s32 $0xFFFFFC00  }
0x40e: {  	[tilespmem:s15], [sflag:$0x5] =	stream.linear.gather [hbm4b:s30+s15], $0x1400, $0x38;
	[tilespmem:$0x2C00] =	vst v63  }
0x40f: {  	_ =	swait.ge [sflag:s4], $0x1400  }
0x410: {  	[sflag:s4] =	ssyncset.done $0x0  }
0x411: {  	[sflag:s4] =	ssyncadd.s32 $0xFFFFEC00  }
0x412: {  	[spmem:s2] =	stream.indirect.scatter.add.f32 [tilespmem:s9], [sflag:$0x1], $0x8, s15, s10, $0xb8;
	[tilespmem:$0x2C00] =	vst v63  }
0x413: {  	_ = 	snop  }
0x414: {  	[spmem:s2] =	stream.indirect.scatter.add.f32 [tilespmem:s9], [sflag:$0x2], $0x8, s10, s10, $0xb8;
	[tilespmem:$0x2C00] =	vst v63  }
0x415: {  	_ = 	snop  }
0x416: {  	[spmem:s2] =	stream.indirect.scatter.add.f32 [tilespmem:s9], [sflag:$0x3], $0x8, s0, s10, $0xb8;
	[tilespmem:$0x2C00] =	vst v63  }
0x417: {  	_ = 	snop  }
0x418: {  	[spmem:s2] =	stream.indirect.scatter.add.f32 [tilespmem:s9], [sflag:$0x4], $0x8, s1, s10, $0xb8;
	[tilespmem:$0x2C00] =	vst v63  }
0x419: {  	_ =	swait.ge [sflag:s11], $0x400  }
0x41a: {  	[sflag:s11] =	ssyncset.done $0x0  }
0x41b: {  	[sflag:s11] =	ssyncadd.s32 $0xFFFFFC00  }
0x41c: {  	_ =	swait.ge [sflag:s8], $0x400  }
0x41d: {  	[sflag:s8] =	ssyncset.done $0x0  }
0x41e: {  	[sflag:s8] =	ssyncadd.s32 $0xFFFFFC00  }
0x41f: {  	_ =	swait.ge [sflag:s7], $0x400  }
0x420: {  	[sflag:s7] =	ssyncset.done $0x0  }
0x421: {  	[sflag:s7] =	ssyncadd.s32 $0xFFFFFC00  }
0x422: {  	_ =	swait.ge [sflag:s6], $0x400  }
0x423: {  	[sflag:s6] =	ssyncset.done $0x0  }
0x424: {  	s15 =	simm.s32 $0x200;
	[sflag:s6] =	ssyncadd.s32 $0xFFFFFC00  }
0x425: {  	[spmem:s2] =	stream.indirect.scatter.add.f32 [tilespmem:s9], [sflag:$0x1], $0x8, s15, s10, $0xb8;
	[tilespmem:$0x2C00] =	vst v63  }
0x426: {  	s30 =	simm.s32 $0x280  }
0x427: {  	[spmem:s2] =	stream.indirect.scatter.add.f32 [tilespmem:s9], [sflag:$0x2], $0x8, s30, s10, $0xb8;
	[tilespmem:$0x2C00] =	vst v63  }
0x428: {  	_ = 	snop  }
0x429: {  	[spmem:s2] =	stream.indirect.scatter.add.f32 [tilespmem:s9], [sflag:$0x3], $0x8, s12, s10, $0xb8;
	[tilespmem:$0x2C00] =	vst v63  }
0x42a: {  	_ = 	snop  }
0x42b: {  	[spmem:s2] =	stream.indirect.scatter.add.f32 [tilespmem:s9], [sflag:$0x4], $0x8, s13, s10, $0xb8;
	[tilespmem:$0x2C00] =	vst v63  }
0x42c: {  	_ =	swait.ge [sflag:s11], $0x400  }
0x42d: {  	[sflag:s11] =	ssyncset.done $0x0  }
0x42e: {  	[sflag:s11] =	ssyncadd.s32 $0xFFFFFC00  }
0x42f: {  	_ =	swait.ge [sflag:s8], $0x400  }
0x430: {  	[sflag:s8] =	ssyncset.done $0x0  }
0x431: {  	[sflag:s8] =	ssyncadd.s32 $0xFFFFFC00  }
0x432: {  	_ =	swait.ge [sflag:s7], $0x400  }
0x433: {  	[sflag:s7] =	ssyncset.done $0x0  }
0x434: {  	[sflag:s7] =	ssyncadd.s32 $0xFFFFFC00  }
0x435: {  	_ =	swait.ge [sflag:s6], $0x400  }
0x436: {  	[sflag:s6] =	ssyncset.done $0x0  }
0x437: {  	s1 =	simm.s32 $0x400;
	[sflag:s6] =	ssyncadd.s32 $0xFFFFFC00  }
0x438: {  	[spmem:s2] =	stream.indirect.scatter.add.f32 [tilespmem:s9], [sflag:$0x1], $0x8, s1, s10, $0xb8;
	[tilespmem:$0x2C00] =	vst v63  }
0x439: {  	s12 =	simm.s32 $0x480  }
0x43a: {  	[spmem:s2] =	stream.indirect.scatter.add.f32 [tilespmem:s9], [sflag:$0x2], $0x8, s12, s10, $0xb8;
	[tilespmem:$0x2C00] =	vst v63  }
0x43b: {  	s13 =	simm.s32 $0x500  }
0x43c: {  	[spmem:s2] =	stream.indirect.scatter.add.f32 [tilespmem:s9], [sflag:$0x3], $0x8, s13, s10, $0xb8;
	[tilespmem:$0x2C00] =	vst v63  }
0x43d: {  	s15 =	simm.s32 $0x580  }
0x43e: {  	[spmem:s2] =	stream.indirect.scatter.add.f32 [tilespmem:s9], [sflag:$0x4], $0x8, s15, s10, $0xb8;
	[tilespmem:$0x2C00] =	vst v63  }
0x43f: {  	_ =	swait.ge [sflag:s11], $0x400  }
0x440: {  	[sflag:s11] =	ssyncset.done $0x0  }
0x441: {  	[sflag:s11] =	ssyncadd.s32 $0xFFFFFC00  }
0x442: {  	_ =	swait.ge [sflag:s8], $0x400  }
0x443: {  	[sflag:s8] =	ssyncset.done $0x0  }
0x444: {  	[sflag:s8] =	ssyncadd.s32 $0xFFFFFC00  }
0x445: {  	_ =	swait.ge [sflag:s7], $0x400  }
0x446: {  	[sflag:s7] =	ssyncset.done $0x0  }
0x447: {  	[sflag:s7] =	ssyncadd.s32 $0xFFFFFC00  }
0x448: {  	_ =	swait.ge [sflag:s6], $0x400  }
0x449: {  	[sflag:s6] =	ssyncset.done $0x0  }
0x44a: {  	s30 =	simm.s32 $0x600;
	[sflag:s6] =	ssyncadd.s32 $0xFFFFFC00  }
0x44b: {  	[spmem:s2] =	stream.indirect.scatter.add.f32 [tilespmem:s9], [sflag:$0x1], $0x8, s30, s10, $0xb8;
	[tilespmem:$0x2C00] =	vst v63  }
0x44c: {  	s1 =	simm.s32 $0x680  }
0x44d: {  	[spmem:s2] =	stream.indirect.scatter.add.f32 [tilespmem:s9], [sflag:$0x2], $0x8, s1, s10, $0xb8;
	[tilespmem:$0x2C00] =	vst v63  }
0x44e: {  	s12 =	simm.s32 $0x700  }
0x44f: {  	[spmem:s2] =	stream.indirect.scatter.add.f32 [tilespmem:s9], [sflag:$0x3], $0x8, s12, s10, $0xb8;
	[tilespmem:$0x2C00] =	vst v63  }
0x450: {  	s13 =	simm.s32 $0x780  }
0x451: {  	[spmem:s2] =	stream.indirect.scatter.add.f32 [tilespmem:s9], [sflag:$0x4], $0x8, s13, s10, $0xb8;
	[tilespmem:$0x2C00] =	vst v63  }
0x452: {  	_ =	swait.ge [sflag:s11], $0x400  }
0x453: {  	[sflag:s11] =	ssyncset.done $0x0  }
0x454: {  	[sflag:s11] =	ssyncadd.s32 $0xFFFFFC00  }
0x455: {  	_ =	swait.ge [sflag:s8], $0x400  }
0x456: {  	[sflag:s8] =	ssyncset.done $0x0  }
0x457: {  	[sflag:s8] =	ssyncadd.s32 $0xFFFFFC00  }
0x458: {  	_ =	swait.ge [sflag:s7], $0x400  }
0x459: {  	[sflag:s7] =	ssyncset.done $0x0  }
0x45a: {  	[sflag:s7] =	ssyncadd.s32 $0xFFFFFC00  }
0x45b: {  	_ =	swait.ge [sflag:s6], $0x400  }
0x45c: {  	[sflag:s6] =	ssyncset.done $0x0  }
0x45d: {  	s15 =	simm.s32 $0x800;
	[sflag:s6] =	ssyncadd.s32 $0xFFFFFC00  }
0x45e: {  	[spmem:s2] =	stream.indirect.scatter.add.f32 [tilespmem:s9], [sflag:$0x1], $0x8, s15, s10, $0xb8;
	[tilespmem:$0x2C00] =	vst v63  }
0x45f: {  	s30 =	simm.s32 $0x880  }
0x460: {  	[spmem:s2] =	stream.indirect.scatter.add.f32 [tilespmem:s9], [sflag:$0x2], $0x8, s30, s10, $0xb8;
	[tilespmem:$0x2C00] =	vst v63  }
0x461: {  	s1 =	simm.s32 $0x900  }
0x462: {  	[spmem:s2] =	stream.indirect.scatter.add.f32 [tilespmem:s9], [sflag:$0x3], $0x8, s1, s10, $0xb8;
	[tilespmem:$0x2C00] =	vst v63  }
0x463: {  	s12 =	simm.s32 $0x980  }
0x464: {  	[spmem:s2] =	stream.indirect.scatter.add.f32 [tilespmem:s9], [sflag:$0x4], $0x8, s12, s10, $0xb8;
	[tilespmem:$0x2C00] =	vst v63  }
0x465: {  	_ =	swait.ge [sflag:s11], $0x400  }
0x466: {  	[sflag:s11] =	ssyncset.done $0x0  }
0x467: {  	[sflag:s11] =	ssyncadd.s32 $0xFFFFFC00  }
0x468: {  	_ =	swait.ge [sflag:s8], $0x400  }
0x469: {  	[sflag:s8] =	ssyncset.done $0x0  }
0x46a: {  	[sflag:s8] =	ssyncadd.s32 $0xFFFFFC00  }
0x46b: {  	_ =	swait.ge [sflag:s7], $0x400  }
0x46c: {  	[sflag:s7] =	ssyncset.done $0x0  }
0x46d: {  	[sflag:s7] =	ssyncadd.s32 $0xFFFFFC00  }
0x46e: {  	_ =	swait.ge [sflag:s6], $0x400  }
0x46f: {  	[sflag:s6] =	ssyncset.done $0x0  }
0x470: {  	s13 =	simm.s32 $0xA00;
	[sflag:s6] =	ssyncadd.s32 $0xFFFFFC00  }
0x471: {  	[spmem:s2] =	stream.indirect.scatter.add.f32 [tilespmem:s9], [sflag:$0x1], $0x8, s13, s10, $0xb8;
	[tilespmem:$0x2C00] =	vst v63  }
0x472: {  	_ = 	snop  }
0x473: {  	[spmem:s2] =	stream.indirect.scatter.add.f32 [tilespmem:s9], [sflag:$0x2], $0x8, s29, s10, $0xb8;
	[tilespmem:$0x2C00] =	vst v63  }
0x474: {  	_ = 	snop  }
0x475: {  	[spmem:s2] =	stream.indirect.scatter.add.f32 [tilespmem:s9], [sflag:$0x3], $0x8, s31, s10, $0xb8;
	[tilespmem:$0x2C00] =	vst v63  }
0x476: {  	s15 =	simm.s32 $0xB80  }
0x477: {  	[spmem:s2] =	stream.indirect.scatter.add.f32 [tilespmem:s9], [sflag:$0x4], $0x8, s15, s10, $0xb8;
	[tilespmem:$0x2C00] =	vst v63  }
0x478: {  	_ =	swait.ge [sflag:s11], $0x400  }
0x479: {  	[sflag:s11] =	ssyncset.done $0x0  }
0x47a: {  	[sflag:s11] =	ssyncadd.s32 $0xFFFFFC00  }
0x47b: {  	_ =	swait.ge [sflag:s8], $0x400  }
0x47c: {  	[sflag:s8] =	ssyncset.done $0x0  }
0x47d: {  	[sflag:s8] =	ssyncadd.s32 $0xFFFFFC00  }
0x47e: {  	_ =	swait.ge [sflag:s7], $0x400  }
0x47f: {  	[sflag:s7] =	ssyncset.done $0x0  }
0x480: {  	[sflag:s7] =	ssyncadd.s32 $0xFFFFFC00  }
0x481: {  	_ =	swait.ge [sflag:s6], $0x400  }
0x482: {  	[sflag:s6] =	ssyncset.done $0x0  }
0x483: {  	[sflag:s6] =	ssyncadd.s32 $0xFFFFFC00  }
0x484: {  	[spmem:s2] =	stream.indirect.scatter.add.f32 [tilespmem:s9], [sflag:$0x1], $0x8, s24, s10, $0xb8;
	[tilespmem:$0x2C00] =	vst v63  }
0x485: {  	_ = 	snop  }
0x486: {  	[spmem:s2] =	stream.indirect.scatter.add.f32 [tilespmem:s9], [sflag:$0x2], $0x8, s25, s10, $0xb8;
	[tilespmem:$0x2C00] =	vst v63  }
0x487: {  	_ = 	snop  }
0x488: {  	[spmem:s2] =	stream.indirect.scatter.add.f32 [tilespmem:s9], [sflag:$0x3], $0x8, s26, s10, $0xb8;
	[tilespmem:$0x2C00] =	vst v63  }
0x489: {  	_ = 	snop  }
0x48a: {  	[spmem:s2] =	stream.indirect.scatter.add.f32 [tilespmem:s9], [sflag:$0x4], $0x8, s28, s10, $0xb8;
	[tilespmem:$0x2C00] =	vst v63  }
0x48b: {  	_ =	swait.ge [sflag:s11], $0x400  }
0x48c: {  	[sflag:s11] =	ssyncset.done $0x0  }
0x48d: {  	[sflag:s11] =	ssyncadd.s32 $0xFFFFFC00  }
0x48e: {  	_ =	swait.ge [sflag:s8], $0x400  }
0x48f: {  	[sflag:s8] =	ssyncset.done $0x0  }
0x490: {  	[sflag:s8] =	ssyncadd.s32 $0xFFFFFC00  }
0x491: {  	_ =	swait.ge [sflag:s7], $0x400  }
0x492: {  	[sflag:s7] =	ssyncset.done $0x0  }
0x493: {  	[sflag:s7] =	ssyncadd.s32 $0xFFFFFC00  }
0x494: {  	_ =	swait.ge [sflag:s6], $0x400  }
0x495: {  	[sflag:s6] =	ssyncset.done $0x0  }
0x496: {  	[sflag:s6] =	ssyncadd.s32 $0xFFFFFC00  }
0x497: {  	[spmem:s2] =	stream.indirect.scatter.add.f32 [tilespmem:s9], [sflag:$0x1], $0x8, s20, s10, $0xb8;
	[tilespmem:$0x2C00] =	vst v63  }
0x498: {  	_ = 	snop  }
0x499: {  	[spmem:s2] =	stream.indirect.scatter.add.f32 [tilespmem:s9], [sflag:$0x2], $0x8, s21, s10, $0xb8;
	[tilespmem:$0x2C00] =	vst v63  }
0x49a: {  	_ = 	snop  }
0x49b: {  	[spmem:s2] =	stream.indirect.scatter.add.f32 [tilespmem:s9], [sflag:$0x3], $0x8, s22, s10, $0xb8;
	[tilespmem:$0x2C00] =	vst v63  }
0x49c: {  	_ = 	snop  }
0x49d: {  	[spmem:s2] =	stream.indirect.scatter.add.f32 [tilespmem:s9], [sflag:$0x4], $0x8, s23, s10, $0xb8;
	[tilespmem:$0x2C00] =	vst v63  }
0x49e: {  	_ =	swait.ge [sflag:s11], $0x400  }
0x49f: {  	[sflag:s11] =	ssyncset.done $0x0  }
0x4a0: {  	[sflag:s11] =	ssyncadd.s32 $0xFFFFFC00  }
0x4a1: {  	_ =	swait.ge [sflag:s8], $0x400  }
0x4a2: {  	[sflag:s8] =	ssyncset.done $0x0  }
0x4a3: {  	[sflag:s8] =	ssyncadd.s32 $0xFFFFFC00  }
0x4a4: {  	_ =	swait.ge [sflag:s7], $0x400  }
0x4a5: {  	[sflag:s7] =	ssyncset.done $0x0  }
0x4a6: {  	[sflag:s7] =	ssyncadd.s32 $0xFFFFFC00  }
0x4a7: {  	_ =	swait.ge [sflag:s6], $0x400  }
0x4a8: {  	[sflag:s6] =	ssyncset.done $0x0  }
0x4a9: {  	[sflag:s6] =	ssyncadd.s32 $0xFFFFFC00  }
0x4aa: {  	[spmem:s2] =	stream.indirect.scatter.add.f32 [tilespmem:s9], [sflag:$0x1], $0x8, s16, s10, $0xb8;
	[tilespmem:$0x2C00] =	vst v63  }
0x4ab: {  	_ = 	snop  }
0x4ac: {  	[spmem:s2] =	stream.indirect.scatter.add.f32 [tilespmem:s9], [sflag:$0x2], $0x8, s17, s10, $0xb8;
	[tilespmem:$0x2C00] =	vst v63  }
0x4ad: {  	_ = 	snop  }
0x4ae: {  	[spmem:s2] =	stream.indirect.scatter.add.f32 [tilespmem:s9], [sflag:$0x3], $0x8, s18, s10, $0xb8;
	[tilespmem:$0x2C00] =	vst v63  }
0x4af: {  	_ = 	snop  }
0x4b0: {  	[spmem:s2] =	stream.indirect.scatter.add.f32 [tilespmem:s9], [sflag:$0x4], $0x8, s19, s10, $0xb8;
	[tilespmem:$0x2C00] =	vst v63  }
0x4b1: {  	_ =	swait.ge [sflag:s11], $0x400  }
0x4b2: {  	[sflag:s11] =	ssyncset.done $0x0  }
0x4b3: {  	[sflag:s11] =	ssyncadd.s32 $0xFFFFFC00  }
0x4b4: {  	_ =	swait.ge [sflag:s8], $0x400  }
0x4b5: {  	[sflag:s8] =	ssyncset.done $0x0  }
0x4b6: {  	[sflag:s8] =	ssyncadd.s32 $0xFFFFFC00  }
0x4b7: {  	_ =	swait.ge [sflag:s7], $0x400  }
0x4b8: {  	[sflag:s7] =	ssyncset.done $0x0  }
0x4b9: {  	[sflag:s7] =	ssyncadd.s32 $0xFFFFFC00  }
0x4ba: {  	_ =	swait.ge [sflag:s6], $0x400  }
0x4bb: {  	[sflag:s6] =	ssyncset.done $0x0  }
0x4bc: {  	s26 =	simm.s32 $0x1200;
	[sflag:s6] =	ssyncadd.s32 $0xFFFFFC00  }
0x4bd: {  	[spmem:s2] =	stream.indirect.scatter.add.f32 [tilespmem:s9], [sflag:$0x1], $0x8, s26, s10, $0xb8;
	[tilespmem:$0x2C00] =	vst v63  }
0x4be: {  	s28 =	simm.s32 $0x1280  }
0x4bf: {  	[spmem:s2] =	stream.indirect.scatter.add.f32 [tilespmem:s9], [sflag:$0x2], $0x8, s28, s10, $0xb8;
	[tilespmem:$0x2C00] =	vst v63  }
0x4c0: {  	s29 =	simm.s32 $0x1300  }
0x4c1: {  	[spmem:s2] =	stream.indirect.scatter.add.f32 [tilespmem:s9], [sflag:$0x3], $0x8, s29, s10, $0xb8;
	[tilespmem:$0x2C00] =	vst v63  }
0x4c2: {  	_ = 	snop  }
0x4c3: {  	[spmem:s2] =	stream.indirect.scatter.add.f32 [tilespmem:s9], [sflag:$0x4], $0x8, s14, s10, $0xb8;
	[tilespmem:$0x2C00] =	vst v63  }
0x4c4: {  	_ =	swait.ge [sflag:s11], $0x400  }
0x4c5: {  	[sflag:s11] =	ssyncset.done $0x0  }
0x4c6: {  	[sflag:s11] =	ssyncadd.s32 $0xFFFFFC00  }
0x4c7: {  	_ =	swait.ge [sflag:s8], $0x400  }
0x4c8: {  	[sflag:s8] =	ssyncset.done $0x0  }
0x4c9: {  	[sflag:s8] =	ssyncadd.s32 $0xFFFFFC00  }
0x4ca: {  	_ =	swait.ge [sflag:s7], $0x400  }
0x4cb: {  	[sflag:s7] =	ssyncset.done $0x0  }
0x4cc: {  	[sflag:s7] =	ssyncadd.s32 $0xFFFFFC00  }
0x4cd: {  	_ =	swait.ge [sflag:s6], $0x400  }
0x4ce: {  	[sflag:s6] =	ssyncset.done $0x0  }
0x4cf: {  	[sflag:s6] =	ssyncadd.s32 $0xFFFFFC00  }
0x4d0: {  	[bflag:$0x0] =	sbarrier.arrive $0xFFFF  }
0x4d1: {  	s30 =	rddreg [dreg:$0x8]  }
0x4d2: {  	[hbm:s30], [sflag:s3] =	dma.local [spmem:s5], $0x280  }
0x4d3: {  	_ =	swait.ge [sflag:s4], $0x280  }
0x4d4: {  	[sflag:s4] =	ssyncset.done $0x0  }
0x4d5: {  	[sflag:s4] =	ssyncadd.s32 $0xFFFFFD80  }
0x4d6: {  	_ =	sfence.sel $0x180000  }
0x4d7: {  	[bflag:$0x0] =	sbarrier.arrive $0xFFFF  }
0x4d8: {  	_ =	strace $0x90000047  }
0x4d9: {  	s31 =	stileid.u32;
	[bflag:$0x2] =	sbarrier.arrive $0xFFFF  }
0x4da: {  	p0 =	sne.s32 s31, $0x0;
	s0 =	rddreg [dreg:$0x3]  }
0x4db: {  	s0 =	sadd.s32 @!p0 $0x100000, s0  }
0x4dc: {  	[sflag:s0] =	ssyncadd.tile.s32 @!p0 $0x1;
	_ =	shalt  }
.LBB2_6:
.Ltmp3:
0x4dd: {  	(pc) =	sbr.rel .LBB2_5-.Ltmp3, $2  }
0x4de: {  	_ =	sdelay $0x2  }
0x4df: {  	s15 =	simm.s32 $0x0  }
.Lfunc_end2:
_tile_overlayer_lowered:
.L_overlay_start_2:
0x4e0: {  	(tag) =	ssettag $0x2  }
0x4e1: {  	s0 =	rddreg [dreg:$0x0];
	s2 =	stileid.u32  }
0x4e2: {  	s1 =	rddreg [dreg:$0x1];
	p0 =	sne.s32 s2, $0x0  }
0x4e3: {  	s3 =	rddreg [dreg:$0x2];
	[bflag:$0x3] =	sbarrier.arrive $0xFFFF;
	s2 =	simm.s32 @!p0 $0x1C05  }
0x4e4: {  	[timem:s3], [sflag:s2] =	dma.local @!p0 [hbm:s0], s1  }
0x4e5: {  	s0 =	simm.s32 @!p0 $0x5  }
0x4e6: {  	_ =	swait.ge @!p0 [sflag:s0], s1  }
0x4e7: {  	s1 =	ssub.s32 @!p0 $0x0, s1;
	[sflag:s0] =	ssyncset.done @!p0 $0x0  }
0x4e8: {  	[sflag:s0] =	ssyncadd.s32 @!p0 s1  }
0x4e9: {  	[bflag:$0x3] =	sbarrier.arrive $0xFFFF  }
0x4ea: {  	_ =	shalt  }

</sc_bundles>
